<compile_context>
chip_gen: v7x
topology: tpu7x:2x2x1
jax: 0.10.2.dev20260603
libtpu: 0.0.44.dev20260713+nightly
codegen_flags: <defaults>
</compile_context>

<pallas_src>
import functools

import jax
import jax.numpy as jnp
from jax import lax
from jax.experimental import pallas as pl
from jax.experimental.pallas import tpu as pltpu
from jax.experimental.pallas import tpu_sc as plsc

N = 10000
E = 320000
NFEAT = 128
NHID = 128
NCLASS = 64

NC = 2
NS = 16
NW = NC * NS
EPW = E // NW
CHUNK = 128
NBUF = 4
NCHUNK = 80
EPWP = NCHUNK * CHUNK
NPAD = 10240
ROWS_PT = NPAD // NS
ZROWS = 128
D = 64


def _make_sc_segment_sum():
    mesh = plsc.VectorSubcoreMesh(core_axis_name="c", subcore_axis_name="s")

    @functools.partial(
        pl.kernel,
        out_type=jax.ShapeDtypeStruct((NC, NPAD, D), jnp.float32),
        mesh=mesh,
        compiler_params=pltpu.CompilerParams(use_tc_tiling_on_sc=False),
        scratch_types=[
            pltpu.VMEM((NCHUNK, CHUNK), jnp.int32),
            pltpu.VMEM((NCHUNK, CHUNK), jnp.int32),
            pltpu.VMEM((NBUF, CHUNK, D), jnp.float32),
            pltpu.VMEM((ZROWS, D), jnp.float32),
            pltpu.VMEM_SHARED((NPAD, D), jnp.float32),
            pltpu.SemaphoreType.DMA,
            pltpu.SemaphoreType.DMA,
        ],
    )
    def seg_sum(feat_hbm, edge_hbm, out_hbm, src_v, dst_v, rows_v, zero_v,
                acc_sh, gsem, ssem):
        cid = lax.axis_index("c")
        sid = lax.axis_index("s")
        wid = cid * NS + sid

        pltpu.sync_copy(edge_hbm.at[0, wid], src_v)
        pltpu.sync_copy(edge_hbm.at[1, wid], dst_v)

        zvec = jnp.zeros((16,), jnp.float32)

        def zrow(r, _):
            for u in range(D // 16):
                zero_v[r, pl.ds(u * 16, 16)] = zvec
            return 0


        def gather(ci, buf):
            pltpu.async_copy(feat_hbm.at[src_v.at[ci]], rows_v.at[buf], gsem)

        def gwait(ci, buf):
            pltpu.make_async_copy(
                feat_hbm.at[src_v.at[ci]], rows_v.at[buf], gsem).wait()

        def scat(ci, buf):
            pltpu.async_copy(rows_v.at[buf], acc_sh.at[dst_v.at[ci]], ssem,
                             add=True)

        def swait(ci, buf):
            pltpu.make_async_copy(rows_v.at[buf], acc_sh.at[dst_v.at[ci]],
                                  ssem).wait()

        for b in range(NBUF):
            gather(b, b)

        lax.fori_loop(0, ZROWS, zrow, 0)
        base = sid * ROWS_PT
        for t in range(ROWS_PT // ZROWS):
            pltpu.sync_copy(zero_v, acc_sh.at[pl.ds(base + t * ZROWS, ZROWS)])
        plsc.subcore_barrier()

        for c in range(2):
            gwait(c, c)
            scat(c, c)

        def step(c, _):
            bfree = lax.rem(c + 2, NBUF)
            swait(c - 2, bfree)
            gather(c + 2, bfree)
            b = lax.rem(c, NBUF)
            gwait(c, b)
            scat(c, b)
            return 0

        lax.fori_loop(2, NCHUNK - 2, step, 0)
        for c in range(NCHUNK - 2, NCHUNK):
            b = c % NBUF
            swait(c - 2, (c + 2) % NBUF)
            gwait(c, b)
            scat(c, b)
        for c in range(NCHUNK - 2, NCHUNK):
            swait(c, c % NBUF)

        plsc.subcore_barrier()
        pltpu.sync_copy(acc_sh.at[pl.ds(base, ROWS_PT)],
                        out_hbm.at[cid, pl.ds(base, ROWS_PT)])

    return seg_sum


_seg_sum = _make_sc_segment_sum()

_BR = 2000
_BR2 = 1024
NPK = NPAD // 2


def _tc_matmul(x, w):
    n, k = x.shape
    m = w.shape[1]

    def body(x_ref, w_ref, o_ref):
        o_ref[...] = jnp.dot(x_ref[...], w_ref[...],
                             preferred_element_type=jnp.float32)

    return pl.pallas_call(
        body,
        grid=(n // _BR,),
        in_specs=[pl.BlockSpec((_BR, k), lambda i: (i, 0)),
                  pl.BlockSpec((k, m), lambda i: (0, 0))],
        out_specs=pl.BlockSpec((_BR, m), lambda i: (i, 0)),
        out_shape=jax.ShapeDtypeStruct((NPAD, m), jnp.float32),
    )(x, w)


def _tc_relu_matmul(pa, pb, ba, bb, w):

    def body(pa_ref, pb_ref, ba_ref, bb_ref, w_ref, o_ref):
        qa = jnp.maximum(pa_ref[0] + pa_ref[1] + ba_ref[...], 0.0)
        qb = jnp.maximum(pb_ref[0] + pb_ref[1] + bb_ref[...], 0.0)
        wa = w_ref[:64]
        wb = w_ref[64:]
        out_e = (jnp.dot(qa[:, :64], wa, preferred_element_type=jnp.float32)
                 + jnp.dot(qb[:, :64], wb, preferred_element_type=jnp.float32))
        out_o = (jnp.dot(qa[:, 64:], wa, preferred_element_type=jnp.float32)
                 + jnp.dot(qb[:, 64:], wb, preferred_element_type=jnp.float32))
        o_ref[...] = jnp.concatenate([out_e, out_o], axis=1)

    return pl.pallas_call(
        body,
        grid=(NPK // _BR2,),
        in_specs=[pl.BlockSpec((2, _BR2, 128), lambda i: (0, i, 0)),
                  pl.BlockSpec((2, _BR2, 128), lambda i: (0, i, 0)),
                  pl.BlockSpec((1, 128), lambda i: (0, 0)),
                  pl.BlockSpec((1, 128), lambda i: (0, 0)),
                  pl.BlockSpec((128, 64), lambda i: (0, 0))],
        out_specs=pl.BlockSpec((_BR2, 128), lambda i: (i, 0)),
        out_shape=jax.ShapeDtypeStruct((NPAD, 128), jnp.float32),
    )(pa, pb, ba, bb, w)


def _tc_bias_log_softmax(q, b):
    npk2 = N // 2

    def half_lsm(z):
        zmax = jnp.max(z, axis=1, keepdims=True)
        e = jnp.exp(z - zmax)
        ssum = jnp.sum(e, axis=1, keepdims=True)
        return z - zmax - jnp.log(ssum)

    def body(q_ref, b_ref, o_ref):
        z = q_ref[0] + q_ref[1] + b_ref[...]
        o_ref[...] = jnp.concatenate(
            [half_lsm(z[:, :64]), half_lsm(z[:, 64:])], axis=1)

    return pl.pallas_call(
        body,
        grid=(1,),
        in_specs=[pl.BlockSpec((2, npk2, 128), lambda i: (0, 0, 0)),
                  pl.BlockSpec((1, 128), lambda i: (0, 0))],
        out_specs=pl.BlockSpec((npk2, 128), lambda i: (0, 0)),
        out_shape=jax.ShapeDtypeStruct((npk2, 128), jnp.float32),
    )(q, b)


def kernel(x, edge_index, W1, b1, W2, b2):
    e = edge_index.reshape(2, NW, EPW)
    pad = EPWP - EPW
    wids = jnp.arange(NW, dtype=jnp.int32)
    src_rows = (wids * 311) % N
    dst_rows = N + (wids * 7) % (NPAD - N)
    src_pad = jnp.broadcast_to(src_rows[None, :, None], (1, NW, pad))
    dst_pad = jnp.broadcast_to(dst_rows[None, :, None], (1, NW, pad))
    ed = jnp.concatenate(
        [e, jnp.concatenate([src_pad, dst_pad], axis=0)], axis=2)
    src, dst = ed[0], ed[1]
    edges_a = jnp.stack([2 * src, dst]).reshape(2, NW, NCHUNK, CHUNK)
    edges_b = jnp.stack([2 * src + 1, dst]).reshape(2, NW, NCHUNK, CHUNK)
    edges_c = ed.reshape(2, NW, NCHUNK, CHUNK)

    s1 = _tc_matmul(x, W1)
    s1v = s1.reshape(2 * NPAD, 64)
    p1a = _seg_sum(s1v, edges_a)
    p1b = _seg_sum(s1v, edges_b)
    b1a = jnp.concatenate([b1[:64], b1[:64]]).reshape(1, 128)
    b1b = jnp.concatenate([b1[64:], b1[64:]]).reshape(1, 128)
    s2 = _tc_relu_matmul(p1a.reshape(2, NPK, 128), p1b.reshape(2, NPK, 128),
                         b1a, b1b, W2)
    p2 = _seg_sum(s2.reshape(2 * NPAD, 64), edges_c)
    b2c = jnp.concatenate([b2, b2]).reshape(1, 128)
    out = _tc_bias_log_softmax(p2.reshape(2, NPK, 128), b2c)
    return out.reshape(N, NCLASS)

# --- scband reference (transcript-rebuilt; emitter-appended) ---
"""Pipeline reference for scband-gcn-15736760172909 (READ-ONLY COPY).

The authoritative reference and input builder live on the scoring server;
editing this copy changes nothing except your own understanding.
"""

import jax, jax.numpy as jnp
import numpy as np

N = 10000
E = 320000
NFEAT = 128
NHID = 128
NCLASS = 64


def setup_inputs(seed: int = 0) -> dict:
    key = jax.random.key(seed)
    ks = jax.random.split(key, 5)
    x = jax.random.normal(ks[0], (N, NFEAT), dtype=jnp.float32)
    edge_index = jax.random.randint(ks[1], (2, E), 0, N, dtype=jnp.int32)
    W1 = jax.random.normal(ks[2], (NFEAT, NHID), dtype=jnp.float32) * (1.0 / np.sqrt(NFEAT))
    b1 = jnp.zeros((NHID,), dtype=jnp.float32)
    W2 = jax.random.normal(ks[3], (NHID, NCLASS), dtype=jnp.float32) * (1.0 / np.sqrt(NHID))
    b2 = jnp.zeros((NCLASS,), dtype=jnp.float32)
    return {"x": x, "edge_index": edge_index, "W1": W1, "b1": b1, "W2": W2, "b2": b2}


def reference(x, edge_index, W1, b1, W2, b2):
    # GCN forward (eval mode: dropout is identity).
    # adj[0] and adj[1] are both represented by the same edge_index (sum aggregation
    # A @ H implemented as gather over src nodes + scatter-add onto dst nodes).
    src = edge_index[0]
    dst = edge_index[1]
    # Layer 1: GraphConvolution(nfeat, nhid)
    support1 = x @ W1
    agg1 = jax.ops.segment_sum(support1[src], dst, num_segments=N) + b1
    h1 = jax.nn.relu(agg1)
    # dropout (training=False) -> identity
    # Layer 2: GraphConvolution(nhid, nclass, skip=False)
    support2 = h1 @ W2
    agg2 = jax.ops.segment_sum(support2[src], dst, num_segments=N) + b2
    return jax.nn.log_softmax(agg2, axis=1)

if __name__ == "__main__":
    import jax
    _d = setup_inputs()
    print(jax.jit(kernel)(*tuple(_d.values())))

</pallas_src>

<mosaic_0001>
#map = affine_map<(d0, d1) -> (0, 0)>
#map1 = affine_map<(d0, d1) -> (0, 0, 0, 0)>
#map2 = affine_map<(d0, d1) -> (0, 0, 0)>
module attributes {stable_mosaic.version = 14 : i64} {
  func.func @seg_sum(%arg0: i32, %arg1: i32, %arg2: memref<20480x64xf32, #tpu.memory_space<hbm>>, %arg3: memref<2x32x80x128xi32, #tpu.memory_space<hbm>>, %arg4: memref<2x10240x64xf32, #tpu.memory_space<hbm>>, %arg5: memref<80x128xi32, #tpu.memory_space<vmem>>, %arg6: memref<80x128xi32, #tpu.memory_space<vmem>>, %arg7: memref<4x128x64xf32, #tpu.memory_space<vmem>>, %arg8: memref<128x64xf32, #tpu.memory_space<vmem>>, %arg9: memref<10240x64xf32, #tpu.memory_space<vmem_shared>>, %arg10: memref<!tpu.dma_semaphore, #tpu.memory_space<semaphore_mem>>, %arg11: memref<!tpu.dma_semaphore, #tpu.memory_space<semaphore_mem>>) attributes {dimension_semantics = [#tpu.dimension_semantics<core_parallel>, #tpu.dimension_semantics<subcore_parallel>], iteration_bounds = array<i64: 2, 16>, scalar_prefetch = 0 : i64, scratch_operands = 7 : i64, tpu.core_type = #tpu.core_type<sc_vector_subcore>, window_params = [{transform_indices = #map}, {transform_indices = #map1}, {transform_indices = #map2}]} {
    %mul3A = arith.constant 16 : i32
    %mul3A_0 = arith.muli %arg0, %mul3A : i32
    %add3A = arith.addi %mul3A_0, %arg1 : i32
    %run_scoped3A = arith.constant 0 : i32
    "tpu.region"() ({
      %run_scoped3A_219 = tpu.sem_alloc : memref<!tpu.dma_semaphore, #tpu.memory_space<semaphore_mem>>
      %dma_start3A_220 = arith.constant 0 : i32
      %dma_start3A_221 = arith.constant 0 : i32
      %dma_start3A_222 = tpu.memref_slice %arg3[%run_scoped3A, %add3A, %dma_start3A_220, %dma_start3A_221] : memref<2x32x80x128xi32, #tpu.memory_space<hbm>> -> memref<1x1x80x128xi32, #tpu.memory_space<hbm>>
      %dma_start3A_223 = tpu.memref_squeeze %dma_start3A_222 : memref<1x1x80x128xi32, #tpu.memory_space<hbm>> -> memref<80x128xi32, #tpu.memory_space<hbm>>
      %dma_start3A_224 = arith.constant 0 : i32
      %dma_start3A_225 = arith.constant 0 : i32
      %dma_start3A_226 = tpu.memref_slice %arg3[%run_scoped3A, %add3A, %dma_start3A_224, %dma_start3A_225] : memref<2x32x80x128xi32, #tpu.memory_space<hbm>> -> memref<1x1x80x128xi32, #tpu.memory_space<hbm>>
      %dma_start3A_227 = tpu.memref_squeeze %dma_start3A_226 : memref<1x1x80x128xi32, #tpu.memory_space<hbm>> -> memref<80x128xi32, #tpu.memory_space<hbm>>
      tpu.enqueue_dma source(%dma_start3A_227 : memref<80x128xi32, #tpu.memory_space<hbm>>) target(%arg5 : memref<80x128xi32, #tpu.memory_space<vmem>>) target_semaphore(%run_scoped3A_219 : memref<!tpu.dma_semaphore, #tpu.memory_space<semaphore_mem>>)
      %dma_wait3A_228 = arith.constant 0 : i32
      %dma_wait3A_229 = arith.constant 0 : i32
      %dma_wait3A_230 = tpu.memref_slice %arg3[%run_scoped3A, %add3A, %dma_wait3A_228, %dma_wait3A_229] : memref<2x32x80x128xi32, #tpu.memory_space<hbm>> -> memref<1x1x80x128xi32, #tpu.memory_space<hbm>>
      %dma_wait3A_231 = tpu.memref_squeeze %dma_wait3A_230 : memref<1x1x80x128xi32, #tpu.memory_space<hbm>> -> memref<80x128xi32, #tpu.memory_space<hbm>>
      %dma_wait3A_232 = arith.constant 0 : i32
      %dma_wait3A_233 = arith.constant 0 : i32
      %dma_wait3A_234 = tpu.memref_slice %arg3[%run_scoped3A, %add3A, %dma_wait3A_232, %dma_wait3A_233] : memref<2x32x80x128xi32, #tpu.memory_space<hbm>> -> memref<1x1x80x128xi32, #tpu.memory_space<hbm>>
      %dma_wait3A_235 = tpu.memref_squeeze %dma_wait3A_234 : memref<1x1x80x128xi32, #tpu.memory_space<hbm>> -> memref<80x128xi32, #tpu.memory_space<hbm>>
      tpu.wait_dma2 semaphore(%run_scoped3A_219 : memref<!tpu.dma_semaphore, #tpu.memory_space<semaphore_mem>>) src(%dma_wait3A_235 : memref<80x128xi32, #tpu.memory_space<hbm>>) dst(%arg5 : memref<80x128xi32, #tpu.memory_space<vmem>>)
      tpu.yield
    }) : () -> ()
    %run_scoped3A_1 = arith.constant 1 : i32
    "tpu.region"() ({
      %run_scoped3A_219 = tpu.sem_alloc : memref<!tpu.dma_semaphore, #tpu.memory_space<semaphore_mem>>
      %dma_start3A_220 = arith.constant 0 : i32
      %dma_start3A_221 = arith.constant 0 : i32
      %dma_start3A_222 = tpu.memref_slice %arg3[%run_scoped3A_1, %add3A, %dma_start3A_220, %dma_start3A_221] : memref<2x32x80x128xi32, #tpu.memory_space<hbm>> -> memref<1x1x80x128xi32, #tpu.memory_space<hbm>>
      %dma_start3A_223 = tpu.memref_squeeze %dma_start3A_222 : memref<1x1x80x128xi32, #tpu.memory_space<hbm>> -> memref<80x128xi32, #tpu.memory_space<hbm>>
      %dma_start3A_224 = arith.constant 0 : i32
      %dma_start3A_225 = arith.constant 0 : i32
      %dma_start3A_226 = tpu.memref_slice %arg3[%run_scoped3A_1, %add3A, %dma_start3A_224, %dma_start3A_225] : memref<2x32x80x128xi32, #tpu.memory_space<hbm>> -> memref<1x1x80x128xi32, #tpu.memory_space<hbm>>
      %dma_start3A_227 = tpu.memref_squeeze %dma_start3A_226 : memref<1x1x80x128xi32, #tpu.memory_space<hbm>> -> memref<80x128xi32, #tpu.memory_space<hbm>>
      tpu.enqueue_dma source(%dma_start3A_227 : memref<80x128xi32, #tpu.memory_space<hbm>>) target(%arg6 : memref<80x128xi32, #tpu.memory_space<vmem>>) target_semaphore(%run_scoped3A_219 : memref<!tpu.dma_semaphore, #tpu.memory_space<semaphore_mem>>)
      %dma_wait3A_228 = arith.constant 0 : i32
      %dma_wait3A_229 = arith.constant 0 : i32
      %dma_wait3A_230 = tpu.memref_slice %arg3[%run_scoped3A_1, %add3A, %dma_wait3A_228, %dma_wait3A_229] : memref<2x32x80x128xi32, #tpu.memory_space<hbm>> -> memref<1x1x80x128xi32, #tpu.memory_space<hbm>>
      %dma_wait3A_231 = tpu.memref_squeeze %dma_wait3A_230 : memref<1x1x80x128xi32, #tpu.memory_space<hbm>> -> memref<80x128xi32, #tpu.memory_space<hbm>>
      %dma_wait3A_232 = arith.constant 0 : i32
      %dma_wait3A_233 = arith.constant 0 : i32
      %dma_wait3A_234 = tpu.memref_slice %arg3[%run_scoped3A_1, %add3A, %dma_wait3A_232, %dma_wait3A_233] : memref<2x32x80x128xi32, #tpu.memory_space<hbm>> -> memref<1x1x80x128xi32, #tpu.memory_space<hbm>>
      %dma_wait3A_235 = tpu.memref_squeeze %dma_wait3A_234 : memref<1x1x80x128xi32, #tpu.memory_space<hbm>> -> memref<80x128xi32, #tpu.memory_space<hbm>>
      tpu.wait_dma2 semaphore(%run_scoped3A_219 : memref<!tpu.dma_semaphore, #tpu.memory_space<semaphore_mem>>) src(%dma_wait3A_235 : memref<80x128xi32, #tpu.memory_space<hbm>>) dst(%arg6 : memref<80x128xi32, #tpu.memory_space<vmem>>)
      tpu.yield
    }) : () -> ()
    %broadcast_in_dim3A = arith.constant 0.000000e+00 : f32
    %broadcast_in_dim3A_2 = vector.broadcast %broadcast_in_dim3A : f32 to vector<16xf32>
    %dma_start3A = arith.constant 0 : i32
    %dma_start3A_3 = arith.constant 0 : i32
    %dma_start3A_4 = arith.constant 0 : i32
    %dma_start3A_5 = arith.constant 0 : i32
    %dma_start3A_6 = tpu.memref_slice %arg7[%dma_start3A_3, %dma_start3A_4, %dma_start3A_5] : memref<4x128x64xf32, #tpu.memory_space<vmem>> -> memref<1x128x64xf32, #tpu.memory_space<vmem>>
    %dma_start3A_7 = tpu.memref_squeeze %dma_start3A_6 : memref<1x128x64xf32, #tpu.memory_space<vmem>> -> memref<128x64xf32, #tpu.memory_space<vmem>>
    %dma_start3A_8 = arith.constant 0 : i32
    %dma_start3A_9 = tpu.memref_slice %arg5[%dma_start3A, %dma_start3A_8] : memref<80x128xi32, #tpu.memory_space<vmem>> -> memref<1x128xi32, #tpu.memory_space<vmem>>
    %dma_start3A_10 = tpu.memref_squeeze %dma_start3A_9 : memref<1x128xi32, #tpu.memory_space<vmem>> -> memref<128xi32, #tpu.memory_space<vmem>>
    %dma_start3A_11 = arith.constant 0 : i32
    %dma_start3A_12 = arith.constant 0 : i32
    %dma_start3A_13 = tpu.memref_slice %arg2[%dma_start3A_11, %dma_start3A_12] : memref<20480x64xf32, #tpu.memory_space<hbm>> -> memref<20480x64xf32, #tpu.memory_space<hbm>>
    tpu.enqueue_indirect_dma source(%dma_start3A_13 : memref<20480x64xf32, #tpu.memory_space<hbm>>) target(%dma_start3A_7 : memref<128x64xf32, #tpu.memory_space<vmem>>) offsets(%dma_start3A_10 : memref<128xi32, #tpu.memory_space<vmem>>) semaphore(%arg10 : memref<!tpu.dma_semaphore, #tpu.memory_space<semaphore_mem>>)
    %dma_start3A_14 = arith.constant 1 : i32
    %dma_start3A_15 = arith.constant 1 : i32
    %dma_start3A_16 = arith.constant 0 : i32
    %dma_start3A_17 = arith.constant 0 : i32
    %dma_start3A_18 = tpu.memref_slice %arg7[%dma_start3A_15, %dma_start3A_16, %dma_start3A_17] : memref<4x128x64xf32, #tpu.memory_space<vmem>> -> memref<1x128x64xf32, #tpu.memory_space<vmem>>
    %dma_start3A_19 = tpu.memref_squeeze %dma_start3A_18 : memref<1x128x64xf32, #tpu.memory_space<vmem>> -> memref<128x64xf32, #tpu.memory_space<vmem>>
    %dma_start3A_20 = arith.constant 0 : i32
    %dma_start3A_21 = tpu.memref_slice %arg5[%dma_start3A_14, %dma_start3A_20] : memref<80x128xi32, #tpu.memory_space<vmem>> -> memref<1x128xi32, #tpu.memory_space<vmem>>
    %dma_start3A_22 = tpu.memref_squeeze %dma_start3A_21 : memref<1x128xi32, #tpu.memory_space<vmem>> -> memref<128xi32, #tpu.memory_space<vmem>>
    %dma_start3A_23 = arith.constant 0 : i32
    %dma_start3A_24 = arith.constant 0 : i32
    %dma_start3A_25 = tpu.memref_slice %arg2[%dma_start3A_23, %dma_start3A_24] : memref<20480x64xf32, #tpu.memory_space<hbm>> -> memref<20480x64xf32, #tpu.memory_space<hbm>>
    tpu.enqueue_indirect_dma source(%dma_start3A_25 : memref<20480x64xf32, #tpu.memory_space<hbm>>) target(%dma_start3A_19 : memref<128x64xf32, #tpu.memory_space<vmem>>) offsets(%dma_start3A_22 : memref<128xi32, #tpu.memory_space<vmem>>) semaphore(%arg10 : memref<!tpu.dma_semaphore, #tpu.memory_space<semaphore_mem>>)
    %dma_start3A_26 = arith.constant 2 : i32
    %dma_start3A_27 = arith.constant 2 : i32
    %dma_start3A_28 = arith.constant 0 : i32
    %dma_start3A_29 = arith.constant 0 : i32
    %dma_start3A_30 = tpu.memref_slice %arg7[%dma_start3A_27, %dma_start3A_28, %dma_start3A_29] : memref<4x128x64xf32, #tpu.memory_space<vmem>> -> memref<1x128x64xf32, #tpu.memory_space<vmem>>
    %dma_start3A_31 = tpu.memref_squeeze %dma_start3A_30 : memref<1x128x64xf32, #tpu.memory_space<vmem>> -> memref<128x64xf32, #tpu.memory_space<vmem>>
    %dma_start3A_32 = arith.constant 0 : i32
    %dma_start3A_33 = tpu.memref_slice %arg5[%dma_start3A_26, %dma_start3A_32] : memref<80x128xi32, #tpu.memory_space<vmem>> -> memref<1x128xi32, #tpu.memory_space<vmem>>
    %dma_start3A_34 = tpu.memref_squeeze %dma_start3A_33 : memref<1x128xi32, #tpu.memory_space<vmem>> -> memref<128xi32, #tpu.memory_space<vmem>>
    %dma_start3A_35 = arith.constant 0 : i32
    %dma_start3A_36 = arith.constant 0 : i32
    %dma_start3A_37 = tpu.memref_slice %arg2[%dma_start3A_35, %dma_start3A_36] : memref<20480x64xf32, #tpu.memory_space<hbm>> -> memref<20480x64xf32, #tpu.memory_space<hbm>>
    tpu.enqueue_indirect_dma source(%dma_start3A_37 : memref<20480x64xf32, #tpu.memory_space<hbm>>) target(%dma_start3A_31 : memref<128x64xf32, #tpu.memory_space<vmem>>) offsets(%dma_start3A_34 : memref<128xi32, #tpu.memory_space<vmem>>) semaphore(%arg10 : memref<!tpu.dma_semaphore, #tpu.memory_space<semaphore_mem>>)
    %dma_start3A_38 = arith.constant 3 : i32
    %dma_start3A_39 = arith.constant 3 : i32
    %dma_start3A_40 = arith.constant 0 : i32
    %dma_start3A_41 = arith.constant 0 : i32
    %dma_start3A_42 = tpu.memref_slice %arg7[%dma_start3A_39, %dma_start3A_40, %dma_start3A_41] : memref<4x128x64xf32, #tpu.memory_space<vmem>> -> memref<1x128x64xf32, #tpu.memory_space<vmem>>
    %dma_start3A_43 = tpu.memref_squeeze %dma_start3A_42 : memref<1x128x64xf32, #tpu.memory_space<vmem>> -> memref<128x64xf32, #tpu.memory_space<vmem>>
    %dma_start3A_44 = arith.constant 0 : i32
    %dma_start3A_45 = tpu.memref_slice %arg5[%dma_start3A_38, %dma_start3A_44] : memref<80x128xi32, #tpu.memory_space<vmem>> -> memref<1x128xi32, #tpu.memory_space<vmem>>
    %dma_start3A_46 = tpu.memref_squeeze %dma_start3A_45 : memref<1x128xi32, #tpu.memory_space<vmem>> -> memref<128xi32, #tpu.memory_space<vmem>>
    %dma_start3A_47 = arith.constant 0 : i32
    %dma_start3A_48 = arith.constant 0 : i32
    %dma_start3A_49 = tpu.memref_slice %arg2[%dma_start3A_47, %dma_start3A_48] : memref<20480x64xf32, #tpu.memory_space<hbm>> -> memref<20480x64xf32, #tpu.memory_space<hbm>>
    tpu.enqueue_indirect_dma source(%dma_start3A_49 : memref<20480x64xf32, #tpu.memory_space<hbm>>) target(%dma_start3A_43 : memref<128x64xf32, #tpu.memory_space<vmem>>) offsets(%dma_start3A_46 : memref<128xi32, #tpu.memory_space<vmem>>) semaphore(%arg10 : memref<!tpu.dma_semaphore, #tpu.memory_space<semaphore_mem>>)
    %scan3A = arith.constant 0 : i32
    %scan3A_50 = arith.constant 0 : i32
    %scan3A_51 = arith.constant 128 : i32
    %scan3A_52 = arith.addi %scan3A_50, %scan3A_51 : i32
    %scan3A_53 = arith.constant 1 : i32
    %scan3A_54 = scf.for %scan3A_219 = %scan3A_50 to %scan3A_52 step %scan3A_53 iter_args(%scan3A_220 = %scan3A) -> (i32)  : i32 {
      %swap3A = arith.index_cast %scan3A_219 : i32 to index
      %swap3A_221 = arith.constant 0 : index
      %swap3A_222 = tpu.vector_load %arg8[%swap3A, %swap3A_221] {strides = array<i32>} : memref<128x64xf32, #tpu.memory_space<vmem>>, vector<1x16xf32>,
      %swap3A_223 = vector.shape_cast %swap3A_222 : vector<1x16xf32> to vector<16xf32>
      %swap3A_224 = vector.shape_cast %broadcast_in_dim3A_2 : vector<16xf32> to vector<1x16xf32>
      tpu.vector_store %arg8[%swap3A, %swap3A_221], %swap3A_224 {strides = array<i32>} : memref<128x64xf32, #tpu.memory_space<vmem>>, vector<1x16xf32>,
      %swap3A_225 = arith.index_cast %scan3A_219 : i32 to index
      %swap3A_226 = arith.constant 16 : index
      %swap3A_227 = tpu.vector_load %arg8[%swap3A_225, %swap3A_226] {strides = array<i32>} : memref<128x64xf32, #tpu.memory_space<vmem>>, vector<1x16xf32>,
      %swap3A_228 = vector.shape_cast %swap3A_227 : vector<1x16xf32> to vector<16xf32>
      %swap3A_229 = vector.shape_cast %broadcast_in_dim3A_2 : vector<16xf32> to vector<1x16xf32>
      tpu.vector_store %arg8[%swap3A_225, %swap3A_226], %swap3A_229 {strides = array<i32>} : memref<128x64xf32, #tpu.memory_space<vmem>>, vector<1x16xf32>,
      %swap3A_230 = arith.index_cast %scan3A_219 : i32 to index
      %swap3A_231 = arith.constant 32 : index
      %swap3A_232 = tpu.vector_load %arg8[%swap3A_230, %swap3A_231] {strides = array<i32>} : memref<128x64xf32, #tpu.memory_space<vmem>>, vector<1x16xf32>,
      %swap3A_233 = vector.shape_cast %swap3A_232 : vector<1x16xf32> to vector<16xf32>
      %swap3A_234 = vector.shape_cast %broadcast_in_dim3A_2 : vector<16xf32> to vector<1x16xf32>
      tpu.vector_store %arg8[%swap3A_230, %swap3A_231], %swap3A_234 {strides = array<i32>} : memref<128x64xf32, #tpu.memory_space<vmem>>, vector<1x16xf32>,
      %swap3A_235 = arith.index_cast %scan3A_219 : i32 to index
      %swap3A_236 = arith.constant 48 : index
      %swap3A_237 = tpu.vector_load %arg8[%swap3A_235, %swap3A_236] {strides = array<i32>} : memref<128x64xf32, #tpu.memory_space<vmem>>, vector<1x16xf32>,
      %swap3A_238 = vector.shape_cast %swap3A_237 : vector<1x16xf32> to vector<16xf32>
      %swap3A_239 = vector.shape_cast %broadcast_in_dim3A_2 : vector<16xf32> to vector<1x16xf32>
      tpu.vector_store %arg8[%swap3A_235, %swap3A_236], %swap3A_239 {strides = array<i32>} : memref<128x64xf32, #tpu.memory_space<vmem>>, vector<1x16xf32>,
      %scan3A_240 = arith.constant 0 : i32
      scf.yield %scan3A_240 : i32
    }
    %scan3A_55 = arith.constant 128 : i32
    %mul3A_56 = arith.constant 640 : i32
    %mul3A_57 = arith.muli %arg1, %mul3A_56 : i32
    %add3A_58 = arith.constant 0 : i32
    %add3A_59 = arith.addi %mul3A_57, %add3A_58 : i32
    "tpu.region"() ({
      %run_scoped3A_219 = tpu.sem_alloc : memref<!tpu.dma_semaphore, #tpu.memory_space<semaphore_mem>>
      %dma_start3A_220 = arith.constant 0 : i32
      %dma_start3A_221 = tpu.memref_slice %arg9[%add3A_59, %dma_start3A_220] : memref<10240x64xf32, #tpu.memory_space<vmem_shared>> -> memref<128x64xf32, #tpu.memory_space<vmem_shared>>
      %dma_start3A_222 = arith.constant 0 : i32
      %dma_start3A_223 = tpu.memref_slice %arg9[%add3A_59, %dma_start3A_222] : memref<10240x64xf32, #tpu.memory_space<vmem_shared>> -> memref<128x64xf32, #tpu.memory_space<vmem_shared>>
      tpu.enqueue_dma source(%arg8 : memref<128x64xf32, #tpu.memory_space<vmem>>) target(%dma_start3A_223 : memref<128x64xf32, #tpu.memory_space<vmem_shared>>) target_semaphore(%run_scoped3A_219 : memref<!tpu.dma_semaphore, #tpu.memory_space<semaphore_mem>>)
      %dma_wait3A_224 = arith.constant 0 : i32
      %dma_wait3A_225 = tpu.memref_slice %arg9[%add3A_59, %dma_wait3A_224] : memref<10240x64xf32, #tpu.memory_space<vmem_shared>> -> memref<128x64xf32, #tpu.memory_space<vmem_shared>>
      %dma_wait3A_226 = arith.constant 0 : i32
      %dma_wait3A_227 = tpu.memref_slice %arg9[%add3A_59, %dma_wait3A_226] : memref<10240x64xf32, #tpu.memory_space<vmem_shared>> -> memref<128x64xf32, #tpu.memory_space<vmem_shared>>
      tpu.wait_dma2 semaphore(%run_scoped3A_219 : memref<!tpu.dma_semaphore, #tpu.memory_space<semaphore_mem>>) src(%arg8 : memref<128x64xf32, #tpu.memory_space<vmem>>) dst(%dma_wait3A_227 : memref<128x64xf32, #tpu.memory_space<vmem_shared>>)
      tpu.yield
    }) : () -> ()
    %add3A_60 = arith.constant 128 : i32
    %add3A_61 = arith.addi %mul3A_57, %add3A_60 : i32
    "tpu.region"() ({
      %run_scoped3A_219 = tpu.sem_alloc : memref<!tpu.dma_semaphore, #tpu.memory_space<semaphore_mem>>
      %dma_start3A_220 = arith.constant 0 : i32
      %dma_start3A_221 = tpu.memref_slice %arg9[%add3A_61, %dma_start3A_220] : memref<10240x64xf32, #tpu.memory_space<vmem_shared>> -> memref<128x64xf32, #tpu.memory_space<vmem_shared>>
      %dma_start3A_222 = arith.constant 0 : i32
      %dma_start3A_223 = tpu.memref_slice %arg9[%add3A_61, %dma_start3A_222] : memref<10240x64xf32, #tpu.memory_space<vmem_shared>> -> memref<128x64xf32, #tpu.memory_space<vmem_shared>>
      tpu.enqueue_dma source(%arg8 : memref<128x64xf32, #tpu.memory_space<vmem>>) target(%dma_start3A_223 : memref<128x64xf32, #tpu.memory_space<vmem_shared>>) target_semaphore(%run_scoped3A_219 : memref<!tpu.dma_semaphore, #tpu.memory_space<semaphore_mem>>)
      %dma_wait3A_224 = arith.constant 0 : i32
      %dma_wait3A_225 = tpu.memref_slice %arg9[%add3A_61, %dma_wait3A_224] : memref<10240x64xf32, #tpu.memory_space<vmem_shared>> -> memref<128x64xf32, #tpu.memory_space<vmem_shared>>
      %dma_wait3A_226 = arith.constant 0 : i32
      %dma_wait3A_227 = tpu.memref_slice %arg9[%add3A_61, %dma_wait3A_226] : memref<10240x64xf32, #tpu.memory_space<vmem_shared>> -> memref<128x64xf32, #tpu.memory_space<vmem_shared>>
      tpu.wait_dma2 semaphore(%run_scoped3A_219 : memref<!tpu.dma_semaphore, #tpu.memory_space<semaphore_mem>>) src(%arg8 : memref<128x64xf32, #tpu.memory_space<vmem>>) dst(%dma_wait3A_227 : memref<128x64xf32, #tpu.memory_space<vmem_shared>>)
      tpu.yield
    }) : () -> ()
    %add3A_62 = arith.constant 256 : i32
    %add3A_63 = arith.addi %mul3A_57, %add3A_62 : i32
    "tpu.region"() ({
      %run_scoped3A_219 = tpu.sem_alloc : memref<!tpu.dma_semaphore, #tpu.memory_space<semaphore_mem>>
      %dma_start3A_220 = arith.constant 0 : i32
      %dma_start3A_221 = tpu.memref_slice %arg9[%add3A_63, %dma_start3A_220] : memref<10240x64xf32, #tpu.memory_space<vmem_shared>> -> memref<128x64xf32, #tpu.memory_space<vmem_shared>>
      %dma_start3A_222 = arith.constant 0 : i32
      %dma_start3A_223 = tpu.memref_slice %arg9[%add3A_63, %dma_start3A_222] : memref<10240x64xf32, #tpu.memory_space<vmem_shared>> -> memref<128x64xf32, #tpu.memory_space<vmem_shared>>
      tpu.enqueue_dma source(%arg8 : memref<128x64xf32, #tpu.memory_space<vmem>>) target(%dma_start3A_223 : memref<128x64xf32, #tpu.memory_space<vmem_shared>>) target_semaphore(%run_scoped3A_219 : memref<!tpu.dma_semaphore, #tpu.memory_space<semaphore_mem>>)
      %dma_wait3A_224 = arith.constant 0 : i32
      %dma_wait3A_225 = tpu.memref_slice %arg9[%add3A_63, %dma_wait3A_224] : memref<10240x64xf32, #tpu.memory_space<vmem_shared>> -> memref<128x64xf32, #tpu.memory_space<vmem_shared>>
      %dma_wait3A_226 = arith.constant 0 : i32
      %dma_wait3A_227 = tpu.memref_slice %arg9[%add3A_63, %dma_wait3A_226] : memref<10240x64xf32, #tpu.memory_space<vmem_shared>> -> memref<128x64xf32, #tpu.memory_space<vmem_shared>>
      tpu.wait_dma2 semaphore(%run_scoped3A_219 : memref<!tpu.dma_semaphore, #tpu.memory_space<semaphore_mem>>) src(%arg8 : memref<128x64xf32, #tpu.memory_space<vmem>>) dst(%dma_wait3A_227 : memref<128x64xf32, #tpu.memory_space<vmem_shared>>)
      tpu.yield
    }) : () -> ()
    %add3A_64 = arith.constant 384 : i32
    %add3A_65 = arith.addi %mul3A_57, %add3A_64 : i32
    "tpu.region"() ({
      %run_scoped3A_219 = tpu.sem_alloc : memref<!tpu.dma_semaphore, #tpu.memory_space<semaphore_mem>>
      %dma_start3A_220 = arith.constant 0 : i32
      %dma_start3A_221 = tpu.memref_slice %arg9[%add3A_65, %dma_start3A_220] : memref<10240x64xf32, #tpu.memory_space<vmem_shared>> -> memref<128x64xf32, #tpu.memory_space<vmem_shared>>
      %dma_start3A_222 = arith.constant 0 : i32
      %dma_start3A_223 = tpu.memref_slice %arg9[%add3A_65, %dma_start3A_222] : memref<10240x64xf32, #tpu.memory_space<vmem_shared>> -> memref<128x64xf32, #tpu.memory_space<vmem_shared>>
      tpu.enqueue_dma source(%arg8 : memref<128x64xf32, #tpu.memory_space<vmem>>) target(%dma_start3A_223 : memref<128x64xf32, #tpu.memory_space<vmem_shared>>) target_semaphore(%run_scoped3A_219 : memref<!tpu.dma_semaphore, #tpu.memory_space<semaphore_mem>>)
      %dma_wait3A_224 = arith.constant 0 : i32
      %dma_wait3A_225 = tpu.memref_slice %arg9[%add3A_65, %dma_wait3A_224] : memref<10240x64xf32, #tpu.memory_space<vmem_shared>> -> memref<128x64xf32, #tpu.memory_space<vmem_shared>>
      %dma_wait3A_226 = arith.constant 0 : i32
      %dma_wait3A_227 = tpu.memref_slice %arg9[%add3A_65, %dma_wait3A_226] : memref<10240x64xf32, #tpu.memory_space<vmem_shared>> -> memref<128x64xf32, #tpu.memory_space<vmem_shared>>
      tpu.wait_dma2 semaphore(%run_scoped3A_219 : memref<!tpu.dma_semaphore, #tpu.memory_space<semaphore_mem>>) src(%arg8 : memref<128x64xf32, #tpu.memory_space<vmem>>) dst(%dma_wait3A_227 : memref<128x64xf32, #tpu.memory_space<vmem_shared>>)
      tpu.yield
    }) : () -> ()
    %add3A_66 = arith.constant 512 : i32
    %add3A_67 = arith.addi %mul3A_57, %add3A_66 : i32
    "tpu.region"() ({
      %run_scoped3A_219 = tpu.sem_alloc : memref<!tpu.dma_semaphore, #tpu.memory_space<semaphore_mem>>
      %dma_start3A_220 = arith.constant 0 : i32
      %dma_start3A_221 = tpu.memref_slice %arg9[%add3A_67, %dma_start3A_220] : memref<10240x64xf32, #tpu.memory_space<vmem_shared>> -> memref<128x64xf32, #tpu.memory_space<vmem_shared>>
      %dma_start3A_222 = arith.constant 0 : i32
      %dma_start3A_223 = tpu.memref_slice %arg9[%add3A_67, %dma_start3A_222] : memref<10240x64xf32, #tpu.memory_space<vmem_shared>> -> memref<128x64xf32, #tpu.memory_space<vmem_shared>>
      tpu.enqueue_dma source(%arg8 : memref<128x64xf32, #tpu.memory_space<vmem>>) target(%dma_start3A_223 : memref<128x64xf32, #tpu.memory_space<vmem_shared>>) target_semaphore(%run_scoped3A_219 : memref<!tpu.dma_semaphore, #tpu.memory_space<semaphore_mem>>)
      %dma_wait3A_224 = arith.constant 0 : i32
      %dma_wait3A_225 = tpu.memref_slice %arg9[%add3A_67, %dma_wait3A_224] : memref<10240x64xf32, #tpu.memory_space<vmem_shared>> -> memref<128x64xf32, #tpu.memory_space<vmem_shared>>
      %dma_wait3A_226 = arith.constant 0 : i32
      %dma_wait3A_227 = tpu.memref_slice %arg9[%add3A_67, %dma_wait3A_226] : memref<10240x64xf32, #tpu.memory_space<vmem_shared>> -> memref<128x64xf32, #tpu.memory_space<vmem_shared>>
      tpu.wait_dma2 semaphore(%run_scoped3A_219 : memref<!tpu.dma_semaphore, #tpu.memory_space<semaphore_mem>>) src(%arg8 : memref<128x64xf32, #tpu.memory_space<vmem>>) dst(%dma_wait3A_227 : memref<128x64xf32, #tpu.memory_space<vmem_shared>>)
      tpu.yield
    }) : () -> ()
    %barrier3A = arith.constant 0 : index
    tpu.barrier barrier_id(%barrier3A)
    %dma_wait3A = arith.constant 0 : i32
    %dma_wait3A_68 = arith.constant 0 : i32
    %dma_wait3A_69 = arith.constant 0 : i32
    %dma_wait3A_70 = arith.constant 0 : i32
    %dma_wait3A_71 = tpu.memref_slice %arg7[%dma_wait3A_68, %dma_wait3A_69, %dma_wait3A_70] : memref<4x128x64xf32, #tpu.memory_space<vmem>> -> memref<1x128x64xf32, #tpu.memory_space<vmem>>
    %dma_wait3A_72 = tpu.memref_squeeze %dma_wait3A_71 : memref<1x128x64xf32, #tpu.memory_space<vmem>> -> memref<128x64xf32, #tpu.memory_space<vmem>>
    %dma_wait3A_73 = arith.constant 0 : i32
    %dma_wait3A_74 = tpu.memref_slice %arg5[%dma_wait3A, %dma_wait3A_73] : memref<80x128xi32, #tpu.memory_space<vmem>> -> memref<1x128xi32, #tpu.memory_space<vmem>>
    %dma_wait3A_75 = tpu.memref_squeeze %dma_wait3A_74 : memref<1x128xi32, #tpu.memory_space<vmem>> -> memref<128xi32, #tpu.memory_space<vmem>>
    %dma_wait3A_76 = arith.constant 0 : i32
    %dma_wait3A_77 = arith.constant 0 : i32
    %dma_wait3A_78 = tpu.memref_slice %arg2[%dma_wait3A_76, %dma_wait3A_77] : memref<20480x64xf32, #tpu.memory_space<hbm>> -> memref<20480x64xf32, #tpu.memory_space<hbm>>
    tpu.wait_indirect_dma semaphore(%arg10 : memref<!tpu.dma_semaphore, #tpu.memory_space<semaphore_mem>>) src(%dma_wait3A_78 : memref<20480x64xf32, #tpu.memory_space<hbm>>) dst(%dma_wait3A_72 : memref<128x64xf32, #tpu.memory_space<vmem>>)
    %dma_start3A_79 = arith.constant 0 : i32
    %dma_start3A_80 = arith.constant 0 : i32
    %dma_start3A_81 = arith.constant 0 : i32
    %dma_start3A_82 = arith.constant 0 : i32
    %dma_start3A_83 = tpu.memref_slice %arg7[%dma_start3A_79, %dma_start3A_81, %dma_start3A_82] : memref<4x128x64xf32, #tpu.memory_space<vmem>> -> memref<1x128x64xf32, #tpu.memory_space<vmem>>
    %dma_start3A_84 = tpu.memref_squeeze %dma_start3A_83 : memref<1x128x64xf32, #tpu.memory_space<vmem>> -> memref<128x64xf32, #tpu.memory_space<vmem>>
    %dma_start3A_85 = arith.constant 0 : i32
    %dma_start3A_86 = tpu.memref_slice %arg6[%dma_start3A_80, %dma_start3A_85] : memref<80x128xi32, #tpu.memory_space<vmem>> -> memref<1x128xi32, #tpu.memory_space<vmem>>
    %dma_start3A_87 = tpu.memref_squeeze %dma_start3A_86 : memref<1x128xi32, #tpu.memory_space<vmem>> -> memref<128xi32, #tpu.memory_space<vmem>>
    %dma_start3A_88 = arith.constant 0 : i32
    %dma_start3A_89 = arith.constant 0 : i32
    %dma_start3A_90 = tpu.memref_slice %arg9[%dma_start3A_88, %dma_start3A_89] : memref<10240x64xf32, #tpu.memory_space<vmem_shared>> -> memref<10240x64xf32, #tpu.memory_space<vmem_shared>>
    tpu.enqueue_indirect_dma source(%dma_start3A_84 : memref<128x64xf32, #tpu.memory_space<vmem>>) target(%dma_start3A_90 : memref<10240x64xf32, #tpu.memory_space<vmem_shared>>) offsets(%dma_start3A_87 : memref<128xi32, #tpu.memory_space<vmem>>) semaphore(%arg11 : memref<!tpu.dma_semaphore, #tpu.memory_space<semaphore_mem>>) {add = true}
    %dma_wait3A_91 = arith.constant 1 : i32
    %dma_wait3A_92 = arith.constant 1 : i32
    %dma_wait3A_93 = arith.constant 0 : i32
    %dma_wait3A_94 = arith.constant 0 : i32
    %dma_wait3A_95 = tpu.memref_slice %arg7[%dma_wait3A_92, %dma_wait3A_93, %dma_wait3A_94] : memref<4x128x64xf32, #tpu.memory_space<vmem>> -> memref<1x128x64xf32, #tpu.memory_space<vmem>>
    %dma_wait3A_96 = tpu.memref_squeeze %dma_wait3A_95 : memref<1x128x64xf32, #tpu.memory_space<vmem>> -> memref<128x64xf32, #tpu.memory_space<vmem>>
    %dma_wait3A_97 = arith.constant 0 : i32
    %dma_wait3A_98 = tpu.memref_slice %arg5[%dma_wait3A_91, %dma_wait3A_97] : memref<80x128xi32, #tpu.memory_space<vmem>> -> memref<1x128xi32, #tpu.memory_space<vmem>>
    %dma_wait3A_99 = tpu.memref_squeeze %dma_wait3A_98 : memref<1x128xi32, #tpu.memory_space<vmem>> -> memref<128xi32, #tpu.memory_space<vmem>>
    %dma_wait3A_100 = arith.constant 0 : i32
    %dma_wait3A_101 = arith.constant 0 : i32
    %dma_wait3A_102 = tpu.memref_slice %arg2[%dma_wait3A_100, %dma_wait3A_101] : memref<20480x64xf32, #tpu.memory_space<hbm>> -> memref<20480x64xf32, #tpu.memory_space<hbm>>
    tpu.wait_indirect_dma semaphore(%arg10 : memref<!tpu.dma_semaphore, #tpu.memory_space<semaphore_mem>>) src(%dma_wait3A_102 : memref<20480x64xf32, #tpu.memory_space<hbm>>) dst(%dma_wait3A_96 : memref<128x64xf32, #tpu.memory_space<vmem>>)
    %dma_start3A_103 = arith.constant 1 : i32
    %dma_start3A_104 = arith.constant 1 : i32
    %dma_start3A_105 = arith.constant 0 : i32
    %dma_start3A_106 = arith.constant 0 : i32
    %dma_start3A_107 = tpu.memref_slice %arg7[%dma_start3A_103, %dma_start3A_105, %dma_start3A_106] : memref<4x128x64xf32, #tpu.memory_space<vmem>> -> memref<1x128x64xf32, #tpu.memory_space<vmem>>
    %dma_start3A_108 = tpu.memref_squeeze %dma_start3A_107 : memref<1x128x64xf32, #tpu.memory_space<vmem>> -> memref<128x64xf32, #tpu.memory_space<vmem>>
    %dma_start3A_109 = arith.constant 0 : i32
    %dma_start3A_110 = tpu.memref_slice %arg6[%dma_start3A_104, %dma_start3A_109] : memref<80x128xi32, #tpu.memory_space<vmem>> -> memref<1x128xi32, #tpu.memory_space<vmem>>
    %dma_start3A_111 = tpu.memref_squeeze %dma_start3A_110 : memref<1x128xi32, #tpu.memory_space<vmem>> -> memref<128xi32, #tpu.memory_space<vmem>>
    %dma_start3A_112 = arith.constant 0 : i32
    %dma_start3A_113 = arith.constant 0 : i32
    %dma_start3A_114 = tpu.memref_slice %arg9[%dma_start3A_112, %dma_start3A_113] : memref<10240x64xf32, #tpu.memory_space<vmem_shared>> -> memref<10240x64xf32, #tpu.memory_space<vmem_shared>>
    tpu.enqueue_indirect_dma source(%dma_start3A_108 : memref<128x64xf32, #tpu.memory_space<vmem>>) target(%dma_start3A_114 : memref<10240x64xf32, #tpu.memory_space<vmem_shared>>) offsets(%dma_start3A_111 : memref<128xi32, #tpu.memory_space<vmem>>) semaphore(%arg11 : memref<!tpu.dma_semaphore, #tpu.memory_space<semaphore_mem>>) {add = true}
    %scan3A_115 = arith.constant 0 : i32
    %scan3A_116 = arith.constant 2 : i32
    %scan3A_117 = arith.constant 76 : i32
    %scan3A_118 = arith.addi %scan3A_116, %scan3A_117 : i32
    %scan3A_119 = arith.constant 1 : i32
    %scan3A_120 = scf.for %scan3A_219 = %scan3A_116 to %scan3A_118 step %scan3A_119 iter_args(%scan3A_220 = %scan3A_115) -> (i32)  : i32 {
      %add3A_221 = arith.constant 2 : i32
      %add3A_222 = arith.addi %scan3A_219, %add3A_221 : i32
      %rem3A = arith.constant 4 : i32
      %rem3A_223 = arith.remsi %add3A_222, %rem3A : i32
      %sub3A = arith.constant 2 : i32
      %sub3A_224 = arith.subi %scan3A_219, %sub3A : i32
      %dma_wait3A_225 = arith.constant 0 : i32
      %dma_wait3A_226 = arith.constant 0 : i32
      %dma_wait3A_227 = tpu.memref_slice %arg7[%rem3A_223, %dma_wait3A_225, %dma_wait3A_226] : memref<4x128x64xf32, #tpu.memory_space<vmem>> -> memref<1x128x64xf32, #tpu.memory_space<vmem>>
      %dma_wait3A_228 = tpu.memref_squeeze %dma_wait3A_227 : memref<1x128x64xf32, #tpu.memory_space<vmem>> -> memref<128x64xf32, #tpu.memory_space<vmem>>
      %dma_wait3A_229 = arith.constant 0 : i32
      %dma_wait3A_230 = tpu.memref_slice %arg6[%sub3A_224, %dma_wait3A_229] : memref<80x128xi32, #tpu.memory_space<vmem>> -> memref<1x128xi32, #tpu.memory_space<vmem>>
      %dma_wait3A_231 = tpu.memref_squeeze %dma_wait3A_230 : memref<1x128xi32, #tpu.memory_space<vmem>> -> memref<128xi32, #tpu.memory_space<vmem>>
      %dma_wait3A_232 = arith.constant 0 : i32
      %dma_wait3A_233 = arith.constant 0 : i32
      %dma_wait3A_234 = tpu.memref_slice %arg9[%dma_wait3A_232, %dma_wait3A_233] : memref<10240x64xf32, #tpu.memory_space<vmem_shared>> -> memref<10240x64xf32, #tpu.memory_space<vmem_shared>>
      tpu.wait_indirect_dma semaphore(%arg11 : memref<!tpu.dma_semaphore, #tpu.memory_space<semaphore_mem>>) src(%dma_wait3A_228 : memref<128x64xf32, #tpu.memory_space<vmem>>) dst(%dma_wait3A_234 : memref<10240x64xf32, #tpu.memory_space<vmem_shared>>)
      %add3A_235 = arith.constant 2 : i32
      %add3A_236 = arith.addi %scan3A_219, %add3A_235 : i32
      %dma_start3A_237 = arith.constant 0 : i32
      %dma_start3A_238 = arith.constant 0 : i32
      %dma_start3A_239 = tpu.memref_slice %arg7[%rem3A_223, %dma_start3A_237, %dma_start3A_238] : memref<4x128x64xf32, #tpu.memory_space<vmem>> -> memref<1x128x64xf32, #tpu.memory_space<vmem>>
      %dma_start3A_240 = tpu.memref_squeeze %dma_start3A_239 : memref<1x128x64xf32, #tpu.memory_space<vmem>> -> memref<128x64xf32, #tpu.memory_space<vmem>>
      %dma_start3A_241 = arith.constant 0 : i32
      %dma_start3A_242 = tpu.memref_slice %arg5[%add3A_236, %dma_start3A_241] : memref<80x128xi32, #tpu.memory_space<vmem>> -> memref<1x128xi32, #tpu.memory_space<vmem>>
      %dma_start3A_243 = tpu.memref_squeeze %dma_start3A_242 : memref<1x128xi32, #tpu.memory_space<vmem>> -> memref<128xi32, #tpu.memory_space<vmem>>
      %dma_start3A_244 = arith.constant 0 : i32
      %dma_start3A_245 = arith.constant 0 : i32
      %dma_start3A_246 = tpu.memref_slice %arg2[%dma_start3A_244, %dma_start3A_245] : memref<20480x64xf32, #tpu.memory_space<hbm>> -> memref<20480x64xf32, #tpu.memory_space<hbm>>
      tpu.enqueue_indirect_dma source(%dma_start3A_246 : memref<20480x64xf32, #tpu.memory_space<hbm>>) target(%dma_start3A_240 : memref<128x64xf32, #tpu.memory_space<vmem>>) offsets(%dma_start3A_243 : memref<128xi32, #tpu.memory_space<vmem>>) semaphore(%arg10 : memref<!tpu.dma_semaphore, #tpu.memory_space<semaphore_mem>>)
      %rem3A_247 = arith.constant 4 : i32
      %rem3A_248 = arith.remsi %scan3A_219, %rem3A_247 : i32
      %dma_wait3A_249 = arith.constant 0 : i32
      %dma_wait3A_250 = arith.constant 0 : i32
      %dma_wait3A_251 = tpu.memref_slice %arg7[%rem3A_248, %dma_wait3A_249, %dma_wait3A_250] : memref<4x128x64xf32, #tpu.memory_space<vmem>> -> memref<1x128x64xf32, #tpu.memory_space<vmem>>
      %dma_wait3A_252 = tpu.memref_squeeze %dma_wait3A_251 : memref<1x128x64xf32, #tpu.memory_space<vmem>> -> memref<128x64xf32, #tpu.memory_space<vmem>>
      %dma_wait3A_253 = arith.constant 0 : i32
      %dma_wait3A_254 = tpu.memref_slice %arg5[%scan3A_219, %dma_wait3A_253] : memref<80x128xi32, #tpu.memory_space<vmem>> -> memref<1x128xi32, #tpu.memory_space<vmem>>
      %dma_wait3A_255 = tpu.memref_squeeze %dma_wait3A_254 : memref<1x128xi32, #tpu.memory_space<vmem>> -> memref<128xi32, #tpu.memory_space<vmem>>
      %dma_wait3A_256 = arith.constant 0 : i32
      %dma_wait3A_257 = arith.constant 0 : i32
      %dma_wait3A_258 = tpu.memref_slice %arg2[%dma_wait3A_256, %dma_wait3A_257] : memref<20480x64xf32, #tpu.memory_space<hbm>> -> memref<20480x64xf32, #tpu.memory_space<hbm>>
      tpu.wait_indirect_dma semaphore(%arg10 : memref<!tpu.dma_semaphore, #tpu.memory_space<semaphore_mem>>) src(%dma_wait3A_258 : memref<20480x64xf32, #tpu.memory_space<hbm>>) dst(%dma_wait3A_252 : memref<128x64xf32, #tpu.memory_space<vmem>>)
      %dma_start3A_259 = arith.constant 0 : i32
      %dma_start3A_260 = arith.constant 0 : i32
      %dma_start3A_261 = tpu.memref_slice %arg7[%rem3A_248, %dma_start3A_259, %dma_start3A_260] : memref<4x128x64xf32, #tpu.memory_space<vmem>> -> memref<1x128x64xf32, #tpu.memory_space<vmem>>
      %dma_start3A_262 = tpu.memref_squeeze %dma_start3A_261 : memref<1x128x64xf32, #tpu.memory_space<vmem>> -> memref<128x64xf32, #tpu.memory_space<vmem>>
      %dma_start3A_263 = arith.constant 0 : i32
      %dma_start3A_264 = tpu.memref_slice %arg6[%scan3A_219, %dma_start3A_263] : memref<80x128xi32, #tpu.memory_space<vmem>> -> memref<1x128xi32, #tpu.memory_space<vmem>>
      %dma_start3A_265 = tpu.memref_squeeze %dma_start3A_264 : memref<1x128xi32, #tpu.memory_space<vmem>> -> memref<128xi32, #tpu.memory_space<vmem>>
      %dma_start3A_266 = arith.constant 0 : i32
      %dma_start3A_267 = arith.constant 0 : i32
      %dma_start3A_268 = tpu.memref_slice %arg9[%dma_start3A_266, %dma_start3A_267] : memref<10240x64xf32, #tpu.memory_space<vmem_shared>> -> memref<10240x64xf32, #tpu.memory_space<vmem_shared>>
      tpu.enqueue_indirect_dma source(%dma_start3A_262 : memref<128x64xf32, #tpu.memory_space<vmem>>) target(%dma_start3A_268 : memref<10240x64xf32, #tpu.memory_space<vmem_shared>>) offsets(%dma_start3A_265 : memref<128xi32, #tpu.memory_space<vmem>>) semaphore(%arg11 : memref<!tpu.dma_semaphore, #tpu.memory_space<semaphore_mem>>) {add = true}
      %scan3A_269 = arith.constant 0 : i32
      scf.yield %scan3A_269 : i32
    }
    %scan3A_121 = arith.constant 76 : i32
    %dma_wait3A_122 = arith.constant 0 : i32
    %dma_wait3A_123 = arith.constant 76 : i32
    %dma_wait3A_124 = arith.constant 0 : i32
    %dma_wait3A_125 = arith.constant 0 : i32
    %dma_wait3A_126 = tpu.memref_slice %arg7[%dma_wait3A_122, %dma_wait3A_124, %dma_wait3A_125] : memref<4x128x64xf32, #tpu.memory_space<vmem>> -> memref<1x128x64xf32, #tpu.memory_space<vmem>>
    %dma_wait3A_127 = tpu.memref_squeeze %dma_wait3A_126 : memref<1x128x64xf32, #tpu.memory_space<vmem>> -> memref<128x64xf32, #tpu.memory_space<vmem>>
    %dma_wait3A_128 = arith.constant 0 : i32
    %dma_wait3A_129 = tpu.memref_slice %arg6[%dma_wait3A_123, %dma_wait3A_128] : memref<80x128xi32, #tpu.memory_space<vmem>> -> memref<1x128xi32, #tpu.memory_space<vmem>>
    %dma_wait3A_130 = tpu.memref_squeeze %dma_wait3A_129 : memref<1x128xi32, #tpu.memory_space<vmem>> -> memref<128xi32, #tpu.memory_space<vmem>>
    %dma_wait3A_131 = arith.constant 0 : i32
    %dma_wait3A_132 = arith.constant 0 : i32
    %dma_wait3A_133 = tpu.memref_slice %arg9[%dma_wait3A_131, %dma_wait3A_132] : memref<10240x64xf32, #tpu.memory_space<vmem_shared>> -> memref<10240x64xf32, #tpu.memory_space<vmem_shared>>
    tpu.wait_indirect_dma semaphore(%arg11 : memref<!tpu.dma_semaphore, #tpu.memory_space<semaphore_mem>>) src(%dma_wait3A_127 : memref<128x64xf32, #tpu.memory_space<vmem>>) dst(%dma_wait3A_133 : memref<10240x64xf32, #tpu.memory_space<vmem_shared>>)
    %dma_wait3A_134 = arith.constant 78 : i32
    %dma_wait3A_135 = arith.constant 2 : i32
    %dma_wait3A_136 = arith.constant 0 : i32
    %dma_wait3A_137 = arith.constant 0 : i32
    %dma_wait3A_138 = tpu.memref_slice %arg7[%dma_wait3A_135, %dma_wait3A_136, %dma_wait3A_137] : memref<4x128x64xf32, #tpu.memory_space<vmem>> -> memref<1x128x64xf32, #tpu.memory_space<vmem>>
    %dma_wait3A_139 = tpu.memref_squeeze %dma_wait3A_138 : memref<1x128x64xf32, #tpu.memory_space<vmem>> -> memref<128x64xf32, #tpu.memory_space<vmem>>
    %dma_wait3A_140 = arith.constant 0 : i32
    %dma_wait3A_141 = tpu.memref_slice %arg5[%dma_wait3A_134, %dma_wait3A_140] : memref<80x128xi32, #tpu.memory_space<vmem>> -> memref<1x128xi32, #tpu.memory_space<vmem>>
    %dma_wait3A_142 = tpu.memref_squeeze %dma_wait3A_141 : memref<1x128xi32, #tpu.memory_space<vmem>> -> memref<128xi32, #tpu.memory_space<vmem>>
    %dma_wait3A_143 = arith.constant 0 : i32
    %dma_wait3A_144 = arith.constant 0 : i32
    %dma_wait3A_145 = tpu.memref_slice %arg2[%dma_wait3A_143, %dma_wait3A_144] : memref<20480x64xf32, #tpu.memory_space<hbm>> -> memref<20480x64xf32, #tpu.memory_space<hbm>>
    tpu.wait_indirect_dma semaphore(%arg10 : memref<!tpu.dma_semaphore, #tpu.memory_space<semaphore_mem>>) src(%dma_wait3A_145 : memref<20480x64xf32, #tpu.memory_space<hbm>>) dst(%dma_wait3A_139 : memref<128x64xf32, #tpu.memory_space<vmem>>)
    %dma_start3A_146 = arith.constant 2 : i32
    %dma_start3A_147 = arith.constant 78 : i32
    %dma_start3A_148 = arith.constant 0 : i32
    %dma_start3A_149 = arith.constant 0 : i32
    %dma_start3A_150 = tpu.memref_slice %arg7[%dma_start3A_146, %dma_start3A_148, %dma_start3A_149] : memref<4x128x64xf32, #tpu.memory_space<vmem>> -> memref<1x128x64xf32, #tpu.memory_space<vmem>>
    %dma_start3A_151 = tpu.memref_squeeze %dma_start3A_150 : memref<1x128x64xf32, #tpu.memory_space<vmem>> -> memref<128x64xf32, #tpu.memory_space<vmem>>
    %dma_start3A_152 = arith.constant 0 : i32
    %dma_start3A_153 = tpu.memref_slice %arg6[%dma_start3A_147, %dma_start3A_152] : memref<80x128xi32, #tpu.memory_space<vmem>> -> memref<1x128xi32, #tpu.memory_space<vmem>>
    %dma_start3A_154 = tpu.memref_squeeze %dma_start3A_153 : memref<1x128xi32, #tpu.memory_space<vmem>> -> memref<128xi32, #tpu.memory_space<vmem>>
    %dma_start3A_155 = arith.constant 0 : i32
    %dma_start3A_156 = arith.constant 0 : i32
    %dma_start3A_157 = tpu.memref_slice %arg9[%dma_start3A_155, %dma_start3A_156] : memref<10240x64xf32, #tpu.memory_space<vmem_shared>> -> memref<10240x64xf32, #tpu.memory_space<vmem_shared>>
    tpu.enqueue_indirect_dma source(%dma_start3A_151 : memref<128x64xf32, #tpu.memory_space<vmem>>) target(%dma_start3A_157 : memref<10240x64xf32, #tpu.memory_space<vmem_shared>>) offsets(%dma_start3A_154 : memref<128xi32, #tpu.memory_space<vmem>>) semaphore(%arg11 : memref<!tpu.dma_semaphore, #tpu.memory_space<semaphore_mem>>) {add = true}
    %dma_wait3A_158 = arith.constant 1 : i32
    %dma_wait3A_159 = arith.constant 77 : i32
    %dma_wait3A_160 = arith.constant 0 : i32
    %dma_wait3A_161 = arith.constant 0 : i32
    %dma_wait3A_162 = tpu.memref_slice %arg7[%dma_wait3A_158, %dma_wait3A_160, %dma_wait3A_161] : memref<4x128x64xf32, #tpu.memory_space<vmem>> -> memref<1x128x64xf32, #tpu.memory_space<vmem>>
    %dma_wait3A_163 = tpu.memref_squeeze %dma_wait3A_162 : memref<1x128x64xf32, #tpu.memory_space<vmem>> -> memref<128x64xf32, #tpu.memory_space<vmem>>
    %dma_wait3A_164 = arith.constant 0 : i32
    %dma_wait3A_165 = tpu.memref_slice %arg6[%dma_wait3A_159, %dma_wait3A_164] : memref<80x128xi32, #tpu.memory_space<vmem>> -> memref<1x128xi32, #tpu.memory_space<vmem>>
    %dma_wait3A_166 = tpu.memref_squeeze %dma_wait3A_165 : memref<1x128xi32, #tpu.memory_space<vmem>> -> memref<128xi32, #tpu.memory_space<vmem>>
    %dma_wait3A_167 = arith.constant 0 : i32
    %dma_wait3A_168 = arith.constant 0 : i32
    %dma_wait3A_169 = tpu.memref_slice %arg9[%dma_wait3A_167, %dma_wait3A_168] : memref<10240x64xf32, #tpu.memory_space<vmem_shared>> -> memref<10240x64xf32, #tpu.memory_space<vmem_shared>>
    tpu.wait_indirect_dma semaphore(%arg11 : memref<!tpu.dma_semaphore, #tpu.memory_space<semaphore_mem>>) src(%dma_wait3A_163 : memref<128x64xf32, #tpu.memory_space<vmem>>) dst(%dma_wait3A_169 : memref<10240x64xf32, #tpu.memory_space<vmem_shared>>)
    %dma_wait3A_170 = arith.constant 79 : i32
    %dma_wait3A_171 = arith.constant 3 : i32
    %dma_wait3A_172 = arith.constant 0 : i32
    %dma_wait3A_173 = arith.constant 0 : i32
    %dma_wait3A_174 = tpu.memref_slice %arg7[%dma_wait3A_171, %dma_wait3A_172, %dma_wait3A_173] : memref<4x128x64xf32, #tpu.memory_space<vmem>> -> memref<1x128x64xf32, #tpu.memory_space<vmem>>
    %dma_wait3A_175 = tpu.memref_squeeze %dma_wait3A_174 : memref<1x128x64xf32, #tpu.memory_space<vmem>> -> memref<128x64xf32, #tpu.memory_space<vmem>>
    %dma_wait3A_176 = arith.constant 0 : i32
    %dma_wait3A_177 = tpu.memref_slice %arg5[%dma_wait3A_170, %dma_wait3A_176] : memref<80x128xi32, #tpu.memory_space<vmem>> -> memref<1x128xi32, #tpu.memory_space<vmem>>
    %dma_wait3A_178 = tpu.memref_squeeze %dma_wait3A_177 : memref<1x128xi32, #tpu.memory_space<vmem>> -> memref<128xi32, #tpu.memory_space<vmem>>
    %dma_wait3A_179 = arith.constant 0 : i32
    %dma_wait3A_180 = arith.constant 0 : i32
    %dma_wait3A_181 = tpu.memref_slice %arg2[%dma_wait3A_179, %dma_wait3A_180] : memref<20480x64xf32, #tpu.memory_space<hbm>> -> memref<20480x64xf32, #tpu.memory_space<hbm>>
    tpu.wait_indirect_dma semaphore(%arg10 : memref<!tpu.dma_semaphore, #tpu.memory_space<semaphore_mem>>) src(%dma_wait3A_181 : memref<20480x64xf32, #tpu.memory_space<hbm>>) dst(%dma_wait3A_175 : memref<128x64xf32, #tpu.memory_space<vmem>>)
    %dma_start3A_182 = arith.constant 3 : i32
    %dma_start3A_183 = arith.constant 79 : i32
    %dma_start3A_184 = arith.constant 0 : i32
    %dma_start3A_185 = arith.constant 0 : i32
    %dma_start3A_186 = tpu.memref_slice %arg7[%dma_start3A_182, %dma_start3A_184, %dma_start3A_185] : memref<4x128x64xf32, #tpu.memory_space<vmem>> -> memref<1x128x64xf32, #tpu.memory_space<vmem>>
    %dma_start3A_187 = tpu.memref_squeeze %dma_start3A_186 : memref<1x128x64xf32, #tpu.memory_space<vmem>> -> memref<128x64xf32, #tpu.memory_space<vmem>>
    %dma_start3A_188 = arith.constant 0 : i32
    %dma_start3A_189 = tpu.memref_slice %arg6[%dma_start3A_183, %dma_start3A_188] : memref<80x128xi32, #tpu.memory_space<vmem>> -> memref<1x128xi32, #tpu.memory_space<vmem>>
    %dma_start3A_190 = tpu.memref_squeeze %dma_start3A_189 : memref<1x128xi32, #tpu.memory_space<vmem>> -> memref<128xi32, #tpu.memory_space<vmem>>
    %dma_start3A_191 = arith.constant 0 : i32
    %dma_start3A_192 = arith.constant 0 : i32
    %dma_start3A_193 = tpu.memref_slice %arg9[%dma_start3A_191, %dma_start3A_192] : memref<10240x64xf32, #tpu.memory_space<vmem_shared>> -> memref<10240x64xf32, #tpu.memory_space<vmem_shared>>
    tpu.enqueue_indirect_dma source(%dma_start3A_187 : memref<128x64xf32, #tpu.memory_space<vmem>>) target(%dma_start3A_193 : memref<10240x64xf32, #tpu.memory_space<vmem_shared>>) offsets(%dma_start3A_190 : memref<128xi32, #tpu.memory_space<vmem>>) semaphore(%arg11 : memref<!tpu.dma_semaphore, #tpu.memory_space<semaphore_mem>>) {add = true}
    %dma_wait3A_194 = arith.constant 2 : i32
    %dma_wait3A_195 = arith.constant 78 : i32
    %dma_wait3A_196 = arith.constant 0 : i32
    %dma_wait3A_197 = arith.constant 0 : i32
    %dma_wait3A_198 = tpu.memref_slice %arg7[%dma_wait3A_194, %dma_wait3A_196, %dma_wait3A_197] : memref<4x128x64xf32, #tpu.memory_space<vmem>> -> memref<1x128x64xf32, #tpu.memory_space<vmem>>
    %dma_wait3A_199 = tpu.memref_squeeze %dma_wait3A_198 : memref<1x128x64xf32, #tpu.memory_space<vmem>> -> memref<128x64xf32, #tpu.memory_space<vmem>>
    %dma_wait3A_200 = arith.constant 0 : i32
    %dma_wait3A_201 = tpu.memref_slice %arg6[%dma_wait3A_195, %dma_wait3A_200] : memref<80x128xi32, #tpu.memory_space<vmem>> -> memref<1x128xi32, #tpu.memory_space<vmem>>
    %dma_wait3A_202 = tpu.memref_squeeze %dma_wait3A_201 : memref<1x128xi32, #tpu.memory_space<vmem>> -> memref<128xi32, #tpu.memory_space<vmem>>
    %dma_wait3A_203 = arith.constant 0 : i32
    %dma_wait3A_204 = arith.constant 0 : i32
    %dma_wait3A_205 = tpu.memref_slice %arg9[%dma_wait3A_203, %dma_wait3A_204] : memref<10240x64xf32, #tpu.memory_space<vmem_shared>> -> memref<10240x64xf32, #tpu.memory_space<vmem_shared>>
    tpu.wait_indirect_dma semaphore(%arg11 : memref<!tpu.dma_semaphore, #tpu.memory_space<semaphore_mem>>) src(%dma_wait3A_199 : memref<128x64xf32, #tpu.memory_space<vmem>>) dst(%dma_wait3A_205 : memref<10240x64xf32, #tpu.memory_space<vmem_shared>>)
    %dma_wait3A_206 = arith.constant 3 : i32
    %dma_wait3A_207 = arith.constant 79 : i32
    %dma_wait3A_208 = arith.constant 0 : i32
    %dma_wait3A_209 = arith.constant 0 : i32
    %dma_wait3A_210 = tpu.memref_slice %arg7[%dma_wait3A_206, %dma_wait3A_208, %dma_wait3A_209] : memref<4x128x64xf32, #tpu.memory_space<vmem>> -> memref<1x128x64xf32, #tpu.memory_space<vmem>>
    %dma_wait3A_211 = tpu.memref_squeeze %dma_wait3A_210 : memref<1x128x64xf32, #tpu.memory_space<vmem>> -> memref<128x64xf32, #tpu.memory_space<vmem>>
    %dma_wait3A_212 = arith.constant 0 : i32
    %dma_wait3A_213 = tpu.memref_slice %arg6[%dma_wait3A_207, %dma_wait3A_212] : memref<80x128xi32, #tpu.memory_space<vmem>> -> memref<1x128xi32, #tpu.memory_space<vmem>>
    %dma_wait3A_214 = tpu.memref_squeeze %dma_wait3A_213 : memref<1x128xi32, #tpu.memory_space<vmem>> -> memref<128xi32, #tpu.memory_space<vmem>>
    %dma_wait3A_215 = arith.constant 0 : i32
    %dma_wait3A_216 = arith.constant 0 : i32
    %dma_wait3A_217 = tpu.memref_slice %arg9[%dma_wait3A_215, %dma_wait3A_216] : memref<10240x64xf32, #tpu.memory_space<vmem_shared>> -> memref<10240x64xf32, #tpu.memory_space<vmem_shared>>
    tpu.wait_indirect_dma semaphore(%arg11 : memref<!tpu.dma_semaphore, #tpu.memory_space<semaphore_mem>>) src(%dma_wait3A_211 : memref<128x64xf32, #tpu.memory_space<vmem>>) dst(%dma_wait3A_217 : memref<10240x64xf32, #tpu.memory_space<vmem_shared>>)
    %barrier3A_218 = arith.constant 0 : index
    tpu.barrier barrier_id(%barrier3A_218)
    "tpu.region"() ({
      %run_scoped3A_219 = tpu.sem_alloc : memref<!tpu.dma_semaphore, #tpu.memory_space<semaphore_mem>>
      %dma_start3A_220 = arith.constant 0 : i32
      %dma_start3A_221 = tpu.memref_slice %arg4[%arg0, %mul3A_57, %dma_start3A_220] : memref<2x10240x64xf32, #tpu.memory_space<hbm>> -> memref<1x640x64xf32, #tpu.memory_space<hbm>>
      %dma_start3A_222 = tpu.memref_squeeze %dma_start3A_221 : memref<1x640x64xf32, #tpu.memory_space<hbm>> -> memref<640x64xf32, #tpu.memory_space<hbm>>
      %dma_start3A_223 = arith.constant 0 : i32
      %dma_start3A_224 = tpu.memref_slice %arg9[%mul3A_57, %dma_start3A_223] : memref<10240x64xf32, #tpu.memory_space<vmem_shared>> -> memref<640x64xf32, #tpu.memory_space<vmem_shared>>
      tpu.enqueue_dma source(%dma_start3A_224 : memref<640x64xf32, #tpu.memory_space<vmem_shared>>) target(%dma_start3A_222 : memref<640x64xf32, #tpu.memory_space<hbm>>) target_semaphore(%run_scoped3A_219 : memref<!tpu.dma_semaphore, #tpu.memory_space<semaphore_mem>>)
      %dma_wait3A_225 = arith.constant 0 : i32
      %dma_wait3A_226 = tpu.memref_slice %arg4[%arg0, %mul3A_57, %dma_wait3A_225] : memref<2x10240x64xf32, #tpu.memory_space<hbm>> -> memref<1x640x64xf32, #tpu.memory_space<hbm>>
      %dma_wait3A_227 = tpu.memref_squeeze %dma_wait3A_226 : memref<1x640x64xf32, #tpu.memory_space<hbm>> -> memref<640x64xf32, #tpu.memory_space<hbm>>
      %dma_wait3A_228 = arith.constant 0 : i32
      %dma_wait3A_229 = tpu.memref_slice %arg9[%mul3A_57, %dma_wait3A_228] : memref<10240x64xf32, #tpu.memory_space<vmem_shared>> -> memref<640x64xf32, #tpu.memory_space<vmem_shared>>
      tpu.wait_dma2 semaphore(%run_scoped3A_219 : memref<!tpu.dma_semaphore, #tpu.memory_space<semaphore_mem>>) src(%dma_wait3A_229 : memref<640x64xf32, #tpu.memory_space<vmem_shared>>) dst(%dma_wait3A_227 : memref<640x64xf32, #tpu.memory_space<hbm>>)
      tpu.yield
    }) : () -> ()
    return
  }
}

#map = affine_map<(d0, d1) -> (0, 0)>
#map1 = affine_map<(d0, d1) -> (0, 0, 0, 0)>
#map2 = affine_map<(d0, d1) -> (0, 0, 0)>
module attributes {stable_mosaic.version = 14 : i64} {
  func.func @seg_sum(%arg0: i32, %arg1: i32, %arg2: memref<20480x64xf32, #tpu.memory_space<hbm>>, %arg3: memref<2x32x80x128xi32, #tpu.memory_space<hbm>>, %arg4: memref<2x10240x64xf32, #tpu.memory_space<hbm>>, %arg5: memref<80x128xi32, #tpu.memory_space<vmem>>, %arg6: memref<80x128xi32, #tpu.memory_space<vmem>>, %arg7: memref<4x128x64xf32, #tpu.memory_space<vmem>>, %arg8: memref<128x64xf32, #tpu.memory_space<vmem>>, %arg9: memref<10240x64xf32, #tpu.memory_space<vmem_shared>>, %arg10: memref<!tpu.dma_semaphore, #tpu.memory_space<semaphore_mem>>, %arg11: memref<!tpu.dma_semaphore, #tpu.memory_space<semaphore_mem>>) attributes {dimension_semantics = [#tpu.dimension_semantics<core_parallel>, #tpu.dimension_semantics<subcore_parallel>], iteration_bounds = array<i64: 2, 16>, scalar_prefetch = 0 : i64, scratch_operands = 7 : i64, tpu.core_type = #tpu.core_type<sc_vector_subcore>, window_params = [{transform_indices = #map}, {transform_indices = #map1}, {transform_indices = #map2}]} {
    %mul3A = arith.constant 16 : i32
    %mul3A_0 = arith.muli %arg0, %mul3A : i32
    %add3A = arith.addi %mul3A_0, %arg1 : i32
    %run_scoped3A = arith.constant 0 : i32
    "tpu.region"() ({
      %run_scoped3A_219 = tpu.sem_alloc : memref<!tpu.dma_semaphore, #tpu.memory_space<semaphore_mem>>
      %dma_start3A_220 = arith.constant 0 : i32
      %dma_start3A_221 = arith.constant 0 : i32
      %dma_start3A_222 = tpu.memref_slice %arg3[%run_scoped3A, %add3A, %dma_start3A_220, %dma_start3A_221] : memref<2x32x80x128xi32, #tpu.memory_space<hbm>> -> memref<1x1x80x128xi32, #tpu.memory_space<hbm>>
      %dma_start3A_223 = tpu.memref_squeeze %dma_start3A_222 : memref<1x1x80x128xi32, #tpu.memory_space<hbm>> -> memref<80x128xi32, #tpu.memory_space<hbm>>
      %dma_start3A_224 = arith.constant 0 : i32
      %dma_start3A_225 = arith.constant 0 : i32
      %dma_start3A_226 = tpu.memref_slice %arg3[%run_scoped3A, %add3A, %dma_start3A_224, %dma_start3A_225] : memref<2x32x80x128xi32, #tpu.memory_space<hbm>> -> memref<1x1x80x128xi32, #tpu.memory_space<hbm>>
      %dma_start3A_227 = tpu.memref_squeeze %dma_start3A_226 : memref<1x1x80x128xi32, #tpu.memory_space<hbm>> -> memref<80x128xi32, #tpu.memory_space<hbm>>
      tpu.enqueue_dma source(%dma_start3A_227 : memref<80x128xi32, #tpu.memory_space<hbm>>) target(%arg5 : memref<80x128xi32, #tpu.memory_space<vmem>>) target_semaphore(%run_scoped3A_219 : memref<!tpu.dma_semaphore, #tpu.memory_space<semaphore_mem>>)
      %dma_wait3A_228 = arith.constant 0 : i32
      %dma_wait3A_229 = arith.constant 0 : i32
      %dma_wait3A_230 = tpu.memref_slice %arg3[%run_scoped3A, %add3A, %dma_wait3A_228, %dma_wait3A_229] : memref<2x32x80x128xi32, #tpu.memory_space<hbm>> -> memref<1x1x80x128xi32, #tpu.memory_space<hbm>>
      %dma_wait3A_231 = tpu.memref_squeeze %dma_wait3A_230 : memref<1x1x80x128xi32, #tpu.memory_space<hbm>> -> memref<80x128xi32, #tpu.memory_space<hbm>>
      %dma_wait3A_232 = arith.constant 0 : i32
      %dma_wait3A_233 = arith.constant 0 : i32
      %dma_wait3A_234 = tpu.memref_slice %arg3[%run_scoped3A, %add3A, %dma_wait3A_232, %dma_wait3A_233] : memref<2x32x80x128xi32, #tpu.memory_space<hbm>> -> memref<1x1x80x128xi32, #tpu.memory_space<hbm>>
      %dma_wait3A_235 = tpu.memref_squeeze %dma_wait3A_234 : memref<1x1x80x128xi32, #tpu.memory_space<hbm>> -> memref<80x128xi32, #tpu.memory_space<hbm>>
      tpu.wait_dma2 semaphore(%run_scoped3A_219 : memref<!tpu.dma_semaphore, #tpu.memory_space<semaphore_mem>>) src(%dma_wait3A_235 : memref<80x128xi32, #tpu.memory_space<hbm>>) dst(%arg5 : memref<80x128xi32, #tpu.memory_space<vmem>>)
      tpu.yield
    }) : () -> ()
    %run_scoped3A_1 = arith.constant 1 : i32
    "tpu.region"() ({
      %run_scoped3A_219 = tpu.sem_alloc : memref<!tpu.dma_semaphore, #tpu.memory_space<semaphore_mem>>
      %dma_start3A_220 = arith.constant 0 : i32
      %dma_start3A_221 = arith.constant 0 : i32
      %dma_start3A_222 = tpu.memref_slice %arg3[%run_scoped3A_1, %add3A, %dma_start3A_220, %dma_start3A_221] : memref<2x32x80x128xi32, #tpu.memory_space<hbm>> -> memref<1x1x80x128xi32, #tpu.memory_space<hbm>>
      %dma_start3A_223 = tpu.memref_squeeze %dma_start3A_222 : memref<1x1x80x128xi32, #tpu.memory_space<hbm>> -> memref<80x128xi32, #tpu.memory_space<hbm>>
      %dma_start3A_224 = arith.constant 0 : i32
      %dma_start3A_225 = arith.constant 0 : i32
      %dma_start3A_226 = tpu.memref_slice %arg3[%run_scoped3A_1, %add3A, %dma_start3A_224, %dma_start3A_225] : memref<2x32x80x128xi32, #tpu.memory_space<hbm>> -> memref<1x1x80x128xi32, #tpu.memory_space<hbm>>
      %dma_start3A_227 = tpu.memref_squeeze %dma_start3A_226 : memref<1x1x80x128xi32, #tpu.memory_space<hbm>> -> memref<80x128xi32, #tpu.memory_space<hbm>>
      tpu.enqueue_dma source(%dma_start3A_227 : memref<80x128xi32, #tpu.memory_space<hbm>>) target(%arg6 : memref<80x128xi32, #tpu.memory_space<vmem>>) target_semaphore(%run_scoped3A_219 : memref<!tpu.dma_semaphore, #tpu.memory_space<semaphore_mem>>)
      %dma_wait3A_228 = arith.constant 0 : i32
      %dma_wait3A_229 = arith.constant 0 : i32
      %dma_wait3A_230 = tpu.memref_slice %arg3[%run_scoped3A_1, %add3A, %dma_wait3A_228, %dma_wait3A_229] : memref<2x32x80x128xi32, #tpu.memory_space<hbm>> -> memref<1x1x80x128xi32, #tpu.memory_space<hbm>>
      %dma_wait3A_231 = tpu.memref_squeeze %dma_wait3A_230 : memref<1x1x80x128xi32, #tpu.memory_space<hbm>> -> memref<80x128xi32, #tpu.memory_space<hbm>>
      %dma_wait3A_232 = arith.constant 0 : i32
      %dma_wait3A_233 = arith.constant 0 : i32
      %dma_wait3A_234 = tpu.memref_slice %arg3[%run_scoped3A_1, %add3A, %dma_wait3A_232, %dma_wait3A_233] : memref<2x32x80x128xi32, #tpu.memory_space<hbm>> -> memref<1x1x80x128xi32, #tpu.memory_space<hbm>>
      %dma_wait3A_235 = tpu.memref_squeeze %dma_wait3A_234 : memref<1x1x80x128xi32, #tpu.memory_space<hbm>> -> memref<80x128xi32, #tpu.memory_space<hbm>>
      tpu.wait_dma2 semaphore(%run_scoped3A_219 : memref<!tpu.dma_semaphore, #tpu.memory_space<semaphore_mem>>) src(%dma_wait3A_235 : memref<80x128xi32, #tpu.memory_space<hbm>>) dst(%arg6 : memref<80x128xi32, #tpu.memory_space<vmem>>)
      tpu.yield
    }) : () -> ()
    %broadcast_in_dim3A = arith.constant 0.000000e+00 : f32
    %broadcast_in_dim3A_2 = vector.broadcast %broadcast_in_dim3A : f32 to vector<16xf32>
    %dma_start3A = arith.constant 0 : i32
    %dma_start3A_3 = arith.constant 0 : i32
    %dma_start3A_4 = arith.constant 0 : i32
    %dma_start3A_5 = arith.constant 0 : i32
    %dma_start3A_6 = tpu.memref_slice %arg7[%dma_start3A_3, %dma_start3A_4, %dma_start3A_5] : memref<4x128x64xf32, #tpu.memory_space<vmem>> -> memref<1x128x64xf32, #tpu.memory_space<vmem>>
    %dma_start3A_7 = tpu.memref_squeeze %dma_start3A_6 : memref<1x128x64xf32, #tpu.memory_space<vmem>> -> memref<128x64xf32, #tpu.memory_space<vmem>>
    %dma_start3A_8 = arith.constant 0 : i32
    %dma_start3A_9 = tpu.memref_slice %arg5[%dma_start3A, %dma_start3A_8] : memref<80x128xi32, #tpu.memory_space<vmem>> -> memref<1x128xi32, #tpu.memory_space<vmem>>
    %dma_start3A_10 = tpu.memref_squeeze %dma_start3A_9 : memref<1x128xi32, #tpu.memory_space<vmem>> -> memref<128xi32, #tpu.memory_space<vmem>>
    %dma_start3A_11 = arith.constant 0 : i32
    %dma_start3A_12 = arith.constant 0 : i32
    %dma_start3A_13 = tpu.memref_slice %arg2[%dma_start3A_11, %dma_start3A_12] : memref<20480x64xf32, #tpu.memory_space<hbm>> -> memref<20480x64xf32, #tpu.memory_space<hbm>>
    tpu.enqueue_indirect_dma source(%dma_start3A_13 : memref<20480x64xf32, #tpu.memory_space<hbm>>) target(%dma_start3A_7 : memref<128x64xf32, #tpu.memory_space<vmem>>) offsets(%dma_start3A_10 : memref<128xi32, #tpu.memory_space<vmem>>) semaphore(%arg10 : memref<!tpu.dma_semaphore, #tpu.memory_space<semaphore_mem>>)
    %dma_start3A_14 = arith.constant 1 : i32
    %dma_start3A_15 = arith.constant 1 : i32
    %dma_start3A_16 = arith.constant 0 : i32
    %dma_start3A_17 = arith.constant 0 : i32
    %dma_start3A_18 = tpu.memref_slice %arg7[%dma_start3A_15, %dma_start3A_16, %dma_start3A_17] : memref<4x128x64xf32, #tpu.memory_space<vmem>> -> memref<1x128x64xf32, #tpu.memory_space<vmem>>
    %dma_start3A_19 = tpu.memref_squeeze %dma_start3A_18 : memref<1x128x64xf32, #tpu.memory_space<vmem>> -> memref<128x64xf32, #tpu.memory_space<vmem>>
    %dma_start3A_20 = arith.constant 0 : i32
    %dma_start3A_21 = tpu.memref_slice %arg5[%dma_start3A_14, %dma_start3A_20] : memref<80x128xi32, #tpu.memory_space<vmem>> -> memref<1x128xi32, #tpu.memory_space<vmem>>
    %dma_start3A_22 = tpu.memref_squeeze %dma_start3A_21 : memref<1x128xi32, #tpu.memory_space<vmem>> -> memref<128xi32, #tpu.memory_space<vmem>>
    %dma_start3A_23 = arith.constant 0 : i32
    %dma_start3A_24 = arith.constant 0 : i32
    %dma_start3A_25 = tpu.memref_slice %arg2[%dma_start3A_23, %dma_start3A_24] : memref<20480x64xf32, #tpu.memory_space<hbm>> -> memref<20480x64xf32, #tpu.memory_space<hbm>>
    tpu.enqueue_indirect_dma source(%dma_start3A_25 : memref<20480x64xf32, #tpu.memory_space<hbm>>) target(%dma_start3A_19 : memref<128x64xf32, #tpu.memory_space<vmem>>) offsets(%dma_start3A_22 : memref<128xi32, #tpu.memory_space<vmem>>) semaphore(%arg10 : memref<!tpu.dma_semaphore, #tpu.memory_space<semaphore_mem>>)
    %dma_start3A_26 = arith.constant 2 : i32
    %dma_start3A_27 = arith.constant 2 : i32
    %dma_start3A_28 = arith.constant 0 : i32
    %dma_start3A_29 = arith.constant 0 : i32
    %dma_start3A_30 = tpu.memref_slice %arg7[%dma_start3A_27, %dma_start3A_28, %dma_start3A_29] : memref<4x128x64xf32, #tpu.memory_space<vmem>> -> memref<1x128x64xf32, #tpu.memory_space<vmem>>
    %dma_start3A_31 = tpu.memref_squeeze %dma_start3A_30 : memref<1x128x64xf32, #tpu.memory_space<vmem>> -> memref<128x64xf32, #tpu.memory_space<vmem>>
    %dma_start3A_32 = arith.constant 0 : i32
    %dma_start3A_33 = tpu.memref_slice %arg5[%dma_start3A_26, %dma_start3A_32] : memref<80x128xi32, #tpu.memory_space<vmem>> -> memref<1x128xi32, #tpu.memory_space<vmem>>
    %dma_start3A_34 = tpu.memref_squeeze %dma_start3A_33 : memref<1x128xi32, #tpu.memory_space<vmem>> -> memref<128xi32, #tpu.memory_space<vmem>>
    %dma_start3A_35 = arith.constant 0 : i32
    %dma_start3A_36 = arith.constant 0 : i32
    %dma_start3A_37 = tpu.memref_slice %arg2[%dma_start3A_35, %dma_start3A_36] : memref<20480x64xf32, #tpu.memory_space<hbm>> -> memref<20480x64xf32, #tpu.memory_space<hbm>>
    tpu.enqueue_indirect_dma source(%dma_start3A_37 : memref<20480x64xf32, #tpu.memory_space<hbm>>) target(%dma_start3A_31 : memref<128x64xf32, #tpu.memory_space<vmem>>) offsets(%dma_start3A_34 : memref<128xi32, #tpu.memory_space<vmem>>) semaphore(%arg10 : memref<!tpu.dma_semaphore, #tpu.memory_space<semaphore_mem>>)
    %dma_start3A_38 = arith.constant 3 : i32
    %dma_start3A_39 = arith.constant 3 : i32
    %dma_start3A_40 = arith.constant 0 : i32
    %dma_start3A_41 = arith.constant 0 : i32
    %dma_start3A_42 = tpu.memref_slice %arg7[%dma_start3A_39, %dma_start3A_40, %dma_start3A_41] : memref<4x128x64xf32, #tpu.memory_space<vmem>> -> memref<1x128x64xf32, #tpu.memory_space<vmem>>
    %dma_start3A_43 = tpu.memref_squeeze %dma_start3A_42 : memref<1x128x64xf32, #tpu.memory_space<vmem>> -> memref<128x64xf32, #tpu.memory_space<vmem>>
    %dma_start3A_44 = arith.constant 0 : i32
    %dma_start3A_45 = tpu.memref_slice %arg5[%dma_start3A_38, %dma_start3A_44] : memref<80x128xi32, #tpu.memory_space<vmem>> -> memref<1x128xi32, #tpu.memory_space<vmem>>
    %dma_start3A_46 = tpu.memref_squeeze %dma_start3A_45 : memref<1x128xi32, #tpu.memory_space<vmem>> -> memref<128xi32, #tpu.memory_space<vmem>>
    %dma_start3A_47 = arith.constant 0 : i32
    %dma_start3A_48 = arith.constant 0 : i32
    %dma_start3A_49 = tpu.memref_slice %arg2[%dma_start3A_47, %dma_start3A_48] : memref<20480x64xf32, #tpu.memory_space<hbm>> -> memref<20480x64xf32, #tpu.memory_space<hbm>>
    tpu.enqueue_indirect_dma source(%dma_start3A_49 : memref<20480x64xf32, #tpu.memory_space<hbm>>) target(%dma_start3A_43 : memref<128x64xf32, #tpu.memory_space<vmem>>) offsets(%dma_start3A_46 : memref<128xi32, #tpu.memory_space<vmem>>) semaphore(%arg10 : memref<!tpu.dma_semaphore, #tpu.memory_space<semaphore_mem>>)
    %scan3A = arith.constant 0 : i32
    %scan3A_50 = arith.constant 0 : i32
    %scan3A_51 = arith.constant 128 : i32
    %scan3A_52 = arith.addi %scan3A_50, %scan3A_51 : i32
    %scan3A_53 = arith.constant 1 : i32
    %scan3A_54 = scf.for %scan3A_219 = %scan3A_50 to %scan3A_52 step %scan3A_53 iter_args(%scan3A_220 = %scan3A) -> (i32)  : i32 {
      %swap3A = arith.index_cast %scan3A_219 : i32 to index
      %swap3A_221 = arith.constant 0 : index
      %swap3A_222 = tpu.vector_load %arg8[%swap3A, %swap3A_221] {strides = array<i32>} : memref<128x64xf32, #tpu.memory_space<vmem>>, vector<1x16xf32>,
      %swap3A_223 = vector.shape_cast %swap3A_222 : vector<1x16xf32> to vector<16xf32>
      %swap3A_224 = vector.shape_cast %broadcast_in_dim3A_2 : vector<16xf32> to vector<1x16xf32>
      tpu.vector_store %arg8[%swap3A, %swap3A_221], %swap3A_224 {strides = array<i32>} : memref<128x64xf32, #tpu.memory_space<vmem>>, vector<1x16xf32>,
      %swap3A_225 = arith.index_cast %scan3A_219 : i32 to index
      %swap3A_226 = arith.constant 16 : index
      %swap3A_227 = tpu.vector_load %arg8[%swap3A_225, %swap3A_226] {strides = array<i32>} : memref<128x64xf32, #tpu.memory_space<vmem>>, vector<1x16xf32>,
      %swap3A_228 = vector.shape_cast %swap3A_227 : vector<1x16xf32> to vector<16xf32>
      %swap3A_229 = vector.shape_cast %broadcast_in_dim3A_2 : vector<16xf32> to vector<1x16xf32>
      tpu.vector_store %arg8[%swap3A_225, %swap3A_226], %swap3A_229 {strides = array<i32>} : memref<128x64xf32, #tpu.memory_space<vmem>>, vector<1x16xf32>,
      %swap3A_230 = arith.index_cast %scan3A_219 : i32 to index
      %swap3A_231 = arith.constant 32 : index
      %swap3A_232 = tpu.vector_load %arg8[%swap3A_230, %swap3A_231] {strides = array<i32>} : memref<128x64xf32, #tpu.memory_space<vmem>>, vector<1x16xf32>,
      %swap3A_233 = vector.shape_cast %swap3A_232 : vector<1x16xf32> to vector<16xf32>
      %swap3A_234 = vector.shape_cast %broadcast_in_dim3A_2 : vector<16xf32> to vector<1x16xf32>
      tpu.vector_store %arg8[%swap3A_230, %swap3A_231], %swap3A_234 {strides = array<i32>} : memref<128x64xf32, #tpu.memory_space<vmem>>, vector<1x16xf32>,
      %swap3A_235 = arith.index_cast %scan3A_219 : i32 to index
      %swap3A_236 = arith.constant 48 : index
      %swap3A_237 = tpu.vector_load %arg8[%swap3A_235, %swap3A_236] {strides = array<i32>} : memref<128x64xf32, #tpu.memory_space<vmem>>, vector<1x16xf32>,
      %swap3A_238 = vector.shape_cast %swap3A_237 : vector<1x16xf32> to vector<16xf32>
      %swap3A_239 = vector.shape_cast %broadcast_in_dim3A_2 : vector<16xf32> to vector<1x16xf32>
      tpu.vector_store %arg8[%swap3A_235, %swap3A_236], %swap3A_239 {strides = array<i32>} : memref<128x64xf32, #tpu.memory_space<vmem>>, vector<1x16xf32>,
      %scan3A_240 = arith.constant 0 : i32
      scf.yield %scan3A_240 : i32
    }
    %scan3A_55 = arith.constant 128 : i32
    %mul3A_56 = arith.constant 640 : i32
    %mul3A_57 = arith.muli %arg1, %mul3A_56 : i32
    %add3A_58 = arith.constant 0 : i32
    %add3A_59 = arith.addi %mul3A_57, %add3A_58 : i32
    "tpu.region"() ({
      %run_scoped3A_219 = tpu.sem_alloc : memref<!tpu.dma_semaphore, #tpu.memory_space<semaphore_mem>>
      %dma_start3A_220 = arith.constant 0 : i32
      %dma_start3A_221 = tpu.memref_slice %arg9[%add3A_59, %dma_start3A_220] : memref<10240x64xf32, #tpu.memory_space<vmem_shared>> -> memref<128x64xf32, #tpu.memory_space<vmem_shared>>
      %dma_start3A_222 = arith.constant 0 : i32
      %dma_start3A_223 = tpu.memref_slice %arg9[%add3A_59, %dma_start3A_222] : memref<10240x64xf32, #tpu.memory_space<vmem_shared>> -> memref<128x64xf32, #tpu.memory_space<vmem_shared>>
      tpu.enqueue_dma source(%arg8 : memref<128x64xf32, #tpu.memory_space<vmem>>) target(%dma_start3A_223 : memref<128x64xf32, #tpu.memory_space<vmem_shared>>) target_semaphore(%run_scoped3A_219 : memref<!tpu.dma_semaphore, #tpu.memory_space<semaphore_mem>>)
      %dma_wait3A_224 = arith.constant 0 : i32
      %dma_wait3A_225 = tpu.memref_slice %arg9[%add3A_59, %dma_wait3A_224] : memref<10240x64xf32, #tpu.memory_space<vmem_shared>> -> memref<128x64xf32, #tpu.memory_space<vmem_shared>>
      %dma_wait3A_226 = arith.constant 0 : i32
      %dma_wait3A_227 = tpu.memref_slice %arg9[%add3A_59, %dma_wait3A_226] : memref<10240x64xf32, #tpu.memory_space<vmem_shared>> -> memref<128x64xf32, #tpu.memory_space<vmem_shared>>
      tpu.wait_dma2 semaphore(%run_scoped3A_219 : memref<!tpu.dma_semaphore, #tpu.memory_space<semaphore_mem>>) src(%arg8 : memref<128x64xf32, #tpu.memory_space<vmem>>) dst(%dma_wait3A_227 : memref<128x64xf32, #tpu.memory_space<vmem_shared>>)
      tpu.yield
    }) : () -> ()
    %add3A_60 = arith.constant 128 : i32
    %add3A_61 = arith.addi %mul3A_57, %add3A_60 : i32
    "tpu.region"() ({
      %run_scoped3A_219 = tpu.sem_alloc : memref<!tpu.dma_semaphore, #tpu.memory_space<semaphore_mem>>
      %dma_start3A_220 = arith.constant 0 : i32
      %dma_start3A_221 = tpu.memref_slice %arg9[%add3A_61, %dma_start3A_220] : memref<10240x64xf32, #tpu.memory_space<vmem_shared>> -> memref<128x64xf32, #tpu.memory_space<vmem_shared>>
      %dma_start3A_222 = arith.constant 0 : i32
      %dma_start3A_223 = tpu.memref_slice %arg9[%add3A_61, %dma_start3A_222] : memref<10240x64xf32, #tpu.memory_space<vmem_shared>> -> memref<128x64xf32, #tpu.memory_space<vmem_shared>>
      tpu.enqueue_dma source(%arg8 : memref<128x64xf32, #tpu.memory_space<vmem>>) target(%dma_start3A_223 : memref<128x64xf32, #tpu.memory_space<vmem_shared>>) target_semaphore(%run_scoped3A_219 : memref<!tpu.dma_semaphore, #tpu.memory_space<semaphore_mem>>)
      %dma_wait3A_224 = arith.constant 0 : i32
      %dma_wait3A_225 = tpu.memref_slice %arg9[%add3A_61, %dma_wait3A_224] : memref<10240x64xf32, #tpu.memory_space<vmem_shared>> -> memref<128x64xf32, #tpu.memory_space<vmem_shared>>
      %dma_wait3A_226 = arith.constant 0 : i32
      %dma_wait3A_227 = tpu.memref_slice %arg9[%add3A_61, %dma_wait3A_226] : memref<10240x64xf32, #tpu.memory_space<vmem_shared>> -> memref<128x64xf32, #tpu.memory_space<vmem_shared>>
      tpu.wait_dma2 semaphore(%run_scoped3A_219 : memref<!tpu.dma_semaphore, #tpu.memory_space<semaphore_mem>>) src(%arg8 : memref<128x64xf32, #tpu.memory_space<vmem>>) dst(%dma_wait3A_227 : memref<128x64xf32, #tpu.memory_space<vmem_shared>>)
      tpu.yield
    }) : () -> ()
    %add3A_62 = arith.constant 256 : i32
    %add3A_63 = arith.addi %mul3A_57, %add3A_62 : i32
    "tpu.region"() ({
      %run_scoped3A_219 = tpu.sem_alloc : memref<!tpu.dma_semaphore, #tpu.memory_space<semaphore_mem>>
      %dma_start3A_220 = arith.constant 0 : i32
      %dma_start3A_221 = tpu.memref_slice %arg9[%add3A_63, %dma_start3A_220] : memref<10240x64xf32, #tpu.memory_space<vmem_shared>> -> memref<128x64xf32, #tpu.memory_space<vmem_shared>>
      %dma_start3A_222 = arith.constant 0 : i32
      %dma_start3A_223 = tpu.memref_slice %arg9[%add3A_63, %dma_start3A_222] : memref<10240x64xf32, #tpu.memory_space<vmem_shared>> -> memref<128x64xf32, #tpu.memory_space<vmem_shared>>
      tpu.enqueue_dma source(%arg8 : memref<128x64xf32, #tpu.memory_space<vmem>>) target(%dma_start3A_223 : memref<128x64xf32, #tpu.memory_space<vmem_shared>>) target_semaphore(%run_scoped3A_219 : memref<!tpu.dma_semaphore, #tpu.memory_space<semaphore_mem>>)
      %dma_wait3A_224 = arith.constant 0 : i32
      %dma_wait3A_225 = tpu.memref_slice %arg9[%add3A_63, %dma_wait3A_224] : memref<10240x64xf32, #tpu.memory_space<vmem_shared>> -> memref<128x64xf32, #tpu.memory_space<vmem_shared>>
      %dma_wait3A_226 = arith.constant 0 : i32
      %dma_wait3A_227 = tpu.memref_slice %arg9[%add3A_63, %dma_wait3A_226] : memref<10240x64xf32, #tpu.memory_space<vmem_shared>> -> memref<128x64xf32, #tpu.memory_space<vmem_shared>>
      tpu.wait_dma2 semaphore(%run_scoped3A_219 : memref<!tpu.dma_semaphore, #tpu.memory_space<semaphore_mem>>) src(%arg8 : memref<128x64xf32, #tpu.memory_space<vmem>>) dst(%dma_wait3A_227 : memref<128x64xf32, #tpu.memory_space<vmem_shared>>)
      tpu.yield
    }) : () -> ()
    %add3A_64 = arith.constant 384 : i32
    %add3A_65 = arith.addi %mul3A_57, %add3A_64 : i32
    "tpu.region"() ({
      %run_scoped3A_219 = tpu.sem_alloc : memref<!tpu.dma_semaphore, #tpu.memory_space<semaphore_mem>>
      %dma_start3A_220 = arith.constant 0 : i32
      %dma_start3A_221 = tpu.memref_slice %arg9[%add3A_65, %dma_start3A_220] : memref<10240x64xf32, #tpu.memory_space<vmem_shared>> -> memref<128x64xf32, #tpu.memory_space<vmem_shared>>
      %dma_start3A_222 = arith.constant 0 : i32
      %dma_start3A_223 = tpu.memref_slice %arg9[%add3A_65, %dma_start3A_222] : memref<10240x64xf32, #tpu.memory_space<vmem_shared>> -> memref<128x64xf32, #tpu.memory_space<vmem_shared>>
      tpu.enqueue_dma source(%arg8 : memref<128x64xf32, #tpu.memory_space<vmem>>) target(%dma_start3A_223 : memref<128x64xf32, #tpu.memory_space<vmem_shared>>) target_semaphore(%run_scoped3A_219 : memref<!tpu.dma_semaphore, #tpu.memory_space<semaphore_mem>>)
      %dma_wait3A_224 = arith.constant 0 : i32
      %dma_wait3A_225 = tpu.memref_slice %arg9[%add3A_65, %dma_wait3A_224] : memref<10240x64xf32, #tpu.memory_space<vmem_shared>> -> memref<128x64xf32, #tpu.memory_space<vmem_shared>>
      %dma_wait3A_226 = arith.constant 0 : i32
      %dma_wait3A_227 = tpu.memref_slice %arg9[%add3A_65, %dma_wait3A_226] : memref<10240x64xf32, #tpu.memory_space<vmem_shared>> -> memref<128x64xf32, #tpu.memory_space<vmem_shared>>
      tpu.wait_dma2 semaphore(%run_scoped3A_219 : memref<!tpu.dma_semaphore, #tpu.memory_space<semaphore_mem>>) src(%arg8 : memref<128x64xf32, #tpu.memory_space<vmem>>) dst(%dma_wait3A_227 : memref<128x64xf32, #tpu.memory_space<vmem_shared>>)
      tpu.yield
    }) : () -> ()
    %add3A_66 = arith.constant 512 : i32
    %add3A_67 = arith.addi %mul3A_57, %add3A_66 : i32
    "tpu.region"() ({
      %run_scoped3A_219 = tpu.sem_alloc : memref<!tpu.dma_semaphore, #tpu.memory_space<semaphore_mem>>
      %dma_start3A_220 = arith.constant 0 : i32
      %dma_start3A_221 = tpu.memref_slice %arg9[%add3A_67, %dma_start3A_220] : memref<10240x64xf32, #tpu.memory_space<vmem_shared>> -> memref<128x64xf32, #tpu.memory_space<vmem_shared>>
      %dma_start3A_222 = arith.constant 0 : i32
      %dma_start3A_223 = tpu.memref_slice %arg9[%add3A_67, %dma_start3A_222] : memref<10240x64xf32, #tpu.memory_space<vmem_shared>> -> memref<128x64xf32, #tpu.memory_space<vmem_shared>>
      tpu.enqueue_dma source(%arg8 : memref<128x64xf32, #tpu.memory_space<vmem>>) target(%dma_start3A_223 : memref<128x64xf32, #tpu.memory_space<vmem_shared>>) target_semaphore(%run_scoped3A_219 : memref<!tpu.dma_semaphore, #tpu.memory_space<semaphore_mem>>)
      %dma_wait3A_224 = arith.constant 0 : i32
      %dma_wait3A_225 = tpu.memref_slice %arg9[%add3A_67, %dma_wait3A_224] : memref<10240x64xf32, #tpu.memory_space<vmem_shared>> -> memref<128x64xf32, #tpu.memory_space<vmem_shared>>
      %dma_wait3A_226 = arith.constant 0 : i32
      %dma_wait3A_227 = tpu.memref_slice %arg9[%add3A_67, %dma_wait3A_226] : memref<10240x64xf32, #tpu.memory_space<vmem_shared>> -> memref<128x64xf32, #tpu.memory_space<vmem_shared>>
      tpu.wait_dma2 semaphore(%run_scoped3A_219 : memref<!tpu.dma_semaphore, #tpu.memory_space<semaphore_mem>>) src(%arg8 : memref<128x64xf32, #tpu.memory_space<vmem>>) dst(%dma_wait3A_227 : memref<128x64xf32, #tpu.memory_space<vmem_shared>>)
      tpu.yield
    }) : () -> ()
    %barrier3A = arith.constant 0 : index
    tpu.barrier barrier_id(%barrier3A)
    %dma_wait3A = arith.constant 0 : i32
    %dma_wait3A_68 = arith.constant 0 : i32
    %dma_wait3A_69 = arith.constant 0 : i32
    %dma_wait3A_70 = arith.constant 0 : i32
    %dma_wait3A_71 = tpu.memref_slice %arg7[%dma_wait3A_68, %dma_wait3A_69, %dma_wait3A_70] : memref<4x128x64xf32, #tpu.memory_space<vmem>> -> memref<1x128x64xf32, #tpu.memory_space<vmem>>
    %dma_wait3A_72 = tpu.memref_squeeze %dma_wait3A_71 : memref<1x128x64xf32, #tpu.memory_space<vmem>> -> memref<128x64xf32, #tpu.memory_space<vmem>>
    %dma_wait3A_73 = arith.constant 0 : i32
    %dma_wait3A_74 = tpu.memref_slice %arg5[%dma_wait3A, %dma_wait3A_73] : memref<80x128xi32, #tpu.memory_space<vmem>> -> memref<1x128xi32, #tpu.memory_space<vmem>>
    %dma_wait3A_75 = tpu.memref_squeeze %dma_wait3A_74 : memref<1x128xi32, #tpu.memory_space<vmem>> -> memref<128xi32, #tpu.memory_space<vmem>>
    %dma_wait3A_76 = arith.constant 0 : i32
    %dma_wait3A_77 = arith.constant 0 : i32
    %dma_wait3A_78 = tpu.memref_slice %arg2[%dma_wait3A_76, %dma_wait3A_77] : memref<20480x64xf32, #tpu.memory_space<hbm>> -> memref<20480x64xf32, #tpu.memory_space<hbm>>
    tpu.wait_indirect_dma semaphore(%arg10 : memref<!tpu.dma_semaphore, #tpu.memory_space<semaphore_mem>>) src(%dma_wait3A_78 : memref<20480x64xf32, #tpu.memory_space<hbm>>) dst(%dma_wait3A_72 : memref<128x64xf32, #tpu.memory_space<vmem>>)
    %dma_start3A_79 = arith.constant 0 : i32
    %dma_start3A_80 = arith.constant 0 : i32
    %dma_start3A_81 = arith.constant 0 : i32
    %dma_start3A_82 = arith.constant 0 : i32
    %dma_start3A_83 = tpu.memref_slice %arg7[%dma_start3A_79, %dma_start3A_81, %dma_start3A_82] : memref<4x128x64xf32, #tpu.memory_space<vmem>> -> memref<1x128x64xf32, #tpu.memory_space<vmem>>
    %dma_start3A_84 = tpu.memref_squeeze %dma_start3A_83 : memref<1x128x64xf32, #tpu.memory_space<vmem>> -> memref<128x64xf32, #tpu.memory_space<vmem>>
    %dma_start3A_85 = arith.constant 0 : i32
    %dma_start3A_86 = tpu.memref_slice %arg6[%dma_start3A_80, %dma_start3A_85] : memref<80x128xi32, #tpu.memory_space<vmem>> -> memref<1x128xi32, #tpu.memory_space<vmem>>
    %dma_start3A_87 = tpu.memref_squeeze %dma_start3A_86 : memref<1x128xi32, #tpu.memory_space<vmem>> -> memref<128xi32, #tpu.memory_space<vmem>>
    %dma_start3A_88 = arith.constant 0 : i32
    %dma_start3A_89 = arith.constant 0 : i32
    %dma_start3A_90 = tpu.memref_slice %arg9[%dma_start3A_88, %dma_start3A_89] : memref<10240x64xf32, #tpu.memory_space<vmem_shared>> -> memref<10240x64xf32, #tpu.memory_space<vmem_shared>>
    tpu.enqueue_indirect_dma source(%dma_start3A_84 : memref<128x64xf32, #tpu.memory_space<vmem>>) target(%dma_start3A_90 : memref<10240x64xf32, #tpu.memory_space<vmem_shared>>) offsets(%dma_start3A_87 : memref<128xi32, #tpu.memory_space<vmem>>) semaphore(%arg11 : memref<!tpu.dma_semaphore, #tpu.memory_space<semaphore_mem>>) {add = true}
    %dma_wait3A_91 = arith.constant 1 : i32
    %dma_wait3A_92 = arith.constant 1 : i32
    %dma_wait3A_93 = arith.constant 0 : i32
    %dma_wait3A_94 = arith.constant 0 : i32
    %dma_wait3A_95 = tpu.memref_slice %arg7[%dma_wait3A_92, %dma_wait3A_93, %dma_wait3A_94] : memref<4x128x64xf32, #tpu.memory_space<vmem>> -> memref<1x128x64xf32, #tpu.memory_space<vmem>>
    %dma_wait3A_96 = tpu.memref_squeeze %dma_wait3A_95 : memref<1x128x64xf32, #tpu.memory_space<vmem>> -> memref<128x64xf32, #tpu.memory_space<vmem>>
    %dma_wait3A_97 = arith.constant 0 : i32
    %dma_wait3A_98 = tpu.memref_slice %arg5[%dma_wait3A_91, %dma_wait3A_97] : memref<80x128xi32, #tpu.memory_space<vmem>> -> memref<1x128xi32, #tpu.memory_space<vmem>>
    %dma_wait3A_99 = tpu.memref_squeeze %dma_wait3A_98 : memref<1x128xi32, #tpu.memory_space<vmem>> -> memref<128xi32, #tpu.memory_space<vmem>>
    %dma_wait3A_100 = arith.constant 0 : i32
    %dma_wait3A_101 = arith.constant 0 : i32
    %dma_wait3A_102 = tpu.memref_slice %arg2[%dma_wait3A_100, %dma_wait3A_101] : memref<20480x64xf32, #tpu.memory_space<hbm>> -> memref<20480x64xf32, #tpu.memory_space<hbm>>
    tpu.wait_indirect_dma semaphore(%arg10 : memref<!tpu.dma_semaphore, #tpu.memory_space<semaphore_mem>>) src(%dma_wait3A_102 : memref<20480x64xf32, #tpu.memory_space<hbm>>) dst(%dma_wait3A_96 : memref<128x64xf32, #tpu.memory_space<vmem>>)
    %dma_start3A_103 = arith.constant 1 : i32
    %dma_start3A_104 = arith.constant 1 : i32
    %dma_start3A_105 = arith.constant 0 : i32
    %dma_start3A_106 = arith.constant 0 : i32
    %dma_start3A_107 = tpu.memref_slice %arg7[%dma_start3A_103, %dma_start3A_105, %dma_start3A_106] : memref<4x128x64xf32, #tpu.memory_space<vmem>> -> memref<1x128x64xf32, #tpu.memory_space<vmem>>
    %dma_start3A_108 = tpu.memref_squeeze %dma_start3A_107 : memref<1x128x64xf32, #tpu.memory_space<vmem>> -> memref<128x64xf32, #tpu.memory_space<vmem>>
    %dma_start3A_109 = arith.constant 0 : i32
    %dma_start3A_110 = tpu.memref_slice %arg6[%dma_start3A_104, %dma_start3A_109] : memref<80x128xi32, #tpu.memory_space<vmem>> -> memref<1x128xi32, #tpu.memory_space<vmem>>
    %dma_start3A_111 = tpu.memref_squeeze %dma_start3A_110 : memref<1x128xi32, #tpu.memory_space<vmem>> -> memref<128xi32, #tpu.memory_space<vmem>>
    %dma_start3A_112 = arith.constant 0 : i32
    %dma_start3A_113 = arith.constant 0 : i32
    %dma_start3A_114 = tpu.memref_slice %arg9[%dma_start3A_112, %dma_start3A_113] : memref<10240x64xf32, #tpu.memory_space<vmem_shared>> -> memref<10240x64xf32, #tpu.memory_space<vmem_shared>>
    tpu.enqueue_indirect_dma source(%dma_start3A_108 : memref<128x64xf32, #tpu.memory_space<vmem>>) target(%dma_start3A_114 : memref<10240x64xf32, #tpu.memory_space<vmem_shared>>) offsets(%dma_start3A_111 : memref<128xi32, #tpu.memory_space<vmem>>) semaphore(%arg11 : memref<!tpu.dma_semaphore, #tpu.memory_space<semaphore_mem>>) {add = true}
    %scan3A_115 = arith.constant 0 : i32
    %scan3A_116 = arith.constant 2 : i32
    %scan3A_117 = arith.constant 76 : i32
    %scan3A_118 = arith.addi %scan3A_116, %scan3A_117 : i32
    %scan3A_119 = arith.constant 1 : i32
    %scan3A_120 = scf.for %scan3A_219 = %scan3A_116 to %scan3A_118 step %scan3A_119 iter_args(%scan3A_220 = %scan3A_115) -> (i32)  : i32 {
      %add3A_221 = arith.constant 2 : i32
      %add3A_222 = arith.addi %scan3A_219, %add3A_221 : i32
      %rem3A = arith.constant 4 : i32
      %rem3A_223 = arith.remsi %add3A_222, %rem3A : i32
      %sub3A = arith.constant 2 : i32
      %sub3A_224 = arith.subi %scan3A_219, %sub3A : i32
      %dma_wait3A_225 = arith.constant 0 : i32
      %dma_wait3A_226 = arith.constant 0 : i32
      %dma_wait3A_227 = tpu.memref_slice %arg7[%rem3A_223, %dma_wait3A_225, %dma_wait3A_226] : memref<4x128x64xf32, #tpu.memory_space<vmem>> -> memref<1x128x64xf32, #tpu.memory_space<vmem>>
      %dma_wait3A_228 = tpu.memref_squeeze %dma_wait3A_227 : memref<1x128x64xf32, #tpu.memory_space<vmem>> -> memref<128x64xf32, #tpu.memory_space<vmem>>
      %dma_wait3A_229 = arith.constant 0 : i32
      %dma_wait3A_230 = tpu.memref_slice %arg6[%sub3A_224, %dma_wait3A_229] : memref<80x128xi32, #tpu.memory_space<vmem>> -> memref<1x128xi32, #tpu.memory_space<vmem>>
      %dma_wait3A_231 = tpu.memref_squeeze %dma_wait3A_230 : memref<1x128xi32, #tpu.memory_space<vmem>> -> memref<128xi32, #tpu.memory_space<vmem>>
      %dma_wait3A_232 = arith.constant 0 : i32
      %dma_wait3A_233 = arith.constant 0 : i32
      %dma_wait3A_234 = tpu.memref_slice %arg9[%dma_wait3A_232, %dma_wait3A_233] : memref<10240x64xf32, #tpu.memory_space<vmem_shared>> -> memref<10240x64xf32, #tpu.memory_space<vmem_shared>>
      tpu.wait_indirect_dma semaphore(%arg11 : memref<!tpu.dma_semaphore, #tpu.memory_space<semaphore_mem>>) src(%dma_wait3A_228 : memref<128x64xf32, #tpu.memory_space<vmem>>) dst(%dma_wait3A_234 : memref<10240x64xf32, #tpu.memory_space<vmem_shared>>)
      %add3A_235 = arith.constant 2 : i32
      %add3A_236 = arith.addi %scan3A_219, %add3A_235 : i32
      %dma_start3A_237 = arith.constant 0 : i32
      %dma_start3A_238 = arith.constant 0 : i32
      %dma_start3A_239 = tpu.memref_slice %arg7[%rem3A_223, %dma_start3A_237, %dma_start3A_238] : memref<4x128x64xf32, #tpu.memory_space<vmem>> -> memref<1x128x64xf32, #tpu.memory_space<vmem>>
      %dma_start3A_240 = tpu.memref_squeeze %dma_start3A_239 : memref<1x128x64xf32, #tpu.memory_space<vmem>> -> memref<128x64xf32, #tpu.memory_space<vmem>>
      %dma_start3A_241 = arith.constant 0 : i32
      %dma_start3A_242 = tpu.memref_slice %arg5[%add3A_236, %dma_start3A_241] : memref<80x128xi32, #tpu.memory_space<vmem>> -> memref<1x128xi32, #tpu.memory_space<vmem>>
      %dma_start3A_243 = tpu.memref_squeeze %dma_start3A_242 : memref<1x128xi32, #tpu.memory_space<vmem>> -> memref<128xi32, #tpu.memory_space<vmem>>
      %dma_start3A_244 = arith.constant 0 : i32
      %dma_start3A_245 = arith.constant 0 : i32
      %dma_start3A_246 = tpu.memref_slice %arg2[%dma_start3A_244, %dma_start3A_245] : memref<20480x64xf32, #tpu.memory_space<hbm>> -> memref<20480x64xf32, #tpu.memory_space<hbm>>
      tpu.enqueue_indirect_dma source(%dma_start3A_246 : memref<20480x64xf32, #tpu.memory_space<hbm>>) target(%dma_start3A_240 : memref<128x64xf32, #tpu.memory_space<vmem>>) offsets(%dma_start3A_243 : memref<128xi32, #tpu.memory_space<vmem>>) semaphore(%arg10 : memref<!tpu.dma_semaphore, #tpu.memory_space<semaphore_mem>>)
      %rem3A_247 = arith.constant 4 : i32
      %rem3A_248 = arith.remsi %scan3A_219, %rem3A_247 : i32
      %dma_wait3A_249 = arith.constant 0 : i32
      %dma_wait3A_250 = arith.constant 0 : i32
      %dma_wait3A_251 = tpu.memref_slice %arg7[%rem3A_248, %dma_wait3A_249, %dma_wait3A_250] : memref<4x128x64xf32, #tpu.memory_space<vmem>> -> memref<1x128x64xf32, #tpu.memory_space<vmem>>
      %dma_wait3A_252 = tpu.memref_squeeze %dma_wait3A_251 : memref<1x128x64xf32, #tpu.memory_space<vmem>> -> memref<128x64xf32, #tpu.memory_space<vmem>>
      %dma_wait3A_253 = arith.constant 0 : i32
      %dma_wait3A_254 = tpu.memref_slice %arg5[%scan3A_219, %dma_wait3A_253] : memref<80x128xi32, #tpu.memory_space<vmem>> -> memref<1x128xi32, #tpu.memory_space<vmem>>
      %dma_wait3A_255 = tpu.memref_squeeze %dma_wait3A_254 : memref<1x128xi32, #tpu.memory_space<vmem>> -> memref<128xi32, #tpu.memory_space<vmem>>
      %dma_wait3A_256 = arith.constant 0 : i32
      %dma_wait3A_257 = arith.constant 0 : i32
      %dma_wait3A_258 = tpu.memref_slice %arg2[%dma_wait3A_256, %dma_wait3A_257] : memref<20480x64xf32, #tpu.memory_space<hbm>> -> memref<20480x64xf32, #tpu.memory_space<hbm>>
      tpu.wait_indirect_dma semaphore(%arg10 : memref<!tpu.dma_semaphore, #tpu.memory_space<semaphore_mem>>) src(%dma_wait3A_258 : memref<20480x64xf32, #tpu.memory_space<hbm>>) dst(%dma_wait3A_252 : memref<128x64xf32, #tpu.memory_space<vmem>>)
      %dma_start3A_259 = arith.constant 0 : i32
      %dma_start3A_260 = arith.constant 0 : i32
      %dma_start3A_261 = tpu.memref_slice %arg7[%rem3A_248, %dma_start3A_259, %dma_start3A_260] : memref<4x128x64xf32, #tpu.memory_space<vmem>> -> memref<1x128x64xf32, #tpu.memory_space<vmem>>
      %dma_start3A_262 = tpu.memref_squeeze %dma_start3A_261 : memref<1x128x64xf32, #tpu.memory_space<vmem>> -> memref<128x64xf32, #tpu.memory_space<vmem>>
      %dma_start3A_263 = arith.constant 0 : i32
      %dma_start3A_264 = tpu.memref_slice %arg6[%scan3A_219, %dma_start3A_263] : memref<80x128xi32, #tpu.memory_space<vmem>> -> memref<1x128xi32, #tpu.memory_space<vmem>>
      %dma_start3A_265 = tpu.memref_squeeze %dma_start3A_264 : memref<1x128xi32, #tpu.memory_space<vmem>> -> memref<128xi32, #tpu.memory_space<vmem>>
      %dma_start3A_266 = arith.constant 0 : i32
      %dma_start3A_267 = arith.constant 0 : i32
      %dma_start3A_268 = tpu.memref_slice %arg9[%dma_start3A_266, %dma_start3A_267] : memref<10240x64xf32, #tpu.memory_space<vmem_shared>> -> memref<10240x64xf32, #tpu.memory_space<vmem_shared>>
      tpu.enqueue_indirect_dma source(%dma_start3A_262 : memref<128x64xf32, #tpu.memory_space<vmem>>) target(%dma_start3A_268 : memref<10240x64xf32, #tpu.memory_space<vmem_shared>>) offsets(%dma_start3A_265 : memref<128xi32, #tpu.memory_space<vmem>>) semaphore(%arg11 : memref<!tpu.dma_semaphore, #tpu.memory_space<semaphore_mem>>) {add = true}
      %scan3A_269 = arith.constant 0 : i32
      scf.yield %scan3A_269 : i32
    }
    %scan3A_121 = arith.constant 76 : i32
    %dma_wait3A_122 = arith.constant 0 : i32
    %dma_wait3A_123 = arith.constant 76 : i32
    %dma_wait3A_124 = arith.constant 0 : i32
    %dma_wait3A_125 = arith.constant 0 : i32
    %dma_wait3A_126 = tpu.memref_slice %arg7[%dma_wait3A_122, %dma_wait3A_124, %dma_wait3A_125] : memref<4x128x64xf32, #tpu.memory_space<vmem>> -> memref<1x128x64xf32, #tpu.memory_space<vmem>>
    %dma_wait3A_127 = tpu.memref_squeeze %dma_wait3A_126 : memref<1x128x64xf32, #tpu.memory_space<vmem>> -> memref<128x64xf32, #tpu.memory_space<vmem>>
    %dma_wait3A_128 = arith.constant 0 : i32
    %dma_wait3A_129 = tpu.memref_slice %arg6[%dma_wait3A_123, %dma_wait3A_128] : memref<80x128xi32, #tpu.memory_space<vmem>> -> memref<1x128xi32, #tpu.memory_space<vmem>>
    %dma_wait3A_130 = tpu.memref_squeeze %dma_wait3A_129 : memref<1x128xi32, #tpu.memory_space<vmem>> -> memref<128xi32, #tpu.memory_space<vmem>>
    %dma_wait3A_131 = arith.constant 0 : i32
    %dma_wait3A_132 = arith.constant 0 : i32
    %dma_wait3A_133 = tpu.memref_slice %arg9[%dma_wait3A_131, %dma_wait3A_132] : memref<10240x64xf32, #tpu.memory_space<vmem_shared>> -> memref<10240x64xf32, #tpu.memory_space<vmem_shared>>
    tpu.wait_indirect_dma semaphore(%arg11 : memref<!tpu.dma_semaphore, #tpu.memory_space<semaphore_mem>>) src(%dma_wait3A_127 : memref<128x64xf32, #tpu.memory_space<vmem>>) dst(%dma_wait3A_133 : memref<10240x64xf32, #tpu.memory_space<vmem_shared>>)
    %dma_wait3A_134 = arith.constant 78 : i32
    %dma_wait3A_135 = arith.constant 2 : i32
    %dma_wait3A_136 = arith.constant 0 : i32
    %dma_wait3A_137 = arith.constant 0 : i32
    %dma_wait3A_138 = tpu.memref_slice %arg7[%dma_wait3A_135, %dma_wait3A_136, %dma_wait3A_137] : memref<4x128x64xf32, #tpu.memory_space<vmem>> -> memref<1x128x64xf32, #tpu.memory_space<vmem>>
    %dma_wait3A_139 = tpu.memref_squeeze %dma_wait3A_138 : memref<1x128x64xf32, #tpu.memory_space<vmem>> -> memref<128x64xf32, #tpu.memory_space<vmem>>
    %dma_wait3A_140 = arith.constant 0 : i32
    %dma_wait3A_141 = tpu.memref_slice %arg5[%dma_wait3A_134, %dma_wait3A_140] : memref<80x128xi32, #tpu.memory_space<vmem>> -> memref<1x128xi32, #tpu.memory_space<vmem>>
    %dma_wait3A_142 = tpu.memref_squeeze %dma_wait3A_141 : memref<1x128xi32, #tpu.memory_space<vmem>> -> memref<128xi32, #tpu.memory_space<vmem>>
    %dma_wait3A_143 = arith.constant 0 : i32
    %dma_wait3A_144 = arith.constant 0 : i32
    %dma_wait3A_145 = tpu.memref_slice %arg2[%dma_wait3A_143, %dma_wait3A_144] : memref<20480x64xf32, #tpu.memory_space<hbm>> -> memref<20480x64xf32, #tpu.memory_space<hbm>>
    tpu.wait_indirect_dma semaphore(%arg10 : memref<!tpu.dma_semaphore, #tpu.memory_space<semaphore_mem>>) src(%dma_wait3A_145 : memref<20480x64xf32, #tpu.memory_space<hbm>>) dst(%dma_wait3A_139 : memref<128x64xf32, #tpu.memory_space<vmem>>)
    %dma_start3A_146 = arith.constant 2 : i32
    %dma_start3A_147 = arith.constant 78 : i32
    %dma_start3A_148 = arith.constant 0 : i32
    %dma_start3A_149 = arith.constant 0 : i32
    %dma_start3A_150 = tpu.memref_slice %arg7[%dma_start3A_146, %dma_start3A_148, %dma_start3A_149] : memref<4x128x64xf32, #tpu.memory_space<vmem>> -> memref<1x128x64xf32, #tpu.memory_space<vmem>>
    %dma_start3A_151 = tpu.memref_squeeze %dma_start3A_150 : memref<1x128x64xf32, #tpu.memory_space<vmem>> -> memref<128x64xf32, #tpu.memory_space<vmem>>
    %dma_start3A_152 = arith.constant 0 : i32
    %dma_start3A_153 = tpu.memref_slice %arg6[%dma_start3A_147, %dma_start3A_152] : memref<80x128xi32, #tpu.memory_space<vmem>> -> memref<1x128xi32, #tpu.memory_space<vmem>>
    %dma_start3A_154 = tpu.memref_squeeze %dma_start3A_153 : memref<1x128xi32, #tpu.memory_space<vmem>> -> memref<128xi32, #tpu.memory_space<vmem>>
    %dma_start3A_155 = arith.constant 0 : i32
    %dma_start3A_156 = arith.constant 0 : i32
    %dma_start3A_157 = tpu.memref_slice %arg9[%dma_start3A_155, %dma_start3A_156] : memref<10240x64xf32, #tpu.memory_space<vmem_shared>> -> memref<10240x64xf32, #tpu.memory_space<vmem_shared>>
    tpu.enqueue_indirect_dma source(%dma_start3A_151 : memref<128x64xf32, #tpu.memory_space<vmem>>) target(%dma_start3A_157 : memref<10240x64xf32, #tpu.memory_space<vmem_shared>>) offsets(%dma_start3A_154 : memref<128xi32, #tpu.memory_space<vmem>>) semaphore(%arg11 : memref<!tpu.dma_semaphore, #tpu.memory_space<semaphore_mem>>) {add = true}
    %dma_wait3A_158 = arith.constant 1 : i32
    %dma_wait3A_159 = arith.constant 77 : i32
    %dma_wait3A_160 = arith.constant 0 : i32
    %dma_wait3A_161 = arith.constant 0 : i32
    %dma_wait3A_162 = tpu.memref_slice %arg7[%dma_wait3A_158, %dma_wait3A_160, %dma_wait3A_161] : memref<4x128x64xf32, #tpu.memory_space<vmem>> -> memref<1x128x64xf32, #tpu.memory_space<vmem>>
    %dma_wait3A_163 = tpu.memref_squeeze %dma_wait3A_162 : memref<1x128x64xf32, #tpu.memory_space<vmem>> -> memref<128x64xf32, #tpu.memory_space<vmem>>
    %dma_wait3A_164 = arith.constant 0 : i32
    %dma_wait3A_165 = tpu.memref_slice %arg6[%dma_wait3A_159, %dma_wait3A_164] : memref<80x128xi32, #tpu.memory_space<vmem>> -> memref<1x128xi32, #tpu.memory_space<vmem>>
    %dma_wait3A_166 = tpu.memref_squeeze %dma_wait3A_165 : memref<1x128xi32, #tpu.memory_space<vmem>> -> memref<128xi32, #tpu.memory_space<vmem>>
    %dma_wait3A_167 = arith.constant 0 : i32
    %dma_wait3A_168 = arith.constant 0 : i32
    %dma_wait3A_169 = tpu.memref_slice %arg9[%dma_wait3A_167, %dma_wait3A_168] : memref<10240x64xf32, #tpu.memory_space<vmem_shared>> -> memref<10240x64xf32, #tpu.memory_space<vmem_shared>>
    tpu.wait_indirect_dma semaphore(%arg11 : memref<!tpu.dma_semaphore, #tpu.memory_space<semaphore_mem>>) src(%dma_wait3A_163 : memref<128x64xf32, #tpu.memory_space<vmem>>) dst(%dma_wait3A_169 : memref<10240x64xf32, #tpu.memory_space<vmem_shared>>)
    %dma_wait3A_170 = arith.constant 79 : i32
    %dma_wait3A_171 = arith.constant 3 : i32
    %dma_wait3A_172 = arith.constant 0 : i32
    %dma_wait3A_173 = arith.constant 0 : i32
    %dma_wait3A_174 = tpu.memref_slice %arg7[%dma_wait3A_171, %dma_wait3A_172, %dma_wait3A_173] : memref<4x128x64xf32, #tpu.memory_space<vmem>> -> memref<1x128x64xf32, #tpu.memory_space<vmem>>
    %dma_wait3A_175 = tpu.memref_squeeze %dma_wait3A_174 : memref<1x128x64xf32, #tpu.memory_space<vmem>> -> memref<128x64xf32, #tpu.memory_space<vmem>>
    %dma_wait3A_176 = arith.constant 0 : i32
    %dma_wait3A_177 = tpu.memref_slice %arg5[%dma_wait3A_170, %dma_wait3A_176] : memref<80x128xi32, #tpu.memory_space<vmem>> -> memref<1x128xi32, #tpu.memory_space<vmem>>
    %dma_wait3A_178 = tpu.memref_squeeze %dma_wait3A_177 : memref<1x128xi32, #tpu.memory_space<vmem>> -> memref<128xi32, #tpu.memory_space<vmem>>
    %dma_wait3A_179 = arith.constant 0 : i32
    %dma_wait3A_180 = arith.constant 0 : i32
    %dma_wait3A_181 = tpu.memref_slice %arg2[%dma_wait3A_179, %dma_wait3A_180] : memref<20480x64xf32, #tpu.memory_space<hbm>> -> memref<20480x64xf32, #tpu.memory_space<hbm>>
    tpu.wait_indirect_dma semaphore(%arg10 : memref<!tpu.dma_semaphore, #tpu.memory_space<semaphore_mem>>) src(%dma_wait3A_181 : memref<20480x64xf32, #tpu.memory_space<hbm>>) dst(%dma_wait3A_175 : memref<128x64xf32, #tpu.memory_space<vmem>>)
    %dma_start3A_182 = arith.constant 3 : i32
    %dma_start3A_183 = arith.constant 79 : i32
    %dma_start3A_184 = arith.constant 0 : i32
    %dma_start3A_185 = arith.constant 0 : i32
    %dma_start3A_186 = tpu.memref_slice %arg7[%dma_start3A_182, %dma_start3A_184, %dma_start3A_185] : memref<4x128x64xf32, #tpu.memory_space<vmem>> -> memref<1x128x64xf32, #tpu.memory_space<vmem>>
    %dma_start3A_187 = tpu.memref_squeeze %dma_start3A_186 : memref<1x128x64xf32, #tpu.memory_space<vmem>> -> memref<128x64xf32, #tpu.memory_space<vmem>>
    %dma_start3A_188 = arith.constant 0 : i32
    %dma_start3A_189 = tpu.memref_slice %arg6[%dma_start3A_183, %dma_start3A_188] : memref<80x128xi32, #tpu.memory_space<vmem>> -> memref<1x128xi32, #tpu.memory_space<vmem>>
    %dma_start3A_190 = tpu.memref_squeeze %dma_start3A_189 : memref<1x128xi32, #tpu.memory_space<vmem>> -> memref<128xi32, #tpu.memory_space<vmem>>
    %dma_start3A_191 = arith.constant 0 : i32
    %dma_start3A_192 = arith.constant 0 : i32
    %dma_start3A_193 = tpu.memref_slice %arg9[%dma_start3A_191, %dma_start3A_192] : memref<10240x64xf32, #tpu.memory_space<vmem_shared>> -> memref<10240x64xf32, #tpu.memory_space<vmem_shared>>
    tpu.enqueue_indirect_dma source(%dma_start3A_187 : memref<128x64xf32, #tpu.memory_space<vmem>>) target(%dma_start3A_193 : memref<10240x64xf32, #tpu.memory_space<vmem_shared>>) offsets(%dma_start3A_190 : memref<128xi32, #tpu.memory_space<vmem>>) semaphore(%arg11 : memref<!tpu.dma_semaphore, #tpu.memory_space<semaphore_mem>>) {add = true}
    %dma_wait3A_194 = arith.constant 2 : i32
    %dma_wait3A_195 = arith.constant 78 : i32
    %dma_wait3A_196 = arith.constant 0 : i32
    %dma_wait3A_197 = arith.constant 0 : i32
    %dma_wait3A_198 = tpu.memref_slice %arg7[%dma_wait3A_194, %dma_wait3A_196, %dma_wait3A_197] : memref<4x128x64xf32, #tpu.memory_space<vmem>> -> memref<1x128x64xf32, #tpu.memory_space<vmem>>
    %dma_wait3A_199 = tpu.memref_squeeze %dma_wait3A_198 : memref<1x128x64xf32, #tpu.memory_space<vmem>> -> memref<128x64xf32, #tpu.memory_space<vmem>>
    %dma_wait3A_200 = arith.constant 0 : i32
    %dma_wait3A_201 = tpu.memref_slice %arg6[%dma_wait3A_195, %dma_wait3A_200] : memref<80x128xi32, #tpu.memory_space<vmem>> -> memref<1x128xi32, #tpu.memory_space<vmem>>
    %dma_wait3A_202 = tpu.memref_squeeze %dma_wait3A_201 : memref<1x128xi32, #tpu.memory_space<vmem>> -> memref<128xi32, #tpu.memory_space<vmem>>
    %dma_wait3A_203 = arith.constant 0 : i32
    %dma_wait3A_204 = arith.constant 0 : i32
    %dma_wait3A_205 = tpu.memref_slice %arg9[%dma_wait3A_203, %dma_wait3A_204] : memref<10240x64xf32, #tpu.memory_space<vmem_shared>> -> memref<10240x64xf32, #tpu.memory_space<vmem_shared>>
    tpu.wait_indirect_dma semaphore(%arg11 : memref<!tpu.dma_semaphore, #tpu.memory_space<semaphore_mem>>) src(%dma_wait3A_199 : memref<128x64xf32, #tpu.memory_space<vmem>>) dst(%dma_wait3A_205 : memref<10240x64xf32, #tpu.memory_space<vmem_shared>>)
    %dma_wait3A_206 = arith.constant 3 : i32
    %dma_wait3A_207 = arith.constant 79 : i32
    %dma_wait3A_208 = arith.constant 0 : i32
    %dma_wait3A_209 = arith.constant 0 : i32
    %dma_wait3A_210 = tpu.memref_slice %arg7[%dma_wait3A_206, %dma_wait3A_208, %dma_wait3A_209] : memref<4x128x64xf32, #tpu.memory_space<vmem>> -> memref<1x128x64xf32, #tpu.memory_space<vmem>>
    %dma_wait3A_211 = tpu.memref_squeeze %dma_wait3A_210 : memref<1x128x64xf32, #tpu.memory_space<vmem>> -> memref<128x64xf32, #tpu.memory_space<vmem>>
    %dma_wait3A_212 = arith.constant 0 : i32
    %dma_wait3A_213 = tpu.memref_slice %arg6[%dma_wait3A_207, %dma_wait3A_212] : memref<80x128xi32, #tpu.memory_space<vmem>> -> memref<1x128xi32, #tpu.memory_space<vmem>>
    %dma_wait3A_214 = tpu.memref_squeeze %dma_wait3A_213 : memref<1x128xi32, #tpu.memory_space<vmem>> -> memref<128xi32, #tpu.memory_space<vmem>>
    %dma_wait3A_215 = arith.constant 0 : i32
    %dma_wait3A_216 = arith.constant 0 : i32
    %dma_wait3A_217 = tpu.memref_slice %arg9[%dma_wait3A_215, %dma_wait3A_216] : memref<10240x64xf32, #tpu.memory_space<vmem_shared>> -> memref<10240x64xf32, #tpu.memory_space<vmem_shared>>
    tpu.wait_indirect_dma semaphore(%arg11 : memref<!tpu.dma_semaphore, #tpu.memory_space<semaphore_mem>>) src(%dma_wait3A_211 : memref<128x64xf32, #tpu.memory_space<vmem>>) dst(%dma_wait3A_217 : memref<10240x64xf32, #tpu.memory_space<vmem_shared>>)
    %barrier3A_218 = arith.constant 0 : index
    tpu.barrier barrier_id(%barrier3A_218)
    "tpu.region"() ({
      %run_scoped3A_219 = tpu.sem_alloc : memref<!tpu.dma_semaphore, #tpu.memory_space<semaphore_mem>>
      %dma_start3A_220 = arith.constant 0 : i32
      %dma_start3A_221 = tpu.memref_slice %arg4[%arg0, %mul3A_57, %dma_start3A_220] : memref<2x10240x64xf32, #tpu.memory_space<hbm>> -> memref<1x640x64xf32, #tpu.memory_space<hbm>>
      %dma_start3A_222 = tpu.memref_squeeze %dma_start3A_221 : memref<1x640x64xf32, #tpu.memory_space<hbm>> -> memref<640x64xf32, #tpu.memory_space<hbm>>
      %dma_start3A_223 = arith.constant 0 : i32
      %dma_start3A_224 = tpu.memref_slice %arg9[%mul3A_57, %dma_start3A_223] : memref<10240x64xf32, #tpu.memory_space<vmem_shared>> -> memref<640x64xf32, #tpu.memory_space<vmem_shared>>
      tpu.enqueue_dma source(%dma_start3A_224 : memref<640x64xf32, #tpu.memory_space<vmem_shared>>) target(%dma_start3A_222 : memref<640x64xf32, #tpu.memory_space<hbm>>) target_semaphore(%run_scoped3A_219 : memref<!tpu.dma_semaphore, #tpu.memory_space<semaphore_mem>>)
      %dma_wait3A_225 = arith.constant 0 : i32
      %dma_wait3A_226 = tpu.memref_slice %arg4[%arg0, %mul3A_57, %dma_wait3A_225] : memref<2x10240x64xf32, #tpu.memory_space<hbm>> -> memref<1x640x64xf32, #tpu.memory_space<hbm>>
      %dma_wait3A_227 = tpu.memref_squeeze %dma_wait3A_226 : memref<1x640x64xf32, #tpu.memory_space<hbm>> -> memref<640x64xf32, #tpu.memory_space<hbm>>
      %dma_wait3A_228 = arith.constant 0 : i32
      %dma_wait3A_229 = tpu.memref_slice %arg9[%mul3A_57, %dma_wait3A_228] : memref<10240x64xf32, #tpu.memory_space<vmem_shared>> -> memref<640x64xf32, #tpu.memory_space<vmem_shared>>
      tpu.wait_dma2 semaphore(%run_scoped3A_219 : memref<!tpu.dma_semaphore, #tpu.memory_space<semaphore_mem>>) src(%dma_wait3A_229 : memref<640x64xf32, #tpu.memory_space<vmem_shared>>) dst(%dma_wait3A_227 : memref<640x64xf32, #tpu.memory_space<hbm>>)
      tpu.yield
    }) : () -> ()
    return
  }
}

#map = affine_map<(d0, d1) -> (0, 0)>
#map1 = affine_map<(d0, d1) -> (0, 0, 0, 0)>
#map2 = affine_map<(d0, d1) -> (0, 0, 0)>
module attributes {stable_mosaic.version = 14 : i64} {
  func.func @seg_sum(%arg0: i32, %arg1: i32, %arg2: memref<20480x64xf32, #tpu.memory_space<hbm>>, %arg3: memref<2x32x80x128xi32, #tpu.memory_space<hbm>>, %arg4: memref<2x10240x64xf32, #tpu.memory_space<hbm>>, %arg5: memref<80x128xi32, #tpu.memory_space<vmem>>, %arg6: memref<80x128xi32, #tpu.memory_space<vmem>>, %arg7: memref<4x128x64xf32, #tpu.memory_space<vmem>>, %arg8: memref<128x64xf32, #tpu.memory_space<vmem>>, %arg9: memref<10240x64xf32, #tpu.memory_space<vmem_shared>>, %arg10: memref<!tpu.dma_semaphore, #tpu.memory_space<semaphore_mem>>, %arg11: memref<!tpu.dma_semaphore, #tpu.memory_space<semaphore_mem>>) attributes {dimension_semantics = [#tpu.dimension_semantics<core_parallel>, #tpu.dimension_semantics<subcore_parallel>], iteration_bounds = array<i64: 2, 16>, scalar_prefetch = 0 : i64, scratch_operands = 7 : i64, tpu.core_type = #tpu.core_type<sc_vector_subcore>, window_params = [{transform_indices = #map}, {transform_indices = #map1}, {transform_indices = #map2}]} {
    %mul3A = arith.constant 16 : i32
    %mul3A_0 = arith.muli %arg0, %mul3A : i32
    %add3A = arith.addi %mul3A_0, %arg1 : i32
    %run_scoped3A = arith.constant 0 : i32
    "tpu.region"() ({
      %run_scoped3A_219 = tpu.sem_alloc : memref<!tpu.dma_semaphore, #tpu.memory_space<semaphore_mem>>
      %dma_start3A_220 = arith.constant 0 : i32
      %dma_start3A_221 = arith.constant 0 : i32
      %dma_start3A_222 = tpu.memref_slice %arg3[%run_scoped3A, %add3A, %dma_start3A_220, %dma_start3A_221] : memref<2x32x80x128xi32, #tpu.memory_space<hbm>> -> memref<1x1x80x128xi32, #tpu.memory_space<hbm>>
      %dma_start3A_223 = tpu.memref_squeeze %dma_start3A_222 : memref<1x1x80x128xi32, #tpu.memory_space<hbm>> -> memref<80x128xi32, #tpu.memory_space<hbm>>
      %dma_start3A_224 = arith.constant 0 : i32
      %dma_start3A_225 = arith.constant 0 : i32
      %dma_start3A_226 = tpu.memref_slice %arg3[%run_scoped3A, %add3A, %dma_start3A_224, %dma_start3A_225] : memref<2x32x80x128xi32, #tpu.memory_space<hbm>> -> memref<1x1x80x128xi32, #tpu.memory_space<hbm>>
      %dma_start3A_227 = tpu.memref_squeeze %dma_start3A_226 : memref<1x1x80x128xi32, #tpu.memory_space<hbm>> -> memref<80x128xi32, #tpu.memory_space<hbm>>
      tpu.enqueue_dma source(%dma_start3A_227 : memref<80x128xi32, #tpu.memory_space<hbm>>) target(%arg5 : memref<80x128xi32, #tpu.memory_space<vmem>>) target_semaphore(%run_scoped3A_219 : memref<!tpu.dma_semaphore, #tpu.memory_space<semaphore_mem>>)
      %dma_wait3A_228 = arith.constant 0 : i32
      %dma_wait3A_229 = arith.constant 0 : i32
      %dma_wait3A_230 = tpu.memref_slice %arg3[%run_scoped3A, %add3A, %dma_wait3A_228, %dma_wait3A_229] : memref<2x32x80x128xi32, #tpu.memory_space<hbm>> -> memref<1x1x80x128xi32, #tpu.memory_space<hbm>>
      %dma_wait3A_231 = tpu.memref_squeeze %dma_wait3A_230 : memref<1x1x80x128xi32, #tpu.memory_space<hbm>> -> memref<80x128xi32, #tpu.memory_space<hbm>>
      %dma_wait3A_232 = arith.constant 0 : i32
      %dma_wait3A_233 = arith.constant 0 : i32
      %dma_wait3A_234 = tpu.memref_slice %arg3[%run_scoped3A, %add3A, %dma_wait3A_232, %dma_wait3A_233] : memref<2x32x80x128xi32, #tpu.memory_space<hbm>> -> memref<1x1x80x128xi32, #tpu.memory_space<hbm>>
      %dma_wait3A_235 = tpu.memref_squeeze %dma_wait3A_234 : memref<1x1x80x128xi32, #tpu.memory_space<hbm>> -> memref<80x128xi32, #tpu.memory_space<hbm>>
      tpu.wait_dma2 semaphore(%run_scoped3A_219 : memref<!tpu.dma_semaphore, #tpu.memory_space<semaphore_mem>>) src(%dma_wait3A_235 : memref<80x128xi32, #tpu.memory_space<hbm>>) dst(%arg5 : memref<80x128xi32, #tpu.memory_space<vmem>>)
      tpu.yield
    }) : () -> ()
    %run_scoped3A_1 = arith.constant 1 : i32
    "tpu.region"() ({
      %run_scoped3A_219 = tpu.sem_alloc : memref<!tpu.dma_semaphore, #tpu.memory_space<semaphore_mem>>
      %dma_start3A_220 = arith.constant 0 : i32
      %dma_start3A_221 = arith.constant 0 : i32
      %dma_start3A_222 = tpu.memref_slice %arg3[%run_scoped3A_1, %add3A, %dma_start3A_220, %dma_start3A_221] : memref<2x32x80x128xi32, #tpu.memory_space<hbm>> -> memref<1x1x80x128xi32, #tpu.memory_space<hbm>>
      %dma_start3A_223 = tpu.memref_squeeze %dma_start3A_222 : memref<1x1x80x128xi32, #tpu.memory_space<hbm>> -> memref<80x128xi32, #tpu.memory_space<hbm>>
      %dma_start3A_224 = arith.constant 0 : i32
      %dma_start3A_225 = arith.constant 0 : i32
      %dma_start3A_226 = tpu.memref_slice %arg3[%run_scoped3A_1, %add3A, %dma_start3A_224, %dma_start3A_225] : memref<2x32x80x128xi32, #tpu.memory_space<hbm>> -> memref<1x1x80x128xi32, #tpu.memory_space<hbm>>
      %dma_start3A_227 = tpu.memref_squeeze %dma_start3A_226 : memref<1x1x80x128xi32, #tpu.memory_space<hbm>> -> memref<80x128xi32, #tpu.memory_space<hbm>>
      tpu.enqueue_dma source(%dma_start3A_227 : memref<80x128xi32, #tpu.memory_space<hbm>>) target(%arg6 : memref<80x128xi32, #tpu.memory_space<vmem>>) target_semaphore(%run_scoped3A_219 : memref<!tpu.dma_semaphore, #tpu.memory_space<semaphore_mem>>)
      %dma_wait3A_228 = arith.constant 0 : i32
      %dma_wait3A_229 = arith.constant 0 : i32
      %dma_wait3A_230 = tpu.memref_slice %arg3[%run_scoped3A_1, %add3A, %dma_wait3A_228, %dma_wait3A_229] : memref<2x32x80x128xi32, #tpu.memory_space<hbm>> -> memref<1x1x80x128xi32, #tpu.memory_space<hbm>>
      %dma_wait3A_231 = tpu.memref_squeeze %dma_wait3A_230 : memref<1x1x80x128xi32, #tpu.memory_space<hbm>> -> memref<80x128xi32, #tpu.memory_space<hbm>>
      %dma_wait3A_232 = arith.constant 0 : i32
      %dma_wait3A_233 = arith.constant 0 : i32
      %dma_wait3A_234 = tpu.memref_slice %arg3[%run_scoped3A_1, %add3A, %dma_wait3A_232, %dma_wait3A_233] : memref<2x32x80x128xi32, #tpu.memory_space<hbm>> -> memref<1x1x80x128xi32, #tpu.memory_space<hbm>>
      %dma_wait3A_235 = tpu.memref_squeeze %dma_wait3A_234 : memref<1x1x80x128xi32, #tpu.memory_space<hbm>> -> memref<80x128xi32, #tpu.memory_space<hbm>>
      tpu.wait_dma2 semaphore(%run_scoped3A_219 : memref<!tpu.dma_semaphore, #tpu.memory_space<semaphore_mem>>) src(%dma_wait3A_235 : memref<80x128xi32, #tpu.memory_space<hbm>>) dst(%arg6 : memref<80x128xi32, #tpu.memory_space<vmem>>)
      tpu.yield
    }) : () -> ()
    %broadcast_in_dim3A = arith.constant 0.000000e+00 : f32
    %broadcast_in_dim3A_2 = vector.broadcast %broadcast_in_dim3A : f32 to vector<16xf32>
    %dma_start3A = arith.constant 0 : i32
    %dma_start3A_3 = arith.constant 0 : i32
    %dma_start3A_4 = arith.constant 0 : i32
    %dma_start3A_5 = arith.constant 0 : i32
    %dma_start3A_6 = tpu.memref_slice %arg7[%dma_start3A_3, %dma_start3A_4, %dma_start3A_5] : memref<4x128x64xf32, #tpu.memory_space<vmem>> -> memref<1x128x64xf32, #tpu.memory_space<vmem>>
    %dma_start3A_7 = tpu.memref_squeeze %dma_start3A_6 : memref<1x128x64xf32, #tpu.memory_space<vmem>> -> memref<128x64xf32, #tpu.memory_space<vmem>>
    %dma_start3A_8 = arith.constant 0 : i32
    %dma_start3A_9 = tpu.memref_slice %arg5[%dma_start3A, %dma_start3A_8] : memref<80x128xi32, #tpu.memory_space<vmem>> -> memref<1x128xi32, #tpu.memory_space<vmem>>
    %dma_start3A_10 = tpu.memref_squeeze %dma_start3A_9 : memref<1x128xi32, #tpu.memory_space<vmem>> -> memref<128xi32, #tpu.memory_space<vmem>>
    %dma_start3A_11 = arith.constant 0 : i32
    %dma_start3A_12 = arith.constant 0 : i32
    %dma_start3A_13 = tpu.memref_slice %arg2[%dma_start3A_11, %dma_start3A_12] : memref<20480x64xf32, #tpu.memory_space<hbm>> -> memref<20480x64xf32, #tpu.memory_space<hbm>>
    tpu.enqueue_indirect_dma source(%dma_start3A_13 : memref<20480x64xf32, #tpu.memory_space<hbm>>) target(%dma_start3A_7 : memref<128x64xf32, #tpu.memory_space<vmem>>) offsets(%dma_start3A_10 : memref<128xi32, #tpu.memory_space<vmem>>) semaphore(%arg10 : memref<!tpu.dma_semaphore, #tpu.memory_space<semaphore_mem>>)
    %dma_start3A_14 = arith.constant 1 : i32
    %dma_start3A_15 = arith.constant 1 : i32
    %dma_start3A_16 = arith.constant 0 : i32
    %dma_start3A_17 = arith.constant 0 : i32
    %dma_start3A_18 = tpu.memref_slice %arg7[%dma_start3A_15, %dma_start3A_16, %dma_start3A_17] : memref<4x128x64xf32, #tpu.memory_space<vmem>> -> memref<1x128x64xf32, #tpu.memory_space<vmem>>
    %dma_start3A_19 = tpu.memref_squeeze %dma_start3A_18 : memref<1x128x64xf32, #tpu.memory_space<vmem>> -> memref<128x64xf32, #tpu.memory_space<vmem>>
    %dma_start3A_20 = arith.constant 0 : i32
    %dma_start3A_21 = tpu.memref_slice %arg5[%dma_start3A_14, %dma_start3A_20] : memref<80x128xi32, #tpu.memory_space<vmem>> -> memref<1x128xi32, #tpu.memory_space<vmem>>
    %dma_start3A_22 = tpu.memref_squeeze %dma_start3A_21 : memref<1x128xi32, #tpu.memory_space<vmem>> -> memref<128xi32, #tpu.memory_space<vmem>>
    %dma_start3A_23 = arith.constant 0 : i32
    %dma_start3A_24 = arith.constant 0 : i32
    %dma_start3A_25 = tpu.memref_slice %arg2[%dma_start3A_23, %dma_start3A_24] : memref<20480x64xf32, #tpu.memory_space<hbm>> -> memref<20480x64xf32, #tpu.memory_space<hbm>>
    tpu.enqueue_indirect_dma source(%dma_start3A_25 : memref<20480x64xf32, #tpu.memory_space<hbm>>) target(%dma_start3A_19 : memref<128x64xf32, #tpu.memory_space<vmem>>) offsets(%dma_start3A_22 : memref<128xi32, #tpu.memory_space<vmem>>) semaphore(%arg10 : memref<!tpu.dma_semaphore, #tpu.memory_space<semaphore_mem>>)
    %dma_start3A_26 = arith.constant 2 : i32
    %dma_start3A_27 = arith.constant 2 : i32
    %dma_start3A_28 = arith.constant 0 : i32
    %dma_start3A_29 = arith.constant 0 : i32
    %dma_start3A_30 = tpu.memref_slice %arg7[%dma_start3A_27, %dma_start3A_28, %dma_start3A_29] : memref<4x128x64xf32, #tpu.memory_space<vmem>> -> memref<1x128x64xf32, #tpu.memory_space<vmem>>
    %dma_start3A_31 = tpu.memref_squeeze %dma_start3A_30 : memref<1x128x64xf32, #tpu.memory_space<vmem>> -> memref<128x64xf32, #tpu.memory_space<vmem>>
    %dma_start3A_32 = arith.constant 0 : i32
    %dma_start3A_33 = tpu.memref_slice %arg5[%dma_start3A_26, %dma_start3A_32] : memref<80x128xi32, #tpu.memory_space<vmem>> -> memref<1x128xi32, #tpu.memory_space<vmem>>
    %dma_start3A_34 = tpu.memref_squeeze %dma_start3A_33 : memref<1x128xi32, #tpu.memory_space<vmem>> -> memref<128xi32, #tpu.memory_space<vmem>>
    %dma_start3A_35 = arith.constant 0 : i32
    %dma_start3A_36 = arith.constant 0 : i32
    %dma_start3A_37 = tpu.memref_slice %arg2[%dma_start3A_35, %dma_start3A_36] : memref<20480x64xf32, #tpu.memory_space<hbm>> -> memref<20480x64xf32, #tpu.memory_space<hbm>>
    tpu.enqueue_indirect_dma source(%dma_start3A_37 : memref<20480x64xf32, #tpu.memory_space<hbm>>) target(%dma_start3A_31 : memref<128x64xf32, #tpu.memory_space<vmem>>) offsets(%dma_start3A_34 : memref<128xi32, #tpu.memory_space<vmem>>) semaphore(%arg10 : memref<!tpu.dma_semaphore, #tpu.memory_space<semaphore_mem>>)
    %dma_start3A_38 = arith.constant 3 : i32
    %dma_start3A_39 = arith.constant 3 : i32
    %dma_start3A_40 = arith.constant 0 : i32
    %dma_start3A_41 = arith.constant 0 : i32
    %dma_start3A_42 = tpu.memref_slice %arg7[%dma_start3A_39, %dma_start3A_40, %dma_start3A_41] : memref<4x128x64xf32, #tpu.memory_space<vmem>> -> memref<1x128x64xf32, #tpu.memory_space<vmem>>
    %dma_start3A_43 = tpu.memref_squeeze %dma_start3A_42 : memref<1x128x64xf32, #tpu.memory_space<vmem>> -> memref<128x64xf32, #tpu.memory_space<vmem>>
    %dma_start3A_44 = arith.constant 0 : i32
    %dma_start3A_45 = tpu.memref_slice %arg5[%dma_start3A_38, %dma_start3A_44] : memref<80x128xi32, #tpu.memory_space<vmem>> -> memref<1x128xi32, #tpu.memory_space<vmem>>
    %dma_start3A_46 = tpu.memref_squeeze %dma_start3A_45 : memref<1x128xi32, #tpu.memory_space<vmem>> -> memref<128xi32, #tpu.memory_space<vmem>>
    %dma_start3A_47 = arith.constant 0 : i32
    %dma_start3A_48 = arith.constant 0 : i32
    %dma_start3A_49 = tpu.memref_slice %arg2[%dma_start3A_47, %dma_start3A_48] : memref<20480x64xf32, #tpu.memory_space<hbm>> -> memref<20480x64xf32, #tpu.memory_space<hbm>>
    tpu.enqueue_indirect_dma source(%dma_start3A_49 : memref<20480x64xf32, #tpu.memory_space<hbm>>) target(%dma_start3A_43 : memref<128x64xf32, #tpu.memory_space<vmem>>) offsets(%dma_start3A_46 : memref<128xi32, #tpu.memory_space<vmem>>) semaphore(%arg10 : memref<!tpu.dma_semaphore, #tpu.memory_space<semaphore_mem>>)
    %scan3A = arith.constant 0 : i32
    %scan3A_50 = arith.constant 0 : i32
    %scan3A_51 = arith.constant 128 : i32
    %scan3A_52 = arith.addi %scan3A_50, %scan3A_51 : i32
    %scan3A_53 = arith.constant 1 : i32
    %scan3A_54 = scf.for %scan3A_219 = %scan3A_50 to %scan3A_52 step %scan3A_53 iter_args(%scan3A_220 = %scan3A) -> (i32)  : i32 {
      %swap3A = arith.index_cast %scan3A_219 : i32 to index
      %swap3A_221 = arith.constant 0 : index
      %swap3A_222 = tpu.vector_load %arg8[%swap3A, %swap3A_221] {strides = array<i32>} : memref<128x64xf32, #tpu.memory_space<vmem>>, vector<1x16xf32>,
      %swap3A_223 = vector.shape_cast %swap3A_222 : vector<1x16xf32> to vector<16xf32>
      %swap3A_224 = vector.shape_cast %broadcast_in_dim3A_2 : vector<16xf32> to vector<1x16xf32>
      tpu.vector_store %arg8[%swap3A, %swap3A_221], %swap3A_224 {strides = array<i32>} : memref<128x64xf32, #tpu.memory_space<vmem>>, vector<1x16xf32>,
      %swap3A_225 = arith.index_cast %scan3A_219 : i32 to index
      %swap3A_226 = arith.constant 16 : index
      %swap3A_227 = tpu.vector_load %arg8[%swap3A_225, %swap3A_226] {strides = array<i32>} : memref<128x64xf32, #tpu.memory_space<vmem>>, vector<1x16xf32>,
      %swap3A_228 = vector.shape_cast %swap3A_227 : vector<1x16xf32> to vector<16xf32>
      %swap3A_229 = vector.shape_cast %broadcast_in_dim3A_2 : vector<16xf32> to vector<1x16xf32>
      tpu.vector_store %arg8[%swap3A_225, %swap3A_226], %swap3A_229 {strides = array<i32>} : memref<128x64xf32, #tpu.memory_space<vmem>>, vector<1x16xf32>,
      %swap3A_230 = arith.index_cast %scan3A_219 : i32 to index
      %swap3A_231 = arith.constant 32 : index
      %swap3A_232 = tpu.vector_load %arg8[%swap3A_230, %swap3A_231] {strides = array<i32>} : memref<128x64xf32, #tpu.memory_space<vmem>>, vector<1x16xf32>,
      %swap3A_233 = vector.shape_cast %swap3A_232 : vector<1x16xf32> to vector<16xf32>
      %swap3A_234 = vector.shape_cast %broadcast_in_dim3A_2 : vector<16xf32> to vector<1x16xf32>
      tpu.vector_store %arg8[%swap3A_230, %swap3A_231], %swap3A_234 {strides = array<i32>} : memref<128x64xf32, #tpu.memory_space<vmem>>, vector<1x16xf32>,
      %swap3A_235 = arith.index_cast %scan3A_219 : i32 to index
      %swap3A_236 = arith.constant 48 : index
      %swap3A_237 = tpu.vector_load %arg8[%swap3A_235, %swap3A_236] {strides = array<i32>} : memref<128x64xf32, #tpu.memory_space<vmem>>, vector<1x16xf32>,
      %swap3A_238 = vector.shape_cast %swap3A_237 : vector<1x16xf32> to vector<16xf32>
      %swap3A_239 = vector.shape_cast %broadcast_in_dim3A_2 : vector<16xf32> to vector<1x16xf32>
      tpu.vector_store %arg8[%swap3A_235, %swap3A_236], %swap3A_239 {strides = array<i32>} : memref<128x64xf32, #tpu.memory_space<vmem>>, vector<1x16xf32>,
      %scan3A_240 = arith.constant 0 : i32
      scf.yield %scan3A_240 : i32
    }
    %scan3A_55 = arith.constant 128 : i32
    %mul3A_56 = arith.constant 640 : i32
    %mul3A_57 = arith.muli %arg1, %mul3A_56 : i32
    %add3A_58 = arith.constant 0 : i32
    %add3A_59 = arith.addi %mul3A_57, %add3A_58 : i32
    "tpu.region"() ({
      %run_scoped3A_219 = tpu.sem_alloc : memref<!tpu.dma_semaphore, #tpu.memory_space<semaphore_mem>>
      %dma_start3A_220 = arith.constant 0 : i32
      %dma_start3A_221 = tpu.memref_slice %arg9[%add3A_59, %dma_start3A_220] : memref<10240x64xf32, #tpu.memory_space<vmem_shared>> -> memref<128x64xf32, #tpu.memory_space<vmem_shared>>
      %dma_start3A_222 = arith.constant 0 : i32
      %dma_start3A_223 = tpu.memref_slice %arg9[%add3A_59, %dma_start3A_222] : memref<10240x64xf32, #tpu.memory_space<vmem_shared>> -> memref<128x64xf32, #tpu.memory_space<vmem_shared>>
      tpu.enqueue_dma source(%arg8 : memref<128x64xf32, #tpu.memory_space<vmem>>) target(%dma_start3A_223 : memref<128x64xf32, #tpu.memory_space<vmem_shared>>) target_semaphore(%run_scoped3A_219 : memref<!tpu.dma_semaphore, #tpu.memory_space<semaphore_mem>>)
      %dma_wait3A_224 = arith.constant 0 : i32
      %dma_wait3A_225 = tpu.memref_slice %arg9[%add3A_59, %dma_wait3A_224] : memref<10240x64xf32, #tpu.memory_space<vmem_shared>> -> memref<128x64xf32, #tpu.memory_space<vmem_shared>>
      %dma_wait3A_226 = arith.constant 0 : i32
      %dma_wait3A_227 = tpu.memref_slice %arg9[%add3A_59, %dma_wait3A_226] : memref<10240x64xf32, #tpu.memory_space<vmem_shared>> -> memref<128x64xf32, #tpu.memory_space<vmem_shared>>
      tpu.wait_dma2 semaphore(%run_scoped3A_219 : memref<!tpu.dma_semaphore, #tpu.memory_space<semaphore_mem>>) src(%arg8 : memref<128x64xf32, #tpu.memory_space<vmem>>) dst(%dma_wait3A_227 : memref<128x64xf32, #tpu.memory_space<vmem_shared>>)
      tpu.yield
    }) : () -> ()
    %add3A_60 = arith.constant 128 : i32
    %add3A_61 = arith.addi %mul3A_57, %add3A_60 : i32
    "tpu.region"() ({
      %run_scoped3A_219 = tpu.sem_alloc : memref<!tpu.dma_semaphore, #tpu.memory_space<semaphore_mem>>
      %dma_start3A_220 = arith.constant 0 : i32
      %dma_start3A_221 = tpu.memref_slice %arg9[%add3A_61, %dma_start3A_220] : memref<10240x64xf32, #tpu.memory_space<vmem_shared>> -> memref<128x64xf32, #tpu.memory_space<vmem_shared>>
      %dma_start3A_222 = arith.constant 0 : i32
      %dma_start3A_223 = tpu.memref_slice %arg9[%add3A_61, %dma_start3A_222] : memref<10240x64xf32, #tpu.memory_space<vmem_shared>> -> memref<128x64xf32, #tpu.memory_space<vmem_shared>>
      tpu.enqueue_dma source(%arg8 : memref<128x64xf32, #tpu.memory_space<vmem>>) target(%dma_start3A_223 : memref<128x64xf32, #tpu.memory_space<vmem_shared>>) target_semaphore(%run_scoped3A_219 : memref<!tpu.dma_semaphore, #tpu.memory_space<semaphore_mem>>)
      %dma_wait3A_224 = arith.constant 0 : i32
      %dma_wait3A_225 = tpu.memref_slice %arg9[%add3A_61, %dma_wait3A_224] : memref<10240x64xf32, #tpu.memory_space<vmem_shared>> -> memref<128x64xf32, #tpu.memory_space<vmem_shared>>
      %dma_wait3A_226 = arith.constant 0 : i32
      %dma_wait3A_227 = tpu.memref_slice %arg9[%add3A_61, %dma_wait3A_226] : memref<10240x64xf32, #tpu.memory_space<vmem_shared>> -> memref<128x64xf32, #tpu.memory_space<vmem_shared>>
      tpu.wait_dma2 semaphore(%run_scoped3A_219 : memref<!tpu.dma_semaphore, #tpu.memory_space<semaphore_mem>>) src(%arg8 : memref<128x64xf32, #tpu.memory_space<vmem>>) dst(%dma_wait3A_227 : memref<128x64xf32, #tpu.memory_space<vmem_shared>>)
      tpu.yield
    }) : () -> ()
    %add3A_62 = arith.constant 256 : i32
    %add3A_63 = arith.addi %mul3A_57, %add3A_62 : i32
    "tpu.region"() ({
      %run_scoped3A_219 = tpu.sem_alloc : memref<!tpu.dma_semaphore, #tpu.memory_space<semaphore_mem>>
      %dma_start3A_220 = arith.constant 0 : i32
      %dma_start3A_221 = tpu.memref_slice %arg9[%add3A_63, %dma_start3A_220] : memref<10240x64xf32, #tpu.memory_space<vmem_shared>> -> memref<128x64xf32, #tpu.memory_space<vmem_shared>>
      %dma_start3A_222 = arith.constant 0 : i32
      %dma_start3A_223 = tpu.memref_slice %arg9[%add3A_63, %dma_start3A_222] : memref<10240x64xf32, #tpu.memory_space<vmem_shared>> -> memref<128x64xf32, #tpu.memory_space<vmem_shared>>
      tpu.enqueue_dma source(%arg8 : memref<128x64xf32, #tpu.memory_space<vmem>>) target(%dma_start3A_223 : memref<128x64xf32, #tpu.memory_space<vmem_shared>>) target_semaphore(%run_scoped3A_219 : memref<!tpu.dma_semaphore, #tpu.memory_space<semaphore_mem>>)
      %dma_wait3A_224 = arith.constant 0 : i32
      %dma_wait3A_225 = tpu.memref_slice %arg9[%add3A_63, %dma_wait3A_224] : memref<10240x64xf32, #tpu.memory_space<vmem_shared>> -> memref<128x64xf32, #tpu.memory_space<vmem_shared>>
      %dma_wait3A_226 = arith.constant 0 : i32
      %dma_wait3A_227 = tpu.memref_slice %arg9[%add3A_63, %dma_wait3A_226] : memref<10240x64xf32, #tpu.memory_space<vmem_shared>> -> memref<128x64xf32, #tpu.memory_space<vmem_shared>>
      tpu.wait_dma2 semaphore(%run_scoped3A_219 : memref<!tpu.dma_semaphore, #tpu.memory_space<semaphore_mem>>) src(%arg8 : memref<128x64xf32, #tpu.memory_space<vmem>>) dst(%dma_wait3A_227 : memref<128x64xf32, #tpu.memory_space<vmem_shared>>)
      tpu.yield
    }) : () -> ()
    %add3A_64 = arith.constant 384 : i32
    %add3A_65 = arith.addi %mul3A_57, %add3A_64 : i32
    "tpu.region"() ({
      %run_scoped3A_219 = tpu.sem_alloc : memref<!tpu.dma_semaphore, #tpu.memory_space<semaphore_mem>>
      %dma_start3A_220 = arith.constant 0 : i32
      %dma_start3A_221 = tpu.memref_slice %arg9[%add3A_65, %dma_start3A_220] : memref<10240x64xf32, #tpu.memory_space<vmem_shared>> -> memref<128x64xf32, #tpu.memory_space<vmem_shared>>
      %dma_start3A_222 = arith.constant 0 : i32
      %dma_start3A_223 = tpu.memref_slice %arg9[%add3A_65, %dma_start3A_222] : memref<10240x64xf32, #tpu.memory_space<vmem_shared>> -> memref<128x64xf32, #tpu.memory_space<vmem_shared>>
      tpu.enqueue_dma source(%arg8 : memref<128x64xf32, #tpu.memory_space<vmem>>) target(%dma_start3A_223 : memref<128x64xf32, #tpu.memory_space<vmem_shared>>) target_semaphore(%run_scoped3A_219 : memref<!tpu.dma_semaphore, #tpu.memory_space<semaphore_mem>>)
      %dma_wait3A_224 = arith.constant 0 : i32
      %dma_wait3A_225 = tpu.memref_slice %arg9[%add3A_65, %dma_wait3A_224] : memref<10240x64xf32, #tpu.memory_space<vmem_shared>> -> memref<128x64xf32, #tpu.memory_space<vmem_shared>>
      %dma_wait3A_226 = arith.constant 0 : i32
      %dma_wait3A_227 = tpu.memref_slice %arg9[%add3A_65, %dma_wait3A_226] : memref<10240x64xf32, #tpu.memory_space<vmem_shared>> -> memref<128x64xf32, #tpu.memory_space<vmem_shared>>
      tpu.wait_dma2 semaphore(%run_scoped3A_219 : memref<!tpu.dma_semaphore, #tpu.memory_space<semaphore_mem>>) src(%arg8 : memref<128x64xf32, #tpu.memory_space<vmem>>) dst(%dma_wait3A_227 : memref<128x64xf32, #tpu.memory_space<vmem_shared>>)
      tpu.yield
    }) : () -> ()
    %add3A_66 = arith.constant 512 : i32
    %add3A_67 = arith.addi %mul3A_57, %add3A_66 : i32
    "tpu.region"() ({
      %run_scoped3A_219 = tpu.sem_alloc : memref<!tpu.dma_semaphore, #tpu.memory_space<semaphore_mem>>
      %dma_start3A_220 = arith.constant 0 : i32
      %dma_start3A_221 = tpu.memref_slice %arg9[%add3A_67, %dma_start3A_220] : memref<10240x64xf32, #tpu.memory_space<vmem_shared>> -> memref<128x64xf32, #tpu.memory_space<vmem_shared>>
      %dma_start3A_222 = arith.constant 0 : i32
      %dma_start3A_223 = tpu.memref_slice %arg9[%add3A_67, %dma_start3A_222] : memref<10240x64xf32, #tpu.memory_space<vmem_shared>> -> memref<128x64xf32, #tpu.memory_space<vmem_shared>>
      tpu.enqueue_dma source(%arg8 : memref<128x64xf32, #tpu.memory_space<vmem>>) target(%dma_start3A_223 : memref<128x64xf32, #tpu.memory_space<vmem_shared>>) target_semaphore(%run_scoped3A_219 : memref<!tpu.dma_semaphore, #tpu.memory_space<semaphore_mem>>)
      %dma_wait3A_224 = arith.constant 0 : i32
      %dma_wait3A_225 = tpu.memref_slice %arg9[%add3A_67, %dma_wait3A_224] : memref<10240x64xf32, #tpu.memory_space<vmem_shared>> -> memref<128x64xf32, #tpu.memory_space<vmem_shared>>
      %dma_wait3A_226 = arith.constant 0 : i32
      %dma_wait3A_227 = tpu.memref_slice %arg9[%add3A_67, %dma_wait3A_226] : memref<10240x64xf32, #tpu.memory_space<vmem_shared>> -> memref<128x64xf32, #tpu.memory_space<vmem_shared>>
      tpu.wait_dma2 semaphore(%run_scoped3A_219 : memref<!tpu.dma_semaphore, #tpu.memory_space<semaphore_mem>>) src(%arg8 : memref<128x64xf32, #tpu.memory_space<vmem>>) dst(%dma_wait3A_227 : memref<128x64xf32, #tpu.memory_space<vmem_shared>>)
      tpu.yield
    }) : () -> ()
    %barrier3A = arith.constant 0 : index
    tpu.barrier barrier_id(%barrier3A)
    %dma_wait3A = arith.constant 0 : i32
    %dma_wait3A_68 = arith.constant 0 : i32
    %dma_wait3A_69 = arith.constant 0 : i32
    %dma_wait3A_70 = arith.constant 0 : i32
    %dma_wait3A_71 = tpu.memref_slice %arg7[%dma_wait3A_68, %dma_wait3A_69, %dma_wait3A_70] : memref<4x128x64xf32, #tpu.memory_space<vmem>> -> memref<1x128x64xf32, #tpu.memory_space<vmem>>
    %dma_wait3A_72 = tpu.memref_squeeze %dma_wait3A_71 : memref<1x128x64xf32, #tpu.memory_space<vmem>> -> memref<128x64xf32, #tpu.memory_space<vmem>>
    %dma_wait3A_73 = arith.constant 0 : i32
    %dma_wait3A_74 = tpu.memref_slice %arg5[%dma_wait3A, %dma_wait3A_73] : memref<80x128xi32, #tpu.memory_space<vmem>> -> memref<1x128xi32, #tpu.memory_space<vmem>>
    %dma_wait3A_75 = tpu.memref_squeeze %dma_wait3A_74 : memref<1x128xi32, #tpu.memory_space<vmem>> -> memref<128xi32, #tpu.memory_space<vmem>>
    %dma_wait3A_76 = arith.constant 0 : i32
    %dma_wait3A_77 = arith.constant 0 : i32
    %dma_wait3A_78 = tpu.memref_slice %arg2[%dma_wait3A_76, %dma_wait3A_77] : memref<20480x64xf32, #tpu.memory_space<hbm>> -> memref<20480x64xf32, #tpu.memory_space<hbm>>
    tpu.wait_indirect_dma semaphore(%arg10 : memref<!tpu.dma_semaphore, #tpu.memory_space<semaphore_mem>>) src(%dma_wait3A_78 : memref<20480x64xf32, #tpu.memory_space<hbm>>) dst(%dma_wait3A_72 : memref<128x64xf32, #tpu.memory_space<vmem>>)
    %dma_start3A_79 = arith.constant 0 : i32
    %dma_start3A_80 = arith.constant 0 : i32
    %dma_start3A_81 = arith.constant 0 : i32
    %dma_start3A_82 = arith.constant 0 : i32
    %dma_start3A_83 = tpu.memref_slice %arg7[%dma_start3A_79, %dma_start3A_81, %dma_start3A_82] : memref<4x128x64xf32, #tpu.memory_space<vmem>> -> memref<1x128x64xf32, #tpu.memory_space<vmem>>
    %dma_start3A_84 = tpu.memref_squeeze %dma_start3A_83 : memref<1x128x64xf32, #tpu.memory_space<vmem>> -> memref<128x64xf32, #tpu.memory_space<vmem>>
    %dma_start3A_85 = arith.constant 0 : i32
    %dma_start3A_86 = tpu.memref_slice %arg6[%dma_start3A_80, %dma_start3A_85] : memref<80x128xi32, #tpu.memory_space<vmem>> -> memref<1x128xi32, #tpu.memory_space<vmem>>
    %dma_start3A_87 = tpu.memref_squeeze %dma_start3A_86 : memref<1x128xi32, #tpu.memory_space<vmem>> -> memref<128xi32, #tpu.memory_space<vmem>>
    %dma_start3A_88 = arith.constant 0 : i32
    %dma_start3A_89 = arith.constant 0 : i32
    %dma_start3A_90 = tpu.memref_slice %arg9[%dma_start3A_88, %dma_start3A_89] : memref<10240x64xf32, #tpu.memory_space<vmem_shared>> -> memref<10240x64xf32, #tpu.memory_space<vmem_shared>>
    tpu.enqueue_indirect_dma source(%dma_start3A_84 : memref<128x64xf32, #tpu.memory_space<vmem>>) target(%dma_start3A_90 : memref<10240x64xf32, #tpu.memory_space<vmem_shared>>) offsets(%dma_start3A_87 : memref<128xi32, #tpu.memory_space<vmem>>) semaphore(%arg11 : memref<!tpu.dma_semaphore, #tpu.memory_space<semaphore_mem>>) {add = true}
    %dma_wait3A_91 = arith.constant 1 : i32
    %dma_wait3A_92 = arith.constant 1 : i32
    %dma_wait3A_93 = arith.constant 0 : i32
    %dma_wait3A_94 = arith.constant 0 : i32
    %dma_wait3A_95 = tpu.memref_slice %arg7[%dma_wait3A_92, %dma_wait3A_93, %dma_wait3A_94] : memref<4x128x64xf32, #tpu.memory_space<vmem>> -> memref<1x128x64xf32, #tpu.memory_space<vmem>>
    %dma_wait3A_96 = tpu.memref_squeeze %dma_wait3A_95 : memref<1x128x64xf32, #tpu.memory_space<vmem>> -> memref<128x64xf32, #tpu.memory_space<vmem>>
    %dma_wait3A_97 = arith.constant 0 : i32
    %dma_wait3A_98 = tpu.memref_slice %arg5[%dma_wait3A_91, %dma_wait3A_97] : memref<80x128xi32, #tpu.memory_space<vmem>> -> memref<1x128xi32, #tpu.memory_space<vmem>>
    %dma_wait3A_99 = tpu.memref_squeeze %dma_wait3A_98 : memref<1x128xi32, #tpu.memory_space<vmem>> -> memref<128xi32, #tpu.memory_space<vmem>>
    %dma_wait3A_100 = arith.constant 0 : i32
    %dma_wait3A_101 = arith.constant 0 : i32
    %dma_wait3A_102 = tpu.memref_slice %arg2[%dma_wait3A_100, %dma_wait3A_101] : memref<20480x64xf32, #tpu.memory_space<hbm>> -> memref<20480x64xf32, #tpu.memory_space<hbm>>
    tpu.wait_indirect_dma semaphore(%arg10 : memref<!tpu.dma_semaphore, #tpu.memory_space<semaphore_mem>>) src(%dma_wait3A_102 : memref<20480x64xf32, #tpu.memory_space<hbm>>) dst(%dma_wait3A_96 : memref<128x64xf32, #tpu.memory_space<vmem>>)
    %dma_start3A_103 = arith.constant 1 : i32
    %dma_start3A_104 = arith.constant 1 : i32
    %dma_start3A_105 = arith.constant 0 : i32
    %dma_start3A_106 = arith.constant 0 : i32
    %dma_start3A_107 = tpu.memref_slice %arg7[%dma_start3A_103, %dma_start3A_105, %dma_start3A_106] : memref<4x128x64xf32, #tpu.memory_space<vmem>> -> memref<1x128x64xf32, #tpu.memory_space<vmem>>
    %dma_start3A_108 = tpu.memref_squeeze %dma_start3A_107 : memref<1x128x64xf32, #tpu.memory_space<vmem>> -> memref<128x64xf32, #tpu.memory_space<vmem>>
    %dma_start3A_109 = arith.constant 0 : i32
    %dma_start3A_110 = tpu.memref_slice %arg6[%dma_start3A_104, %dma_start3A_109] : memref<80x128xi32, #tpu.memory_space<vmem>> -> memref<1x128xi32, #tpu.memory_space<vmem>>
    %dma_start3A_111 = tpu.memref_squeeze %dma_start3A_110 : memref<1x128xi32, #tpu.memory_space<vmem>> -> memref<128xi32, #tpu.memory_space<vmem>>
    %dma_start3A_112 = arith.constant 0 : i32
    %dma_start3A_113 = arith.constant 0 : i32
    %dma_start3A_114 = tpu.memref_slice %arg9[%dma_start3A_112, %dma_start3A_113] : memref<10240x64xf32, #tpu.memory_space<vmem_shared>> -> memref<10240x64xf32, #tpu.memory_space<vmem_shared>>
    tpu.enqueue_indirect_dma source(%dma_start3A_108 : memref<128x64xf32, #tpu.memory_space<vmem>>) target(%dma_start3A_114 : memref<10240x64xf32, #tpu.memory_space<vmem_shared>>) offsets(%dma_start3A_111 : memref<128xi32, #tpu.memory_space<vmem>>) semaphore(%arg11 : memref<!tpu.dma_semaphore, #tpu.memory_space<semaphore_mem>>) {add = true}
    %scan3A_115 = arith.constant 0 : i32
    %scan3A_116 = arith.constant 2 : i32
    %scan3A_117 = arith.constant 76 : i32
    %scan3A_118 = arith.addi %scan3A_116, %scan3A_117 : i32
    %scan3A_119 = arith.constant 1 : i32
    %scan3A_120 = scf.for %scan3A_219 = %scan3A_116 to %scan3A_118 step %scan3A_119 iter_args(%scan3A_220 = %scan3A_115) -> (i32)  : i32 {
      %add3A_221 = arith.constant 2 : i32
      %add3A_222 = arith.addi %scan3A_219, %add3A_221 : i32
      %rem3A = arith.constant 4 : i32
      %rem3A_223 = arith.remsi %add3A_222, %rem3A : i32
      %sub3A = arith.constant 2 : i32
      %sub3A_224 = arith.subi %scan3A_219, %sub3A : i32
      %dma_wait3A_225 = arith.constant 0 : i32
      %dma_wait3A_226 = arith.constant 0 : i32
      %dma_wait3A_227 = tpu.memref_slice %arg7[%rem3A_223, %dma_wait3A_225, %dma_wait3A_226] : memref<4x128x64xf32, #tpu.memory_space<vmem>> -> memref<1x128x64xf32, #tpu.memory_space<vmem>>
      %dma_wait3A_228 = tpu.memref_squeeze %dma_wait3A_227 : memref<1x128x64xf32, #tpu.memory_space<vmem>> -> memref<128x64xf32, #tpu.memory_space<vmem>>
      %dma_wait3A_229 = arith.constant 0 : i32
      %dma_wait3A_230 = tpu.memref_slice %arg6[%sub3A_224, %dma_wait3A_229] : memref<80x128xi32, #tpu.memory_space<vmem>> -> memref<1x128xi32, #tpu.memory_space<vmem>>
      %dma_wait3A_231 = tpu.memref_squeeze %dma_wait3A_230 : memref<1x128xi32, #tpu.memory_space<vmem>> -> memref<128xi32, #tpu.memory_space<vmem>>
      %dma_wait3A_232 = arith.constant 0 : i32
      %dma_wait3A_233 = arith.constant 0 : i32
      %dma_wait3A_234 = tpu.memref_slice %arg9[%dma_wait3A_232, %dma_wait3A_233] : memref<10240x64xf32, #tpu.memory_space<vmem_shared>> -> memref<10240x64xf32, #tpu.memory_space<vmem_shared>>
      tpu.wait_indirect_dma semaphore(%arg11 : memref<!tpu.dma_semaphore, #tpu.memory_space<semaphore_mem>>) src(%dma_wait3A_228 : memref<128x64xf32, #tpu.memory_space<vmem>>) dst(%dma_wait3A_234 : memref<10240x64xf32, #tpu.memory_space<vmem_shared>>)
      %add3A_235 = arith.constant 2 : i32
      %add3A_236 = arith.addi %scan3A_219, %add3A_235 : i32
      %dma_start3A_237 = arith.constant 0 : i32
      %dma_start3A_238 = arith.constant 0 : i32
      %dma_start3A_239 = tpu.memref_slice %arg7[%rem3A_223, %dma_start3A_237, %dma_start3A_238] : memref<4x128x64xf32, #tpu.memory_space<vmem>> -> memref<1x128x64xf32, #tpu.memory_space<vmem>>
      %dma_start3A_240 = tpu.memref_squeeze %dma_start3A_239 : memref<1x128x64xf32, #tpu.memory_space<vmem>> -> memref<128x64xf32, #tpu.memory_space<vmem>>
      %dma_start3A_241 = arith.constant 0 : i32
      %dma_start3A_242 = tpu.memref_slice %arg5[%add3A_236, %dma_start3A_241] : memref<80x128xi32, #tpu.memory_space<vmem>> -> memref<1x128xi32, #tpu.memory_space<vmem>>
      %dma_start3A_243 = tpu.memref_squeeze %dma_start3A_242 : memref<1x128xi32, #tpu.memory_space<vmem>> -> memref<128xi32, #tpu.memory_space<vmem>>
      %dma_start3A_244 = arith.constant 0 : i32
      %dma_start3A_245 = arith.constant 0 : i32
      %dma_start3A_246 = tpu.memref_slice %arg2[%dma_start3A_244, %dma_start3A_245] : memref<20480x64xf32, #tpu.memory_space<hbm>> -> memref<20480x64xf32, #tpu.memory_space<hbm>>
      tpu.enqueue_indirect_dma source(%dma_start3A_246 : memref<20480x64xf32, #tpu.memory_space<hbm>>) target(%dma_start3A_240 : memref<128x64xf32, #tpu.memory_space<vmem>>) offsets(%dma_start3A_243 : memref<128xi32, #tpu.memory_space<vmem>>) semaphore(%arg10 : memref<!tpu.dma_semaphore, #tpu.memory_space<semaphore_mem>>)
      %rem3A_247 = arith.constant 4 : i32
      %rem3A_248 = arith.remsi %scan3A_219, %rem3A_247 : i32
      %dma_wait3A_249 = arith.constant 0 : i32
      %dma_wait3A_250 = arith.constant 0 : i32
      %dma_wait3A_251 = tpu.memref_slice %arg7[%rem3A_248, %dma_wait3A_249, %dma_wait3A_250] : memref<4x128x64xf32, #tpu.memory_space<vmem>> -> memref<1x128x64xf32, #tpu.memory_space<vmem>>
      %dma_wait3A_252 = tpu.memref_squeeze %dma_wait3A_251 : memref<1x128x64xf32, #tpu.memory_space<vmem>> -> memref<128x64xf32, #tpu.memory_space<vmem>>
      %dma_wait3A_253 = arith.constant 0 : i32
      %dma_wait3A_254 = tpu.memref_slice %arg5[%scan3A_219, %dma_wait3A_253] : memref<80x128xi32, #tpu.memory_space<vmem>> -> memref<1x128xi32, #tpu.memory_space<vmem>>
      %dma_wait3A_255 = tpu.memref_squeeze %dma_wait3A_254 : memref<1x128xi32, #tpu.memory_space<vmem>> -> memref<128xi32, #tpu.memory_space<vmem>>
      %dma_wait3A_256 = arith.constant 0 : i32
      %dma_wait3A_257 = arith.constant 0 : i32
      %dma_wait3A_258 = tpu.memref_slice %arg2[%dma_wait3A_256, %dma_wait3A_257] : memref<20480x64xf32, #tpu.memory_space<hbm>> -> memref<20480x64xf32, #tpu.memory_space<hbm>>
      tpu.wait_indirect_dma semaphore(%arg10 : memref<!tpu.dma_semaphore, #tpu.memory_space<semaphore_mem>>) src(%dma_wait3A_258 : memref<20480x64xf32, #tpu.memory_space<hbm>>) dst(%dma_wait3A_252 : memref<128x64xf32, #tpu.memory_space<vmem>>)
      %dma_start3A_259 = arith.constant 0 : i32
      %dma_start3A_260 = arith.constant 0 : i32
      %dma_start3A_261 = tpu.memref_slice %arg7[%rem3A_248, %dma_start3A_259, %dma_start3A_260] : memref<4x128x64xf32, #tpu.memory_space<vmem>> -> memref<1x128x64xf32, #tpu.memory_space<vmem>>
      %dma_start3A_262 = tpu.memref_squeeze %dma_start3A_261 : memref<1x128x64xf32, #tpu.memory_space<vmem>> -> memref<128x64xf32, #tpu.memory_space<vmem>>
      %dma_start3A_263 = arith.constant 0 : i32
      %dma_start3A_264 = tpu.memref_slice %arg6[%scan3A_219, %dma_start3A_263] : memref<80x128xi32, #tpu.memory_space<vmem>> -> memref<1x128xi32, #tpu.memory_space<vmem>>
      %dma_start3A_265 = tpu.memref_squeeze %dma_start3A_264 : memref<1x128xi32, #tpu.memory_space<vmem>> -> memref<128xi32, #tpu.memory_space<vmem>>
      %dma_start3A_266 = arith.constant 0 : i32
      %dma_start3A_267 = arith.constant 0 : i32
      %dma_start3A_268 = tpu.memref_slice %arg9[%dma_start3A_266, %dma_start3A_267] : memref<10240x64xf32, #tpu.memory_space<vmem_shared>> -> memref<10240x64xf32, #tpu.memory_space<vmem_shared>>
      tpu.enqueue_indirect_dma source(%dma_start3A_262 : memref<128x64xf32, #tpu.memory_space<vmem>>) target(%dma_start3A_268 : memref<10240x64xf32, #tpu.memory_space<vmem_shared>>) offsets(%dma_start3A_265 : memref<128xi32, #tpu.memory_space<vmem>>) semaphore(%arg11 : memref<!tpu.dma_semaphore, #tpu.memory_space<semaphore_mem>>) {add = true}
      %scan3A_269 = arith.constant 0 : i32
      scf.yield %scan3A_269 : i32
    }
    %scan3A_121 = arith.constant 76 : i32
    %dma_wait3A_122 = arith.constant 0 : i32
    %dma_wait3A_123 = arith.constant 76 : i32
    %dma_wait3A_124 = arith.constant 0 : i32
    %dma_wait3A_125 = arith.constant 0 : i32
    %dma_wait3A_126 = tpu.memref_slice %arg7[%dma_wait3A_122, %dma_wait3A_124, %dma_wait3A_125] : memref<4x128x64xf32, #tpu.memory_space<vmem>> -> memref<1x128x64xf32, #tpu.memory_space<vmem>>
    %dma_wait3A_127 = tpu.memref_squeeze %dma_wait3A_126 : memref<1x128x64xf32, #tpu.memory_space<vmem>> -> memref<128x64xf32, #tpu.memory_space<vmem>>
    %dma_wait3A_128 = arith.constant 0 : i32
    %dma_wait3A_129 = tpu.memref_slice %arg6[%dma_wait3A_123, %dma_wait3A_128] : memref<80x128xi32, #tpu.memory_space<vmem>> -> memref<1x128xi32, #tpu.memory_space<vmem>>
    %dma_wait3A_130 = tpu.memref_squeeze %dma_wait3A_129 : memref<1x128xi32, #tpu.memory_space<vmem>> -> memref<128xi32, #tpu.memory_space<vmem>>
    %dma_wait3A_131 = arith.constant 0 : i32
    %dma_wait3A_132 = arith.constant 0 : i32
    %dma_wait3A_133 = tpu.memref_slice %arg9[%dma_wait3A_131, %dma_wait3A_132] : memref<10240x64xf32, #tpu.memory_space<vmem_shared>> -> memref<10240x64xf32, #tpu.memory_space<vmem_shared>>
    tpu.wait_indirect_dma semaphore(%arg11 : memref<!tpu.dma_semaphore, #tpu.memory_space<semaphore_mem>>) src(%dma_wait3A_127 : memref<128x64xf32, #tpu.memory_space<vmem>>) dst(%dma_wait3A_133 : memref<10240x64xf32, #tpu.memory_space<vmem_shared>>)
    %dma_wait3A_134 = arith.constant 78 : i32
    %dma_wait3A_135 = arith.constant 2 : i32
    %dma_wait3A_136 = arith.constant 0 : i32
    %dma_wait3A_137 = arith.constant 0 : i32
    %dma_wait3A_138 = tpu.memref_slice %arg7[%dma_wait3A_135, %dma_wait3A_136, %dma_wait3A_137] : memref<4x128x64xf32, #tpu.memory_space<vmem>> -> memref<1x128x64xf32, #tpu.memory_space<vmem>>
    %dma_wait3A_139 = tpu.memref_squeeze %dma_wait3A_138 : memref<1x128x64xf32, #tpu.memory_space<vmem>> -> memref<128x64xf32, #tpu.memory_space<vmem>>
    %dma_wait3A_140 = arith.constant 0 : i32
    %dma_wait3A_141 = tpu.memref_slice %arg5[%dma_wait3A_134, %dma_wait3A_140] : memref<80x128xi32, #tpu.memory_space<vmem>> -> memref<1x128xi32, #tpu.memory_space<vmem>>
    %dma_wait3A_142 = tpu.memref_squeeze %dma_wait3A_141 : memref<1x128xi32, #tpu.memory_space<vmem>> -> memref<128xi32, #tpu.memory_space<vmem>>
    %dma_wait3A_143 = arith.constant 0 : i32
    %dma_wait3A_144 = arith.constant 0 : i32
    %dma_wait3A_145 = tpu.memref_slice %arg2[%dma_wait3A_143, %dma_wait3A_144] : memref<20480x64xf32, #tpu.memory_space<hbm>> -> memref<20480x64xf32, #tpu.memory_space<hbm>>
    tpu.wait_indirect_dma semaphore(%arg10 : memref<!tpu.dma_semaphore, #tpu.memory_space<semaphore_mem>>) src(%dma_wait3A_145 : memref<20480x64xf32, #tpu.memory_space<hbm>>) dst(%dma_wait3A_139 : memref<128x64xf32, #tpu.memory_space<vmem>>)
    %dma_start3A_146 = arith.constant 2 : i32
    %dma_start3A_147 = arith.constant 78 : i32
    %dma_start3A_148 = arith.constant 0 : i32
    %dma_start3A_149 = arith.constant 0 : i32
    %dma_start3A_150 = tpu.memref_slice %arg7[%dma_start3A_146, %dma_start3A_148, %dma_start3A_149] : memref<4x128x64xf32, #tpu.memory_space<vmem>> -> memref<1x128x64xf32, #tpu.memory_space<vmem>>
    %dma_start3A_151 = tpu.memref_squeeze %dma_start3A_150 : memref<1x128x64xf32, #tpu.memory_space<vmem>> -> memref<128x64xf32, #tpu.memory_space<vmem>>
    %dma_start3A_152 = arith.constant 0 : i32
    %dma_start3A_153 = tpu.memref_slice %arg6[%dma_start3A_147, %dma_start3A_152] : memref<80x128xi32, #tpu.memory_space<vmem>> -> memref<1x128xi32, #tpu.memory_space<vmem>>
    %dma_start3A_154 = tpu.memref_squeeze %dma_start3A_153 : memref<1x128xi32, #tpu.memory_space<vmem>> -> memref<128xi32, #tpu.memory_space<vmem>>
    %dma_start3A_155 = arith.constant 0 : i32
    %dma_start3A_156 = arith.constant 0 : i32
    %dma_start3A_157 = tpu.memref_slice %arg9[%dma_start3A_155, %dma_start3A_156] : memref<10240x64xf32, #tpu.memory_space<vmem_shared>> -> memref<10240x64xf32, #tpu.memory_space<vmem_shared>>
    tpu.enqueue_indirect_dma source(%dma_start3A_151 : memref<128x64xf32, #tpu.memory_space<vmem>>) target(%dma_start3A_157 : memref<10240x64xf32, #tpu.memory_space<vmem_shared>>) offsets(%dma_start3A_154 : memref<128xi32, #tpu.memory_space<vmem>>) semaphore(%arg11 : memref<!tpu.dma_semaphore, #tpu.memory_space<semaphore_mem>>) {add = true}
    %dma_wait3A_158 = arith.constant 1 : i32
    %dma_wait3A_159 = arith.constant 77 : i32
    %dma_wait3A_160 = arith.constant 0 : i32
    %dma_wait3A_161 = arith.constant 0 : i32
    %dma_wait3A_162 = tpu.memref_slice %arg7[%dma_wait3A_158, %dma_wait3A_160, %dma_wait3A_161] : memref<4x128x64xf32, #tpu.memory_space<vmem>> -> memref<1x128x64xf32, #tpu.memory_space<vmem>>
    %dma_wait3A_163 = tpu.memref_squeeze %dma_wait3A_162 : memref<1x128x64xf32, #tpu.memory_space<vmem>> -> memref<128x64xf32, #tpu.memory_space<vmem>>
    %dma_wait3A_164 = arith.constant 0 : i32
    %dma_wait3A_165 = tpu.memref_slice %arg6[%dma_wait3A_159, %dma_wait3A_164] : memref<80x128xi32, #tpu.memory_space<vmem>> -> memref<1x128xi32, #tpu.memory_space<vmem>>
    %dma_wait3A_166 = tpu.memref_squeeze %dma_wait3A_165 : memref<1x128xi32, #tpu.memory_space<vmem>> -> memref<128xi32, #tpu.memory_space<vmem>>
    %dma_wait3A_167 = arith.constant 0 : i32
    %dma_wait3A_168 = arith.constant 0 : i32
    %dma_wait3A_169 = tpu.memref_slice %arg9[%dma_wait3A_167, %dma_wait3A_168] : memref<10240x64xf32, #tpu.memory_space<vmem_shared>> -> memref<10240x64xf32, #tpu.memory_space<vmem_shared>>
    tpu.wait_indirect_dma semaphore(%arg11 : memref<!tpu.dma_semaphore, #tpu.memory_space<semaphore_mem>>) src(%dma_wait3A_163 : memref<128x64xf32, #tpu.memory_space<vmem>>) dst(%dma_wait3A_169 : memref<10240x64xf32, #tpu.memory_space<vmem_shared>>)
    %dma_wait3A_170 = arith.constant 79 : i32
    %dma_wait3A_171 = arith.constant 3 : i32
    %dma_wait3A_172 = arith.constant 0 : i32
    %dma_wait3A_173 = arith.constant 0 : i32
    %dma_wait3A_174 = tpu.memref_slice %arg7[%dma_wait3A_171, %dma_wait3A_172, %dma_wait3A_173] : memref<4x128x64xf32, #tpu.memory_space<vmem>> -> memref<1x128x64xf32, #tpu.memory_space<vmem>>
    %dma_wait3A_175 = tpu.memref_squeeze %dma_wait3A_174 : memref<1x128x64xf32, #tpu.memory_space<vmem>> -> memref<128x64xf32, #tpu.memory_space<vmem>>
    %dma_wait3A_176 = arith.constant 0 : i32
    %dma_wait3A_177 = tpu.memref_slice %arg5[%dma_wait3A_170, %dma_wait3A_176] : memref<80x128xi32, #tpu.memory_space<vmem>> -> memref<1x128xi32, #tpu.memory_space<vmem>>
    %dma_wait3A_178 = tpu.memref_squeeze %dma_wait3A_177 : memref<1x128xi32, #tpu.memory_space<vmem>> -> memref<128xi32, #tpu.memory_space<vmem>>
    %dma_wait3A_179 = arith.constant 0 : i32
    %dma_wait3A_180 = arith.constant 0 : i32
    %dma_wait3A_181 = tpu.memref_slice %arg2[%dma_wait3A_179, %dma_wait3A_180] : memref<20480x64xf32, #tpu.memory_space<hbm>> -> memref<20480x64xf32, #tpu.memory_space<hbm>>
    tpu.wait_indirect_dma semaphore(%arg10 : memref<!tpu.dma_semaphore, #tpu.memory_space<semaphore_mem>>) src(%dma_wait3A_181 : memref<20480x64xf32, #tpu.memory_space<hbm>>) dst(%dma_wait3A_175 : memref<128x64xf32, #tpu.memory_space<vmem>>)
    %dma_start3A_182 = arith.constant 3 : i32
    %dma_start3A_183 = arith.constant 79 : i32
    %dma_start3A_184 = arith.constant 0 : i32
    %dma_start3A_185 = arith.constant 0 : i32
    %dma_start3A_186 = tpu.memref_slice %arg7[%dma_start3A_182, %dma_start3A_184, %dma_start3A_185] : memref<4x128x64xf32, #tpu.memory_space<vmem>> -> memref<1x128x64xf32, #tpu.memory_space<vmem>>
    %dma_start3A_187 = tpu.memref_squeeze %dma_start3A_186 : memref<1x128x64xf32, #tpu.memory_space<vmem>> -> memref<128x64xf32, #tpu.memory_space<vmem>>
    %dma_start3A_188 = arith.constant 0 : i32
    %dma_start3A_189 = tpu.memref_slice %arg6[%dma_start3A_183, %dma_start3A_188] : memref<80x128xi32, #tpu.memory_space<vmem>> -> memref<1x128xi32, #tpu.memory_space<vmem>>
    %dma_start3A_190 = tpu.memref_squeeze %dma_start3A_189 : memref<1x128xi32, #tpu.memory_space<vmem>> -> memref<128xi32, #tpu.memory_space<vmem>>
    %dma_start3A_191 = arith.constant 0 : i32
    %dma_start3A_192 = arith.constant 0 : i32
    %dma_start3A_193 = tpu.memref_slice %arg9[%dma_start3A_191, %dma_start3A_192] : memref<10240x64xf32, #tpu.memory_space<vmem_shared>> -> memref<10240x64xf32, #tpu.memory_space<vmem_shared>>
    tpu.enqueue_indirect_dma source(%dma_start3A_187 : memref<128x64xf32, #tpu.memory_space<vmem>>) target(%dma_start3A_193 : memref<10240x64xf32, #tpu.memory_space<vmem_shared>>) offsets(%dma_start3A_190 : memref<128xi32, #tpu.memory_space<vmem>>) semaphore(%arg11 : memref<!tpu.dma_semaphore, #tpu.memory_space<semaphore_mem>>) {add = true}
    %dma_wait3A_194 = arith.constant 2 : i32
    %dma_wait3A_195 = arith.constant 78 : i32
    %dma_wait3A_196 = arith.constant 0 : i32
    %dma_wait3A_197 = arith.constant 0 : i32
    %dma_wait3A_198 = tpu.memref_slice %arg7[%dma_wait3A_194, %dma_wait3A_196, %dma_wait3A_197] : memref<4x128x64xf32, #tpu.memory_space<vmem>> -> memref<1x128x64xf32, #tpu.memory_space<vmem>>
    %dma_wait3A_199 = tpu.memref_squeeze %dma_wait3A_198 : memref<1x128x64xf32, #tpu.memory_space<vmem>> -> memref<128x64xf32, #tpu.memory_space<vmem>>
    %dma_wait3A_200 = arith.constant 0 : i32
    %dma_wait3A_201 = tpu.memref_slice %arg6[%dma_wait3A_195, %dma_wait3A_200] : memref<80x128xi32, #tpu.memory_space<vmem>> -> memref<1x128xi32, #tpu.memory_space<vmem>>
    %dma_wait3A_202 = tpu.memref_squeeze %dma_wait3A_201 : memref<1x128xi32, #tpu.memory_space<vmem>> -> memref<128xi32, #tpu.memory_space<vmem>>
    %dma_wait3A_203 = arith.constant 0 : i32
    %dma_wait3A_204 = arith.constant 0 : i32
    %dma_wait3A_205 = tpu.memref_slice %arg9[%dma_wait3A_203, %dma_wait3A_204] : memref<10240x64xf32, #tpu.memory_space<vmem_shared>> -> memref<10240x64xf32, #tpu.memory_space<vmem_shared>>
    tpu.wait_indirect_dma semaphore(%arg11 : memref<!tpu.dma_semaphore, #tpu.memory_space<semaphore_mem>>) src(%dma_wait3A_199 : memref<128x64xf32, #tpu.memory_space<vmem>>) dst(%dma_wait3A_205 : memref<10240x64xf32, #tpu.memory_space<vmem_shared>>)
    %dma_wait3A_206 = arith.constant 3 : i32
    %dma_wait3A_207 = arith.constant 79 : i32
    %dma_wait3A_208 = arith.constant 0 : i32
    %dma_wait3A_209 = arith.constant 0 : i32
    %dma_wait3A_210 = tpu.memref_slice %arg7[%dma_wait3A_206, %dma_wait3A_208, %dma_wait3A_209] : memref<4x128x64xf32, #tpu.memory_space<vmem>> -> memref<1x128x64xf32, #tpu.memory_space<vmem>>
    %dma_wait3A_211 = tpu.memref_squeeze %dma_wait3A_210 : memref<1x128x64xf32, #tpu.memory_space<vmem>> -> memref<128x64xf32, #tpu.memory_space<vmem>>
    %dma_wait3A_212 = arith.constant 0 : i32
    %dma_wait3A_213 = tpu.memref_slice %arg6[%dma_wait3A_207, %dma_wait3A_212] : memref<80x128xi32, #tpu.memory_space<vmem>> -> memref<1x128xi32, #tpu.memory_space<vmem>>
    %dma_wait3A_214 = tpu.memref_squeeze %dma_wait3A_213 : memref<1x128xi32, #tpu.memory_space<vmem>> -> memref<128xi32, #tpu.memory_space<vmem>>
    %dma_wait3A_215 = arith.constant 0 : i32
    %dma_wait3A_216 = arith.constant 0 : i32
    %dma_wait3A_217 = tpu.memref_slice %arg9[%dma_wait3A_215, %dma_wait3A_216] : memref<10240x64xf32, #tpu.memory_space<vmem_shared>> -> memref<10240x64xf32, #tpu.memory_space<vmem_shared>>
    tpu.wait_indirect_dma semaphore(%arg11 : memref<!tpu.dma_semaphore, #tpu.memory_space<semaphore_mem>>) src(%dma_wait3A_211 : memref<128x64xf32, #tpu.memory_space<vmem>>) dst(%dma_wait3A_217 : memref<10240x64xf32, #tpu.memory_space<vmem_shared>>)
    %barrier3A_218 = arith.constant 0 : index
    tpu.barrier barrier_id(%barrier3A_218)
    "tpu.region"() ({
      %run_scoped3A_219 = tpu.sem_alloc : memref<!tpu.dma_semaphore, #tpu.memory_space<semaphore_mem>>
      %dma_start3A_220 = arith.constant 0 : i32
      %dma_start3A_221 = tpu.memref_slice %arg4[%arg0, %mul3A_57, %dma_start3A_220] : memref<2x10240x64xf32, #tpu.memory_space<hbm>> -> memref<1x640x64xf32, #tpu.memory_space<hbm>>
      %dma_start3A_222 = tpu.memref_squeeze %dma_start3A_221 : memref<1x640x64xf32, #tpu.memory_space<hbm>> -> memref<640x64xf32, #tpu.memory_space<hbm>>
      %dma_start3A_223 = arith.constant 0 : i32
      %dma_start3A_224 = tpu.memref_slice %arg9[%mul3A_57, %dma_start3A_223] : memref<10240x64xf32, #tpu.memory_space<vmem_shared>> -> memref<640x64xf32, #tpu.memory_space<vmem_shared>>
      tpu.enqueue_dma source(%dma_start3A_224 : memref<640x64xf32, #tpu.memory_space<vmem_shared>>) target(%dma_start3A_222 : memref<640x64xf32, #tpu.memory_space<hbm>>) target_semaphore(%run_scoped3A_219 : memref<!tpu.dma_semaphore, #tpu.memory_space<semaphore_mem>>)
      %dma_wait3A_225 = arith.constant 0 : i32
      %dma_wait3A_226 = tpu.memref_slice %arg4[%arg0, %mul3A_57, %dma_wait3A_225] : memref<2x10240x64xf32, #tpu.memory_space<hbm>> -> memref<1x640x64xf32, #tpu.memory_space<hbm>>
      %dma_wait3A_227 = tpu.memref_squeeze %dma_wait3A_226 : memref<1x640x64xf32, #tpu.memory_space<hbm>> -> memref<640x64xf32, #tpu.memory_space<hbm>>
      %dma_wait3A_228 = arith.constant 0 : i32
      %dma_wait3A_229 = tpu.memref_slice %arg9[%mul3A_57, %dma_wait3A_228] : memref<10240x64xf32, #tpu.memory_space<vmem_shared>> -> memref<640x64xf32, #tpu.memory_space<vmem_shared>>
      tpu.wait_dma2 semaphore(%run_scoped3A_219 : memref<!tpu.dma_semaphore, #tpu.memory_space<semaphore_mem>>) src(%dma_wait3A_229 : memref<640x64xf32, #tpu.memory_space<vmem_shared>>) dst(%dma_wait3A_227 : memref<640x64xf32, #tpu.memory_space<hbm>>)
      tpu.yield
    }) : () -> ()
    return
  }
}

module attributes {stable_mosaic.version = 14 : i64} {
  func.func @body(%arg0: i32, %arg1: memref<2000x128xf32, #tpu.memory_space<vmem>>, %arg2: memref<128x128xf32, #tpu.memory_space<vmem>>, %arg3: memref<2000x128xf32, #tpu.memory_space<vmem>>) attributes {dimension_semantics = [#tpu.dimension_semantics<arbitrary>], iteration_bounds = array<i64: 5>, scalar_prefetch = 0 : i64, scratch_operands = 0 : i64, tpu.core_type = #tpu.core_type<tc>, window_params = [{transform_indices = @transform_0, window_bounds = array<i64: 2000, 128>}, {pipeline_mode = #tpu.pipeline_mode<synchronous>, transform_indices = @transform_1, window_bounds = array<i64: 128, 128>}, {transform_indices = @transform_2, window_bounds = array<i64: 2000, 128>}]} {
    %get3A = arith.constant 0 : index
    %get3A_0 = arith.constant 0 : index
    %get3A_1 = vector.load %arg1[%get3A, %get3A_0] : memref<2000x128xf32, #tpu.memory_space<vmem>>, vector<2000x128xf32>
    %get3A_2 = arith.constant 0 : index
    %get3A_3 = arith.constant 0 : index
    %get3A_4 = vector.load %arg2[%get3A_2, %get3A_3] : memref<128x128xf32, #tpu.memory_space<vmem>>, vector<128x128xf32>
    %dot_general3A = arith.constant dense<0.000000e+00> : vector<2000x128xf32>
    %dot_general3A_5 = tpu.matmul %get3A_1, %get3A_4, %dot_general3A {dimension_numbers = #tpu.dot_dimension_numbers<[1], [0], [0], [1], [0, 0, 1, 1], [], []>, transpose_lhs_hint = false} : vector<2000x128xf32>, vector<128x128xf32>, vector<2000x128xf32> -> vector<2000x128xf32>
    %swap3A = arith.constant 0 : index
    %swap3A_6 = arith.constant 0 : index
    %swap3A_7 = vector.load %arg3[%swap3A, %swap3A_6] : memref<2000x128xf32, #tpu.memory_space<vmem>>, vector<2000x128xf32>
    tpu.vector_store %arg3[%swap3A, %swap3A_6], %dot_general3A_5 {strides = array<i32>} : memref<2000x128xf32, #tpu.memory_space<vmem>>, vector<2000x128xf32>,
    return
  }
  func.func @transform_0(%arg0: i32) -> (i32, i32) {
    %c0_i32 = arith.constant 0 : i32
    %c0_i32_0 = arith.constant 0 : i32
    return %arg0, %c0_i32 : i32, i32
  }
  func.func @transform_1(%arg0: i32) -> (i32, i32) {
    %c0_i32 = arith.constant 0 : i32
    %c0_i32_0 = arith.constant 0 : i32
    %c0_i32_1 = arith.constant 0 : i32
    return %c0_i32, %c0_i32_0 : i32, i32
  }
  func.func @transform_2(%arg0: i32) -> (i32, i32) {
    %c0_i32 = arith.constant 0 : i32
    %c0_i32_0 = arith.constant 0 : i32
    return %arg0, %c0_i32 : i32, i32
  }
}

module attributes {stable_mosaic.version = 14 : i64} {
  func.func @body(%arg0: i32, %arg1: memref<2x1024x128xf32, #tpu.memory_space<vmem>>, %arg2: memref<2x1024x128xf32, #tpu.memory_space<vmem>>, %arg3: memref<1x128xf32, #tpu.memory_space<vmem>>, %arg4: memref<1x128xf32, #tpu.memory_space<vmem>>, %arg5: memref<128x64xf32, #tpu.memory_space<vmem>>, %arg6: memref<1024x128xf32, #tpu.memory_space<vmem>>) attributes {dimension_semantics = [#tpu.dimension_semantics<arbitrary>], iteration_bounds = array<i64: 5>, scalar_prefetch = 0 : i64, scratch_operands = 0 : i64, tpu.core_type = #tpu.core_type<tc>, window_params = [{transform_indices = @transform_0, window_bounds = array<i64: 2, 1024, 128>}, {transform_indices = @transform_1, window_bounds = array<i64: 2, 1024, 128>}, {pipeline_mode = #tpu.pipeline_mode<synchronous>, transform_indices = @transform_2, window_bounds = array<i64: 1, 128>}, {pipeline_mode = #tpu.pipeline_mode<synchronous>, transform_indices = @transform_3, window_bounds = array<i64: 1, 128>}, {pipeline_mode = #tpu.pipeline_mode<synchronous>, transform_indices = @transform_4, window_bounds = array<i64: 128, 64>}, {transform_indices = @transform_5, window_bounds = array<i64: 1024, 128>}]} {
    %get3A = arith.constant 0 : index
    %get3A_0 = arith.constant 0 : index
    %get3A_1 = arith.constant 0 : index
    %get3A_2 = vector.load %arg1[%get3A, %get3A_0, %get3A_1] : memref<2x1024x128xf32, #tpu.memory_space<vmem>>, vector<1x1024x128xf32>
    %get3A_3 = vector.shape_cast %get3A_2 : vector<1x1024x128xf32> to vector<1024x128xf32>
    %get3A_4 = arith.constant 1 : index
    %get3A_5 = arith.constant 0 : index
    %get3A_6 = arith.constant 0 : index
    %get3A_7 = vector.load %arg1[%get3A_4, %get3A_5, %get3A_6] : memref<2x1024x128xf32, #tpu.memory_space<vmem>>, vector<1x1024x128xf32>
    %get3A_8 = vector.shape_cast %get3A_7 : vector<1x1024x128xf32> to vector<1024x128xf32>
    %add3A = arith.addf %get3A_3, %get3A_8 : vector<1024x128xf32>
    %get3A_9 = arith.constant 0 : index
    %get3A_10 = arith.constant 0 : index
    %get3A_11 = vector.load %arg3[%get3A_9, %get3A_10] : memref<1x128xf32, #tpu.memory_space<vmem>>, vector<1x128xf32>
    %add3A_12 = vector.broadcast %get3A_11 : vector<1x128xf32> to vector<1024x128xf32>
    %add3A_13 = arith.addf %add3A, %add3A_12 : vector<1024x128xf32>
    %max3A = arith.constant 0.000000e+00 : f32
    %max3A_14 = vector.broadcast %max3A : f32 to vector<1024x128xf32>
    %max3A_15 = arith.maximumf %add3A_13, %max3A_14 : vector<1024x128xf32>
    %get3A_16 = arith.constant 0 : index
    %get3A_17 = arith.constant 0 : index
    %get3A_18 = arith.constant 0 : index
    %get3A_19 = vector.load %arg2[%get3A_16, %get3A_17, %get3A_18] : memref<2x1024x128xf32, #tpu.memory_space<vmem>>, vector<1x1024x128xf32>
    %get3A_20 = vector.shape_cast %get3A_19 : vector<1x1024x128xf32> to vector<1024x128xf32>
    %get3A_21 = arith.constant 1 : index
    %get3A_22 = arith.constant 0 : index
    %get3A_23 = arith.constant 0 : index
    %get3A_24 = vector.load %arg2[%get3A_21, %get3A_22, %get3A_23] : memref<2x1024x128xf32, #tpu.memory_space<vmem>>, vector<1x1024x128xf32>
    %get3A_25 = vector.shape_cast %get3A_24 : vector<1x1024x128xf32> to vector<1024x128xf32>
    %add3A_26 = arith.addf %get3A_20, %get3A_25 : vector<1024x128xf32>
    %get3A_27 = arith.constant 0 : index
    %get3A_28 = arith.constant 0 : index
    %get3A_29 = vector.load %arg4[%get3A_27, %get3A_28] : memref<1x128xf32, #tpu.memory_space<vmem>>, vector<1x128xf32>
    %add3A_30 = vector.broadcast %get3A_29 : vector<1x128xf32> to vector<1024x128xf32>
    %add3A_31 = arith.addf %add3A_26, %add3A_30 : vector<1024x128xf32>
    %max3A_32 = arith.constant 0.000000e+00 : f32
    %max3A_33 = vector.broadcast %max3A_32 : f32 to vector<1024x128xf32>
    %max3A_34 = arith.maximumf %add3A_31, %max3A_33 : vector<1024x128xf32>
    %get3A_35 = arith.constant 0 : index
    %get3A_36 = arith.constant 0 : index
    %get3A_37 = vector.load %arg5[%get3A_35, %get3A_36] : memref<128x64xf32, #tpu.memory_space<vmem>>, vector<64x64xf32>
    %get3A_38 = arith.constant 64 : index
    %get3A_39 = arith.constant 0 : index
    %get3A_40 = vector.load %arg5[%get3A_38, %get3A_39] : memref<128x64xf32, #tpu.memory_space<vmem>>, vector<64x64xf32>
    %slice3A = vector.extract_strided_slice %max3A_15 {offsets = [0, 0], sizes = [1024, 64], strides = [1, 1]} : vector<1024x128xf32> to vector<1024x64xf32>
    %dot_general3A = arith.constant dense<0.000000e+00> : vector<1024x64xf32>
    %dot_general3A_41 = tpu.matmul %slice3A, %get3A_37, %dot_general3A {dimension_numbers = #tpu.dot_dimension_numbers<[1], [0], [0], [1], [0, 0, 1, 1], [], []>, transpose_lhs_hint = false} : vector<1024x64xf32>, vector<64x64xf32>, vector<1024x64xf32> -> vector<1024x64xf32>
    %slice3A_42 = vector.extract_strided_slice %max3A_34 {offsets = [0, 0], sizes = [1024, 64], strides = [1, 1]} : vector<1024x128xf32> to vector<1024x64xf32>
    %dot_general3A_43 = arith.constant dense<0.000000e+00> : vector<1024x64xf32>
    %dot_general3A_44 = tpu.matmul %slice3A_42, %get3A_40, %dot_general3A_43 {dimension_numbers = #tpu.dot_dimension_numbers<[1], [0], [0], [1], [0, 0, 1, 1], [], []>, transpose_lhs_hint = false} : vector<1024x64xf32>, vector<64x64xf32>, vector<1024x64xf32> -> vector<1024x64xf32>
    %add3A_45 = arith.addf %dot_general3A_41, %dot_general3A_44 : vector<1024x64xf32>
    %slice3A_46 = vector.extract_strided_slice %max3A_15 {offsets = [0, 64], sizes = [1024, 64], strides = [1, 1]} : vector<1024x128xf32> to vector<1024x64xf32>
    %dot_general3A_47 = arith.constant dense<0.000000e+00> : vector<1024x64xf32>
    %dot_general3A_48 = tpu.matmul %slice3A_46, %get3A_37, %dot_general3A_47 {dimension_numbers = #tpu.dot_dimension_numbers<[1], [0], [0], [1], [0, 0, 1, 1], [], []>, transpose_lhs_hint = false} : vector<1024x64xf32>, vector<64x64xf32>, vector<1024x64xf32> -> vector<1024x64xf32>
    %slice3A_49 = vector.extract_strided_slice %max3A_34 {offsets = [0, 64], sizes = [1024, 64], strides = [1, 1]} : vector<1024x128xf32> to vector<1024x64xf32>
    %dot_general3A_50 = arith.constant dense<0.000000e+00> : vector<1024x64xf32>
    %dot_general3A_51 = tpu.matmul %slice3A_49, %get3A_40, %dot_general3A_50 {dimension_numbers = #tpu.dot_dimension_numbers<[1], [0], [0], [1], [0, 0, 1, 1], [], []>, transpose_lhs_hint = false} : vector<1024x64xf32>, vector<64x64xf32>, vector<1024x64xf32> -> vector<1024x64xf32>
    %add3A_52 = arith.addf %dot_general3A_48, %dot_general3A_51 : vector<1024x64xf32>
    %concatenate3A = tpu.concatenate %add3A_45, %add3A_52 in 1 : vector<1024x64xf32>, vector<1024x64xf32> -> vector<1024x128xf32>
    %swap3A = arith.constant 0 : index
    %swap3A_53 = arith.constant 0 : index
    %swap3A_54 = vector.load %arg6[%swap3A, %swap3A_53] : memref<1024x128xf32, #tpu.memory_space<vmem>>, vector<1024x128xf32>
    tpu.vector_store %arg6[%swap3A, %swap3A_53], %concatenate3A {strides = array<i32>} : memref<1024x128xf32, #tpu.memory_space<vmem>>, vector<1024x128xf32>,
    return
  }
  func.func @transform_0(%arg0: i32) -> (i32, i32, i32) {
    %c0_i32 = arith.constant 0 : i32
    %c0_i32_0 = arith.constant 0 : i32
    %c0_i32_1 = arith.constant 0 : i32
    return %c0_i32, %arg0, %c0_i32_0 : i32, i32, i32
  }
  func.func @transform_1(%arg0: i32) -> (i32, i32, i32) {
    %c0_i32 = arith.constant 0 : i32
    %c0_i32_0 = arith.constant 0 : i32
    %c0_i32_1 = arith.constant 0 : i32
    return %c0_i32, %arg0, %c0_i32_0 : i32, i32, i32
  }
  func.func @transform_2(%arg0: i32) -> (i32, i32) {
    %c0_i32 = arith.constant 0 : i32
    %c0_i32_0 = arith.constant 0 : i32
    %c0_i32_1 = arith.constant 0 : i32
    return %c0_i32, %c0_i32_0 : i32, i32
  }
  func.func @transform_3(%arg0: i32) -> (i32, i32) {
    %c0_i32 = arith.constant 0 : i32
    %c0_i32_0 = arith.constant 0 : i32
    %c0_i32_1 = arith.constant 0 : i32
    return %c0_i32, %c0_i32_0 : i32, i32
  }
  func.func @transform_4(%arg0: i32) -> (i32, i32) {
    %c0_i32 = arith.constant 0 : i32
    %c0_i32_0 = arith.constant 0 : i32
    %c0_i32_1 = arith.constant 0 : i32
    return %c0_i32, %c0_i32_0 : i32, i32
  }
  func.func @transform_5(%arg0: i32) -> (i32, i32) {
    %c0_i32 = arith.constant 0 : i32
    %c0_i32_0 = arith.constant 0 : i32
    return %arg0, %c0_i32 : i32, i32
  }
}

module attributes {stable_mosaic.version = 14 : i64} {
  func.func @body(%arg0: i32, %arg1: memref<2x5000x128xf32, #tpu.memory_space<vmem>>, %arg2: memref<1x128xf32, #tpu.memory_space<vmem>>, %arg3: memref<5000x128xf32, #tpu.memory_space<vmem>>) attributes {dimension_semantics = [#tpu.dimension_semantics<arbitrary>], iteration_bounds = array<i64: 1>, scalar_prefetch = 0 : i64, scratch_operands = 0 : i64, tpu.core_type = #tpu.core_type<tc>, window_params = [{transform_indices = @transform_0, window_bounds = array<i64: 2, 5000, 128>}, {pipeline_mode = #tpu.pipeline_mode<synchronous>, transform_indices = @transform_1, window_bounds = array<i64: 1, 128>}, {pipeline_mode = #tpu.pipeline_mode<synchronous>, transform_indices = @transform_2, window_bounds = array<i64: 5000, 128>}]} {
    %get3A = arith.constant 0 : index
    %get3A_0 = arith.constant 0 : index
    %get3A_1 = arith.constant 0 : index
    %get3A_2 = vector.load %arg1[%get3A, %get3A_0, %get3A_1] : memref<2x5000x128xf32, #tpu.memory_space<vmem>>, vector<1x5000x128xf32>
    %get3A_3 = vector.shape_cast %get3A_2 : vector<1x5000x128xf32> to vector<5000x128xf32>
    %get3A_4 = arith.constant 1 : index
    %get3A_5 = arith.constant 0 : index
    %get3A_6 = arith.constant 0 : index
    %get3A_7 = vector.load %arg1[%get3A_4, %get3A_5, %get3A_6] : memref<2x5000x128xf32, #tpu.memory_space<vmem>>, vector<1x5000x128xf32>
    %get3A_8 = vector.shape_cast %get3A_7 : vector<1x5000x128xf32> to vector<5000x128xf32>
    %add3A = arith.addf %get3A_3, %get3A_8 : vector<5000x128xf32>
    %get3A_9 = arith.constant 0 : index
    %get3A_10 = arith.constant 0 : index
    %get3A_11 = vector.load %arg2[%get3A_9, %get3A_10] : memref<1x128xf32, #tpu.memory_space<vmem>>, vector<1x128xf32>
    %add3A_12 = vector.broadcast %get3A_11 : vector<1x128xf32> to vector<5000x128xf32>
    %add3A_13 = arith.addf %add3A, %add3A_12 : vector<5000x128xf32>
    %slice3A = vector.extract_strided_slice %add3A_13 {offsets = [0, 0], sizes = [5000, 64], strides = [1, 1]} : vector<5000x128xf32> to vector<5000x64xf32>
    %reduce_max3A = arith.constant dense<0xFF800000> : vector<5000xf32>
    %reduce_max3A_14 = vector.multi_reduction <maximumf>, %slice3A, %reduce_max3A [1] : vector<5000x64xf32> to vector<5000xf32>
    %broadcast_in_dim3A = vector.shape_cast %reduce_max3A_14 : vector<5000xf32> to vector<5000x1xf32>
    %sub3A = vector.broadcast %broadcast_in_dim3A : vector<5000x1xf32> to vector<5000x64xf32>
    %sub3A_15 = arith.subf %slice3A, %sub3A : vector<5000x64xf32>
    %exp3A = math.exp %sub3A_15 : vector<5000x64xf32>
    %reduce_sum3A = arith.constant dense<0.000000e+00> : vector<5000xf32>
    %reduce_sum3A_16 = vector.multi_reduction <add>, %exp3A, %reduce_sum3A [1] : vector<5000x64xf32> to vector<5000xf32>
    %broadcast_in_dim3A_17 = vector.shape_cast %reduce_sum3A_16 : vector<5000xf32> to vector<5000x1xf32>
    %sub3A_18 = vector.broadcast %broadcast_in_dim3A : vector<5000x1xf32> to vector<5000x64xf32>
    %sub3A_19 = arith.subf %slice3A, %sub3A_18 : vector<5000x64xf32>
    %log3A = math.log %broadcast_in_dim3A_17 : vector<5000x1xf32>
    %sub3A_20 = vector.broadcast %log3A : vector<5000x1xf32> to vector<5000x64xf32>
    %sub3A_21 = arith.subf %sub3A_19, %sub3A_20 : vector<5000x64xf32>
    %slice3A_22 = vector.extract_strided_slice %add3A_13 {offsets = [0, 64], sizes = [5000, 64], strides = [1, 1]} : vector<5000x128xf32> to vector<5000x64xf32>
    %reduce_max3A_23 = arith.constant dense<0xFF800000> : vector<5000xf32>
    %reduce_max3A_24 = vector.multi_reduction <maximumf>, %slice3A_22, %reduce_max3A_23 [1] : vector<5000x64xf32> to vector<5000xf32>
    %broadcast_in_dim3A_25 = vector.shape_cast %reduce_max3A_24 : vector<5000xf32> to vector<5000x1xf32>
    %sub3A_26 = vector.broadcast %broadcast_in_dim3A_25 : vector<5000x1xf32> to vector<5000x64xf32>
    %sub3A_27 = arith.subf %slice3A_22, %sub3A_26 : vector<5000x64xf32>
    %exp3A_28 = math.exp %sub3A_27 : vector<5000x64xf32>
    %reduce_sum3A_29 = arith.constant dense<0.000000e+00> : vector<5000xf32>
    %reduce_sum3A_30 = vector.multi_reduction <add>, %exp3A_28, %reduce_sum3A_29 [1] : vector<5000x64xf32> to vector<5000xf32>
    %broadcast_in_dim3A_31 = vector.shape_cast %reduce_sum3A_30 : vector<5000xf32> to vector<5000x1xf32>
    %sub3A_32 = vector.broadcast %broadcast_in_dim3A_25 : vector<5000x1xf32> to vector<5000x64xf32>
    %sub3A_33 = arith.subf %slice3A_22, %sub3A_32 : vector<5000x64xf32>
    %log3A_34 = math.log %broadcast_in_dim3A_31 : vector<5000x1xf32>
    %sub3A_35 = vector.broadcast %log3A_34 : vector<5000x1xf32> to vector<5000x64xf32>
    %sub3A_36 = arith.subf %sub3A_33, %sub3A_35 : vector<5000x64xf32>
    %concatenate3A = tpu.concatenate %sub3A_21, %sub3A_36 in 1 : vector<5000x64xf32>, vector<5000x64xf32> -> vector<5000x128xf32>
    %swap3A = arith.constant 0 : index
    %swap3A_37 = arith.constant 0 : index
    %swap3A_38 = vector.load %arg3[%swap3A, %swap3A_37] : memref<5000x128xf32, #tpu.memory_space<vmem>>, vector<5000x128xf32>
    tpu.vector_store %arg3[%swap3A, %swap3A_37], %concatenate3A {strides = array<i32>} : memref<5000x128xf32, #tpu.memory_space<vmem>>, vector<5000x128xf32>,
    return
  }
  func.func @transform_0(%arg0: i32) -> (i32, i32, i32) {
    %c0_i32 = arith.constant 0 : i32
    %c0_i32_0 = arith.constant 0 : i32
    %c0_i32_1 = arith.constant 0 : i32
    %c0_i32_2 = arith.constant 0 : i32
    return %c0_i32, %c0_i32_0, %c0_i32_1 : i32, i32, i32
  }
  func.func @transform_1(%arg0: i32) -> (i32, i32) {
    %c0_i32 = arith.constant 0 : i32
    %c0_i32_0 = arith.constant 0 : i32
    %c0_i32_1 = arith.constant 0 : i32
    return %c0_i32, %c0_i32_0 : i32, i32
  }
  func.func @transform_2(%arg0: i32) -> (i32, i32) {
    %c0_i32 = arith.constant 0 : i32
    %c0_i32_0 = arith.constant 0 : i32
    %c0_i32_1 = arith.constant 0 : i32
    return %c0_i32, %c0_i32_0 : i32, i32
  }
}

</mosaic_0001>

<sc_bundles>
// kernel: kernel.11.cloned.1.call-start
scs
__scs_entry_jumppad:
0x0: {  	(pc) =	sbr.rel $0x88, $3  }
0x1: {  	(tag) =	ssettag $0x0;
	lr =	simm.s32 $0x1  }
0x2: {  	[smem:$0x3F9B] =	sst lr;
	_ =	strace $0xD0000000  }
0x3: {  	_ = 	snop  }
0x4: {  	_ = 	snop  }
0x5: {  	_ = 	snop  }
0x6: {  	_ = 	snop  }
0x7: {  	_ = 	snop  }
__scs_overlays_trampoline_lowered:
0x8: {  	[smem:$0x3FAA] =	sst s0  }
0x9: {  	[smem:$0x3FAB] =	sst s1  }
0xa: {  	[smem:$0x3FAC] =	sst s2  }
0xb: {  	[smem:$0x3FAD] =	sst s3  }
0xc: {  	[smem:$0x3FAE] =	sst s4  }
0xd: {  	[smem:$0x3FAF] =	sst s5  }
0xe: {  	[smem:$0x3FB0] =	sst s6  }
0xf: {  	[smem:$0x3FB1] =	sst s7  }
0x10: {  	[smem:$0x3FB2] =	sst s8  }
0x11: {  	[smem:$0x3FB3] =	sst s9;
	s0 =	simm.s32 @!p0 $0x0  }
0x12: {  	s1 =	sld [smem:$0x3F99];
	s0 =	simm.s32 @p0 $0x1  }
0x13: {  	[smem:$0x3FB4] =	sst s0;
	s0 =	simm.s32 @!p1 $0x0  }
0x14: {  	s2 =	sld [smem:$0x3F98];
	s0 =	simm.s32 @p1 $0x1  }
0x15: {  	[smem:$0x3FB5] =	sst s0;
	s0 =	simm.s32 @!p2 $0x0  }
0x16: {  	s3 =	sld [smem:$0x3FDB];
	s0 =	simm.s32 @p2 $0x1  }
0x17: {  	s4 =	simm.s32 $0x1BF5;
	[smem:$0x3FB7] =	sst s0  }
0x18: {  	s0 =	sld [smem:$0x3F9A];
	_ =	swait.ge [sflag:s4], $0x0  }
0x19: {  	s7 =	sld [smem:$0x3F9B]  }
0x1a: {  	s8 =	sadd.s32 $0xFFFFE003, lr  }
0x1b: {  	s9 =	sadd.s32 $0xFFFFFEF7, lr;
	s5 =	simm.s32 $0xFFFFFFFF;
	p2 =	slt.u32 s8, $0xFFFFF086  }
0x1c: {  	p1 =	slt.u32 s9, $0xF7A;
	s5 =	simm.s32 @!p2 $0x0  }
0x1d: {  	s5 =	simm.s32 @p1 $0x1;
	p0 =	seq.s32 s7, s2  }
0x1e: {  	s7 =	smul.u32 @!p0 $0xF7A, s2;
	p2 =	seq.s32 @!p0 s5, $0x0  }
0x1f: {  	s9 =	smul.u32 $0xF7A, s1;
	s8 =	simm.s32 @!p0 $0x1BF5;
	p2 =	por !p2, p0  }
0x20: {  	[sflag:s8] =	ssyncset.s32 @!p0 $0xFFFFF086;
	s6 =	sadd.s32 @!p0 s3, s7;
	s7 =	simm.s32 @!p0 $0x108  }
0x21: {  	s3 =	sadd.s32 s3, s9;
	s6 =	sadd.s32 @!p0 $0x88, s6;
	s7 =	simm.s32 @p2 $0x1082  }
0x22: {  	[simem:s7], [sflag:s8] =	dma.local @!p0 [hbm:s6], $0xF7A  }
0x23: {  	s9 =	sor.u32 $0xD0000000, s2;
	s6 =	simm.s32 $0x108;
	_ =	swait.ge @!p0 [sflag:s8], $0x0  }
0x24: {  	s3 =	sadd.s32 $0x88, s3;
	s6 =	simm.s32 @!p1 $0x1082;
	[sflag:s4] =	ssyncset.s32 $0xFFFFF086  }
0x25: {  	[simem:s6], [sflag:s4] =	dma.local [hbm:s3], $0xF7A  }
0x26: {  	[smem:$0x3F9B] =	sst s1;
	(tag) =	ssettag s2;
	_ =	strace s9  }
0x27: {  	s1 =	sld [smem:$0x3FAB]  }
0x28: {  	s2 =	sld [smem:$0x3FAC]  }
0x29: {  	s4 =	sld [smem:$0x3FAE]  }
0x2a: {  	p0 =	seq.s32 s5, $0x0;
	s5 =	sld [smem:$0x3FAF]  }
0x2b: {  	s6 =	sld [smem:$0x3FB0]  }
0x2c: {  	s7 =	sld [smem:$0x3FB1]  }
0x2d: {  	s3 =	simm.s32 $0x108;
	s8 =	sld [smem:$0x3FB2]  }
0x2e: {  	s3 =	simm.s32 @!p0 $0x1082;
	s9 =	sld [smem:$0x3FB3]  }
0x2f: {  	lr =	sadd.s32 s0, s3;
	s0 =	sld [smem:$0x3FAA]  }
0x30: {  	s3 =	sld [smem:$0x3FAD]  }
0x31: {  	[smem:$0x3FB6] =	sst s10  }
0x32: {  	s10 =	sld [smem:$0x3FB4];
	_ =	sdelay $0x3  }
0x33: {  	p0 =	seq.s32 s10, $0x1;
	s10 =	sld [smem:$0x3FB6];
	_ =	sdelay $0x3  }
0x34: {  	[smem:$0x3FB6] =	sst s10  }
0x35: {  	s10 =	sld [smem:$0x3FB5];
	_ =	sdelay $0x3  }
0x36: {  	p1 =	seq.s32 s10, $0x1;
	s10 =	sld [smem:$0x3FB6];
	_ =	sdelay $0x3  }
0x37: {  	[smem:$0x3FB6] =	sst s10  }
0x38: {  	s10 =	sld [smem:$0x3FB7]  }
0x39: {  	_ = 	snop;
	(pc) =	sbr.ind lr, $3  }
0x3a: {  	_ = 	snop  }
0x3b: {  	_ = 	snop  }
0x3c: {  	p2 =	seq.s32 s10, $0x1;
	s10 =	sld [smem:$0x3FB6]  }
0x3d: {  	_ =	shalt  }
0x3e: {  	_ =	shalt  }
0x3f: {  	_ =	shalt  }
0x40: {  	_ =	shalt  }
0x41: {  	_ =	shalt  }
0x42: {  	_ =	shalt  }
0x43: {  	_ =	shalt  }
0x44: {  	_ =	shalt  }
0x45: {  	_ =	shalt  }
0x46: {  	_ =	shalt  }
0x47: {  	_ =	shalt  }
0x48: {  	_ =	shalt  }
0x49: {  	_ =	shalt  }
0x4a: {  	_ =	shalt  }
0x4b: {  	_ =	shalt  }
0x4c: {  	_ =	shalt  }
0x4d: {  	_ =	shalt  }
0x4e: {  	_ =	shalt  }
0x4f: {  	_ =	shalt  }
0x50: {  	_ =	shalt  }
0x51: {  	_ =	shalt  }
0x52: {  	_ =	shalt  }
0x53: {  	_ =	shalt  }
0x54: {  	_ =	shalt  }
0x55: {  	_ =	shalt  }
0x56: {  	_ =	shalt  }
0x57: {  	_ =	shalt  }
0x58: {  	_ =	shalt  }
0x59: {  	_ =	shalt  }
0x5a: {  	_ =	shalt  }
0x5b: {  	_ =	shalt  }
0x5c: {  	_ =	shalt  }
0x5d: {  	_ =	shalt  }
0x5e: {  	_ =	shalt  }
0x5f: {  	_ =	shalt  }
0x60: {  	_ =	shalt  }
0x61: {  	_ =	shalt  }
0x62: {  	_ =	shalt  }
0x63: {  	_ =	shalt  }
0x64: {  	_ =	shalt  }
0x65: {  	_ =	shalt  }
0x66: {  	_ =	shalt  }
0x67: {  	_ =	shalt  }
0x68: {  	_ =	shalt  }
0x69: {  	_ =	shalt  }
0x6a: {  	_ =	shalt  }
0x6b: {  	_ =	shalt  }
0x6c: {  	_ =	shalt  }
0x6d: {  	_ =	shalt  }
0x6e: {  	_ =	shalt  }
0x6f: {  	_ =	shalt  }
0x70: {  	_ =	shalt  }
0x71: {  	_ =	shalt  }
0x72: {  	_ =	shalt  }
0x73: {  	_ =	shalt  }
0x74: {  	_ =	shalt  }
0x75: {  	_ =	shalt  }
0x76: {  	_ =	shalt  }
0x77: {  	_ =	shalt  }
0x78: {  	_ =	shalt  }
0x79: {  	_ =	shalt  }
0x7a: {  	_ =	shalt  }
0x7b: {  	_ =	shalt  }
0x7c: {  	_ =	shalt  }
0x7d: {  	_ =	shalt  }
0x7e: {  	_ =	shalt  }
0x7f: {  	_ =	shalt  }
0x80: {  	_ =	shalt  }
0x81: {  	_ =	shalt  }
0x82: {  	_ =	shalt  }
0x83: {  	_ =	shalt  }
0x84: {  	_ =	shalt  }
0x85: {  	_ =	shalt  }
0x86: {  	_ =	shalt  }
0x87: {  	_ =	shalt  }
.Lfunc_end0:
.L_simem_size_0:
called_computation.1_lowered:
.L_overlay_start_0:
0x88: {  	s2 =	sld [smem:$0x3FD9]  }
0x89: {  	s3 =	sld [smem:$0x3FFE];
	_ =	sdelay $0x1  }
0x8a: {  	s1 =	srdreg.scid  }
0x8b: {  	s0 =	sand.u32 $0x1, s1  }
0x8c: {  	s16 =	sshll.u32 s0, $0xA;
	s2 =	sadd.s32 s3, s2  }
0x8d: {  	s2 =	sadd.s32 s2, s16  }
0x8e: {  	[smem:$0x3FC2] =	sst s2  }
0x8f: {  	_ = 	snop  }
0x90: {  	(tm) =	ssettm $0x1  }
0x91: {  	s17 =	sld [smem:$0x3FFB];
	_ =	sdelay $0x3  }
0x92: {  	_ =	strace s17  }
0x93: {  	s2 =	sld [smem:$0x3FFC];
	_ =	sdelay $0x3  }
0x94: {  	_ =	strace s2  }
0x95: {  	s2 =	sld [smem:$0x3FFD];
	_ =	sdelay $0x3  }
0x96: {  	_ =	strace s2  }
0x97: {  	_ =	strace $0x8FFFFFFF  }
0x98: {  	s18 =	sld [smem:$0x3FDB];
	_ =	sdelay $0x1  }
0x99: {  	s19 =	simm.s32 $_scs_section_size  }
0x9a: {  	s4 =	simm.s32 $_size__tile_overlayer_lowered;
	s5 =	simm.s32 $_tile_overlayer_lowered  }
0x9b: {  	s22 =	simm.s32 $0x1BFF;
	s21 =	sshll.u32 s5, $0x1;
	s2 =	sadd.s32 s19, s18  }
0x9c: {  	s6 =	simm.s32 $0x0;
	s20 =	sshll.u32 s4, $0x1;
	s4 =	sadd.s32 s21, s2  }
0x9d: {  	[timem:s6], [sflag:s22] =	dma.local [hbm:s4], s20  }
0x9e: {  	_ =	swait.ge [sflag:s22], s20  }
0x9f: {  	s3 =	ssub.s32 $0x0, s20;
	[sflag:s22] =	ssyncset.done $0x0  }
0xa0: {  	[sflag:s22] =	ssyncadd.s32 s3;
	_ =	sdelay $0x1  }
0xa1: {  	s23 =	simm.s32 $0x1B8B  }
0xa2: {  	_ =	swait.ge [sflag:s23], $0x1  }
0xa3: {  	[sflag:s23] =	ssyncset.done $0x0  }
0xa4: {  	s25 =	simm.s32 $0x1B8E;
	s24 =	sld [smem:$0x3FFE];
	[sflag:s23] =	ssyncadd.s32 $0xFFFFFFFF  }
0xa5: {  	s26 =	simm.s32 $execute0_lowered;
	[smem:$0x3FD2] =	sst s25  }
0xa6: {  	s4 =	sshll.u32 s26, $0x1;
	_ =	strace $0x80000046;
	[dreg:$0x1] =	wrdreg $0xFFFFFFFF  }
0xa7: {  	s28 =	simm.s32 $_size_execute0_lowered;
	s2 =	sadd.s32 s2, s4;
	[dreg:$0x0] =	wrdreg $0x0  }
0xa8: {  	s4 =	sshll.u32 s28, $0x1;
	[dreg:$0x2] =	wrdreg s2  }
0xa9: {  	[dreg:$0x3] =	wrdreg s4  }
0xaa: {  	[dreg:$0x4] =	wrdreg $0xC0  }
0xab: {  	_ =	task [dreg:s6], $0x5FFFF  }
0xac: {  	[dreg:$0x1] =	wrdreg $0xFFFFFFFF  }
0xad: {  	[dreg:$0x0] =	wrdreg $0x60  }
0xae: {  	[dreg:$0x2] =	wrdreg s24  }
0xaf: {  	[dreg:$0x3] =	wrdreg $0xF0000  }
0xb0: {  	[dreg:$0x4] =	wrdreg $0xA  }
0xb1: {  	_ =	task.clear_ibuf [dreg:s6], $0x5FFFF;
	_ =	strace $0x90000046  }
0xb2: {  	s29 =	simm.s32 $0xA;
	_ =	strace $0x80000048  }
0xb3: {  	_ =	swait.ge [sflag:s29], $0x1  }
0xb4: {  	[sflag:s29] =	ssyncadd.s32 $0xFFFFFFFF  }
0xb5: {  	_ =	strace $0x90000048  }
0xb6: {  	_ =	sfence  }
0xb7: {  	s30 =	sld [smem:$0x0];
	_ =	sdelay $0x2  }
0xb8: {  	s31 =	sshll.u32 s1, $0xD;
	s1 =	sshrl.u32 s1, $0x2  }
0xb9: {  	s3 =	sand.u32 $0x4000, s31;
	s1 =	sadd.s32 s1, s30  }
0xba: {  	s0 =	sor.u32 s3, s0;
	s1 =	sshll.u32 s1, $0x11  }
0xbb: {  	s0 =	sor.u32 s1, s0  }
0xbc: {  	s0 =	sadd.s32 $0x8F2B, s0  }
0xbd: {  	[sflag:s0] =	ssyncadd.remote.s32 $0x1  }
0xbe: {  	_ =	sfence.sel $0xFFFF  }
0xbf: {  	[dreg:$0x0] =	wrdreg $0xFFFFFFFF;
	(pc) =	sbr.abs _section_cstart, $3  }
0xc0: {  	[dreg:$0x1] =	wrdreg $0xFFFFFFFF  }
0xc1: {  	_ =	task.clear_ibuf [dreg:s6], $0x2FFFF;
	_ =	strace $0x9FFFFFFF  }
0xc2: {  	(tm) =	ssettm $0x7FFFFFFF  }
0xc3: {  	_ =	shalt  }
tec
execute0_lowered:
.L_overlay_start_1:
0x0: {  	(tag) =	ssettag $0x1  }
0x1: {  	s0 =	srdreg.scid;
	s5 =	rddreg [dreg:$0x0]  }
0x2: {  	s8 =	stileid.u32;
	s2 =	rddreg [dreg:$0x1];
	s3 =	simm.s32 $0x0  }
0x3: {  	s14 =	simm.s32 $0x3;
	s15 =	simm.s32 $0x2800;
	s16 =	simm.s32 $0x80  }
0x4: {  	s17 =	simm.s32 $0x5000;
	s18 =	simm.s32 $0x7000;
	s20 =	simm.s32 $0x9000  }
0x5: {  	s22 =	simm.s32 $0xB000;
	s23 =	simm.s32 $0xD000;
	s24 =	simm.s32 $0x1  }
0x6: {  	s28 =	simm.s32 $0x4F00;
	s29 =	simm.s32 $0x4F80;
	s30 =	simm.s32 $0x0  }
0x7: {  	s0 =	sand.u32 $0x1, s0;
	s7 =	smul.u32 $0xA000, s8;
	[smem:$0x7FF] =	sst s3  }
0x8: {  	s4 =	sadd.s32 $0x2E00, s5;
	s1 =	sshll.u32 s0, $0x4;
	s6 =	smul.u32 $0xA0000, s0  }
0x9: {  	s0 =	ssub.s32 $0x2, s0;
	s1 =	sor.u32 s8, s1;
	s8 =	smul.u32 $0x28000, s8  }
0xa: {  	_ =	strace $0x80000047;
	s26 =	sshrl.u32 s0, $0x1;
	s1 =	smul.u32 $0x2800, s1  }
0xb: {  	s6 =	sadd.s32 s7, s6;
	s0 =	ssub.s32 s0, s26;
	s7 =	sadd.s32 s7, s2  }
0xc: {  	s26 =	simm.s32 $0x2;
	s6 =	sshrl.u32 s6, $0x3;
	s31 =	sshrl.u32 s8, $0x2  }
0xd: {  	s13 =	smax.u32 s0, $0x1;
	s1 =	sshrl.u32 s1, $0x3;
	s11 =	sadd.s32 s31, s2  }
0xe: {  	s12 =	sadd.s32 s6, s5;
	s1 =	sadd.s32 s1, s5;
	s8 =	sadd.s32 $0x2000, s11  }
0xf: {  	s9 =	sadd.s32 $0x4000, s11;
	s10 =	sadd.s32 $0x6000, s11;
	s11 =	sadd.s32 $0x8000, s11  }
0x10: {  	v0 =	vimm.f32 $0.0e+00;
	s12 =	sadd.s32 $0x52E00, s12;
	s5 =	sadd.s32 $0x2AE00, s1;
	s6 =	sadd.s32 $0x34E00, s1  }
.LBB2_1:
0x11: {  	[tilespmem:s3], [sflag:$0x3] =	stream.linear.gather [hbm4b:s5+s3], $0x2800, $0x38;
	[tilespmem:$0x19000] =	vst v63  }
0x12: {  	_ =	swait.ge [sflag:s14], $0x2800  }
0x13: {  	[sflag:s14] =	ssyncset.done $0x0  }
0x14: {  	[sflag:s14] =	ssyncadd.s32 $0xFFFFD800  }
0x15: {  	[tilespmem:s15], [sflag:$0x3] =	stream.linear.gather [hbm4b:s6+s3], $0x2800, $0x38;
	[tilespmem:$0x19000] =	vst v63  }
0x16: {  	_ =	swait.ge [sflag:s14], $0x2800  }
0x17: {  	[sflag:s14] =	ssyncset.done $0x0  }
0x18: {  	[sflag:s14] =	ssyncadd.s32 $0xFFFFD800  }
0x19: {  	[tilespmem:s17], [sflag:$0x1] =	stream.indirect.gather [hbm4b:s4+s16], $0x40, s3, s16, $0xb8;
	[tilespmem:$0x19000] =	vst v63  }
0x1a: {  	_ = 	snop  }
0x1b: {  	[tilespmem:s18], [sflag:$0x1] =	stream.indirect.gather [hbm4b:s4+s16], $0x40, s16, s16, $0xb8;
	[tilespmem:$0x19000] =	vst v63  }
0x1c: {  	s0 =	simm.s32 $0x100  }
0x1d: {  	[tilespmem:s20], [sflag:$0x1] =	stream.indirect.gather [hbm4b:s4+s16], $0x40, s0, s16, $0xb8;
	[tilespmem:$0x19000] =	vst v63  }
0x1e: {  	s31 =	simm.s32 $0x180;
	s1 =	simm.s32 $0x100;
	s0 =	simm.s32 $0x0  }
0x1f: {  	[tilespmem:s22], [sflag:$0x1] =	stream.indirect.gather [hbm4b:s4+s16], $0x40, s31, s16, $0xb8;
	[tilespmem:$0x19000] =	vst v63  }
.LBB2_2:
0x20: {  	p0 =	sne.s32 s1, $0x7F00;
	[tilespmem:s0+$0xD030] =	vst v0;
	s19 =	smov.u32 s1;
	s1 =	sadd.s32 $0x100, s1  }
.Ltmp0:
0x21: {  	[tilespmem:s0+$0xD020] =	vst v0;
	(pc) =	sbr.rel @p0 .LBB2_2-.Ltmp0, $3  }
0x22: {  	[tilespmem:s0+$0xD000] =	vst v0  }
0x23: {  	[tilespmem:s0+$0xD010] =	vst v0;
	_ =	sdelay $0x1  }
0x24: {  	s0 =	sshra.s32 s19, $0x2  }
0x25: {  	[tilespmem:s0+$0xD030] =	vst v0  }
0x26: {  	[tilespmem:s0+$0xD020] =	vst v0  }
0x27: {  	[tilespmem:s0+$0xD000] =	vst v0  }
0x28: {  	[tilespmem:s0+$0xD010] =	vst v0  }
0x29: {  	[spmem:s7] =	stream.linear.scatter [tilespmem:s23], [sflag:$0x3], $0x2000, $0x38;
	[tilespmem:$0x19000] =	vst v63  }
0x2a: {  	_ =	swait.ge [sflag:s14], $0x2000  }
0x2b: {  	[sflag:s14] =	ssyncset.done $0x0  }
0x2c: {  	[sflag:s14] =	ssyncadd.s32 $0xFFFFE000  }
0x2d: {  	[spmem:s8] =	stream.linear.scatter [tilespmem:s23], [sflag:$0x3], $0x2000, $0x38;
	[tilespmem:$0x19000] =	vst v63  }
0x2e: {  	_ =	swait.ge [sflag:s14], $0x2000  }
0x2f: {  	[sflag:s14] =	ssyncset.done $0x0  }
0x30: {  	[sflag:s14] =	ssyncadd.s32 $0xFFFFE000  }
0x31: {  	[spmem:s9] =	stream.linear.scatter [tilespmem:s23], [sflag:$0x3], $0x2000, $0x38;
	[tilespmem:$0x19000] =	vst v63  }
0x32: {  	_ =	swait.ge [sflag:s14], $0x2000  }
0x33: {  	[sflag:s14] =	ssyncset.done $0x0  }
0x34: {  	[sflag:s14] =	ssyncadd.s32 $0xFFFFE000  }
0x35: {  	[spmem:s10] =	stream.linear.scatter [tilespmem:s23], [sflag:$0x3], $0x2000, $0x38;
	[tilespmem:$0x19000] =	vst v63  }
0x36: {  	_ =	swait.ge [sflag:s14], $0x2000  }
0x37: {  	[sflag:s14] =	ssyncset.done $0x0  }
0x38: {  	[sflag:s14] =	ssyncadd.s32 $0xFFFFE000  }
0x39: {  	[spmem:s11] =	stream.linear.scatter [tilespmem:s23], [sflag:$0x3], $0x2000, $0x38;
	[tilespmem:$0x19000] =	vst v63  }
0x3a: {  	_ =	swait.ge [sflag:s14], $0x2000  }
0x3b: {  	[sflag:s14] =	ssyncset.done $0x0  }
0x3c: {  	[sflag:s14] =	ssyncadd.s32 $0xFFFFE000  }
0x3d: {  	[bflag:$0x0] =	sbarrier.arrive $0xFFFF  }
0x3e: {  	_ =	swait.ge [sflag:s24], $0x2000  }
0x3f: {  	[sflag:s24] =	ssyncset.done $0x0  }
0x40: {  	[sflag:s24] =	ssyncadd.s32 $0xFFFFE000  }
0x41: {  	[spmem:s2] =	stream.indirect.scatter.add.f32 [tilespmem:s17], [sflag:$0x2], $0x40, s15, s16, $0xb8;
	[tilespmem:$0x19000] =	vst v63  }
0x42: {  	_ =	swait.ge [sflag:s24], $0x2000  }
0x43: {  	[sflag:s24] =	ssyncset.done $0x0  }
0x44: {  	s19 =	simm.s32 $0x2880;
	s21 =	simm.s32 $0x20000;
	[sflag:s24] =	ssyncadd.s32 $0xFFFFE000  }
0x45: {  	[spmem:s2] =	stream.indirect.scatter.add.f32 [tilespmem:s18], [sflag:$0x2], $0x40, s19, s16, $0xb8;
	[tilespmem:$0x19000] =	vst v63  }
0x46: {  	s1 =	simm.s32 $0x200;
	s0 =	sand.u32 $0x18000, s21;
	_ =	swait.ge [sflag:s26], $0x2000  }
0x47: {  	s0 =	sshrl.u32 s0, $0x2;
	s19 =	simm.s32 $0x10000;
	[sflag:s26] =	ssyncset.done $0x0  }
0x48: {  	s0 =	sadd.s32 $0x5000, s0;
	s25 =	sand.u32 $0x18000, s19;
	[sflag:s26] =	ssyncadd.s32 $0xFFFFE000  }
0x49: {  	[tilespmem:s0], [sflag:$0x1] =	stream.indirect.gather [hbm4b:s4+s16], $0x40, s1, s16, $0xb8;
	[tilespmem:$0x19000] =	vst v63  }
0x4a: {  	s31 =	simm.s32 $0x2900;
	s19 =	sshrl.u32 s25, $0x2;
	_ =	swait.ge [sflag:s24], $0x2000  }
0x4b: {  	s21 =	sadd.s32 $0x5000, s19;
	s19 =	simm.s32 $0x2980;
	[sflag:s24] =	ssyncset.done $0x0  }
0x4c: {  	s1 =	simm.s32 $0x28000;
	s0 =	simm.s32 $0x280;
	[sflag:s24] =	ssyncadd.s32 $0xFFFFE000  }
.LBB2_4:
0x4d: {  	[spmem:s2] =	stream.indirect.scatter.add.f32 [tilespmem:s21], [sflag:$0x2], $0x40, s31, s16, $0xb8;
	[tilespmem:$0x19000] =	vst v63  }
0x4e: {  	s31 =	smov.u32 s19  }
0x4f: {  	s21 =	sand.u32 $0x18000, s1;
	p0 =	sne.s32 s1, $0x278000;
	_ =	swait.ge [sflag:s26], $0x2000  }
0x50: {  	s25 =	sadd.s32 $0xFFFF0000, s1;
	s21 =	sshrl.u32 s21, $0x2;
	[sflag:s26] =	ssyncset.done $0x0  }
.Ltmp1:
0x51: {  	s21 =	sadd.s32 $0x5000, s21;
	[sflag:s26] =	ssyncadd.s32 $0xFFFFE000;
	(pc) =	sbr.rel @p0 .LBB2_4-.Ltmp1, $4  }
0x52: {  	[tilespmem:s21], [sflag:$0x1] =	stream.indirect.gather [hbm4b:s4+s16], $0x40, s0, s16, $0xb8;
	[tilespmem:$0x19000] =	vst v63  }
0x53: {  	s1 =	sadd.s32 $0x8000, s1;
	s21 =	sand.u32 $0x18000, s25;
	_ =	swait.ge [sflag:s24], $0x2000  }
0x54: {  	s0 =	sadd.s32 $0x80, s0;
	s21 =	sshrl.u32 s21, $0x2;
	[sflag:s24] =	ssyncset.done $0x0  }
0x55: {  	s19 =	sadd.s32 $0x80, s19;
	s21 =	sadd.s32 $0x5000, s21;
	[sflag:s24] =	ssyncadd.s32 $0xFFFFE000  }
0x56: {  	[spmem:s2] =	stream.indirect.scatter.add.f32 [tilespmem:s21], [sflag:$0x2], $0x40, s31, s16, $0xb8;
	[tilespmem:$0x19000] =	vst v63  }
0x57: {  	_ =	swait.ge [sflag:s26], $0x2000  }
0x58: {  	[sflag:s26] =	ssyncset.done $0x0  }
0x59: {  	[sflag:s26] =	ssyncadd.s32 $0xFFFFE000  }
0x5a: {  	_ =	swait.ge [sflag:s24], $0x2000  }
0x5b: {  	[sflag:s24] =	ssyncset.done $0x0  }
0x5c: {  	[sflag:s24] =	ssyncadd.s32 $0xFFFFE000  }
0x5d: {  	[spmem:s2] =	stream.indirect.scatter.add.f32 [tilespmem:s20], [sflag:$0x2], $0x40, s28, s16, $0xb8;
	[tilespmem:$0x19000] =	vst v63  }
0x5e: {  	_ =	swait.ge [sflag:s26], $0x2000  }
0x5f: {  	[sflag:s26] =	ssyncset.done $0x0  }
0x60: {  	[sflag:s26] =	ssyncadd.s32 $0xFFFFE000  }
0x61: {  	_ =	swait.ge [sflag:s24], $0x2000  }
0x62: {  	[sflag:s24] =	ssyncset.done $0x0  }
0x63: {  	[sflag:s24] =	ssyncadd.s32 $0xFFFFE000  }
0x64: {  	[spmem:s2] =	stream.indirect.scatter.add.f32 [tilespmem:s22], [sflag:$0x2], $0x40, s29, s16, $0xb8;
	[tilespmem:$0x19000] =	vst v63  }
0x65: {  	_ =	swait.ge [sflag:s26], $0x2000  }
0x66: {  	[sflag:s26] =	ssyncset.done $0x0  }
0x67: {  	[sflag:s26] =	ssyncadd.s32 $0xFFFFE000  }
0x68: {  	s0 =	stileid.u32;
	_ =	swait.ge [sflag:s26], $0x2000  }
0x69: {  	s1 =	sshrl.u32 s7, $0x3;
	s30 =	sadd.s32 $0x1, s30;
	[sflag:s26] =	ssyncset.done $0x0  }
0x6a: {  	s0 =	sshll.u32 s0, $0x6;
	p0 =	sne.s32 s30, s13;
	[sflag:s26] =	ssyncadd.s32 $0xFFFFE000  }
.Ltmp2:
0x6b: {  	s0 =	sor.u32 $0x1C03, s0;
	[bflag:$0x0] =	sbarrier.arrive $0xFFFF;
	(pc) =	sbr.rel @p0 .LBB2_1-.Ltmp2, $4  }
0x6c: {  	[hbm:s12], [sflag:s0] =	dma.local [spmem:s1], $0x1400  }
0x6d: {  	_ =	swait.ge [sflag:s14], $0x1400  }
0x6e: {  	[sflag:s14] =	ssyncset.done $0x0  }
0x6f: {  	[sflag:s14] =	ssyncadd.s32 $0xFFFFEC00  }
0x70: {  	_ =	sfence.sel $0x180000  }
0x71: {  	[bflag:$0x0] =	sbarrier.arrive $0xFFFF  }
0x72: {  	_ =	strace $0x90000047  }
0x73: {  	s0 =	stileid.u32;
	[bflag:$0x2] =	sbarrier.arrive $0xFFFF  }
0x74: {  	p0 =	sne.s32 s0, $0x0;
	s0 =	rddreg [dreg:$0x2]  }
0x75: {  	s0 =	sadd.s32 @!p0 $0x100000, s0  }
0x76: {  	[sflag:s0] =	ssyncadd.tile.s32 @!p0 $0x1;
	_ =	shalt  }
.Lfunc_end2:
_tile_overlayer_lowered:
.L_overlay_start_2:
0x77: {  	(tag) =	ssettag $0x2  }
0x78: {  	s0 =	rddreg [dreg:$0x0];
	s2 =	stileid.u32  }
0x79: {  	s1 =	rddreg [dreg:$0x1];
	p0 =	sne.s32 s2, $0x0  }
0x7a: {  	s3 =	rddreg [dreg:$0x2];
	[bflag:$0x3] =	sbarrier.arrive $0xFFFF;
	s2 =	simm.s32 @!p0 $0x1C03  }
0x7b: {  	[timem:s3], [sflag:s2] =	dma.local @!p0 [hbm:s0], s1  }
0x7c: {  	s0 =	simm.s32 @!p0 $0x3  }
0x7d: {  	_ =	swait.ge @!p0 [sflag:s0], s1  }
0x7e: {  	s1 =	ssub.s32 @!p0 $0x0, s1;
	[sflag:s0] =	ssyncset.done @!p0 $0x0  }
0x7f: {  	[sflag:s0] =	ssyncadd.s32 @!p0 s1  }
0x80: {  	[bflag:$0x3] =	sbarrier.arrive $0xFFFF  }
0x81: {  	_ =	shalt  }

// kernel: kernel.14.cloned.1.call-start
scs
__scs_entry_jumppad:
0x0: {  	(pc) =	sbr.rel $0x88, $3  }
0x1: {  	(tag) =	ssettag $0x0;
	lr =	simm.s32 $0x1  }
0x2: {  	[smem:$0x3F9B] =	sst lr;
	_ =	strace $0xD0000000  }
0x3: {  	_ = 	snop  }
0x4: {  	_ = 	snop  }
0x5: {  	_ = 	snop  }
0x6: {  	_ = 	snop  }
0x7: {  	_ = 	snop  }
__scs_overlays_trampoline_lowered:
0x8: {  	[smem:$0x3FAA] =	sst s0  }
0x9: {  	[smem:$0x3FAB] =	sst s1  }
0xa: {  	[smem:$0x3FAC] =	sst s2  }
0xb: {  	[smem:$0x3FAD] =	sst s3  }
0xc: {  	[smem:$0x3FAE] =	sst s4  }
0xd: {  	[smem:$0x3FAF] =	sst s5  }
0xe: {  	[smem:$0x3FB0] =	sst s6  }
0xf: {  	[smem:$0x3FB1] =	sst s7  }
0x10: {  	[smem:$0x3FB2] =	sst s8  }
0x11: {  	[smem:$0x3FB3] =	sst s9;
	s0 =	simm.s32 @!p0 $0x0  }
0x12: {  	s1 =	sld [smem:$0x3F99];
	s0 =	simm.s32 @p0 $0x1  }
0x13: {  	[smem:$0x3FB4] =	sst s0;
	s0 =	simm.s32 @!p1 $0x0  }
0x14: {  	s2 =	sld [smem:$0x3F98];
	s0 =	simm.s32 @p1 $0x1  }
0x15: {  	[smem:$0x3FB5] =	sst s0;
	s0 =	simm.s32 @!p2 $0x0  }
0x16: {  	s3 =	sld [smem:$0x3FDB];
	s0 =	simm.s32 @p2 $0x1  }
0x17: {  	s4 =	simm.s32 $0x1BF5;
	[smem:$0x3FB7] =	sst s0  }
0x18: {  	s0 =	sld [smem:$0x3F9A];
	_ =	swait.ge [sflag:s4], $0x0  }
0x19: {  	s7 =	sld [smem:$0x3F9B]  }
0x1a: {  	s8 =	sadd.s32 $0xFFFFE003, lr  }
0x1b: {  	s9 =	sadd.s32 $0xFFFFFEF7, lr;
	s5 =	simm.s32 $0xFFFFFFFF;
	p2 =	slt.u32 s8, $0xFFFFF086  }
0x1c: {  	p1 =	slt.u32 s9, $0xF7A;
	s5 =	simm.s32 @!p2 $0x0  }
0x1d: {  	s5 =	simm.s32 @p1 $0x1;
	p0 =	seq.s32 s7, s2  }
0x1e: {  	s7 =	smul.u32 @!p0 $0xF7A, s2;
	p2 =	seq.s32 @!p0 s5, $0x0  }
0x1f: {  	s9 =	smul.u32 $0xF7A, s1;
	s8 =	simm.s32 @!p0 $0x1BF5;
	p2 =	por !p2, p0  }
0x20: {  	[sflag:s8] =	ssyncset.s32 @!p0 $0xFFFFF086;
	s6 =	sadd.s32 @!p0 s3, s7;
	s7 =	simm.s32 @!p0 $0x108  }
0x21: {  	s3 =	sadd.s32 s3, s9;
	s6 =	sadd.s32 @!p0 $0x88, s6;
	s7 =	simm.s32 @p2 $0x1082  }
0x22: {  	[simem:s7], [sflag:s8] =	dma.local @!p0 [hbm:s6], $0xF7A  }
0x23: {  	s9 =	sor.u32 $0xD0000000, s2;
	s6 =	simm.s32 $0x108;
	_ =	swait.ge @!p0 [sflag:s8], $0x0  }
0x24: {  	s3 =	sadd.s32 $0x88, s3;
	s6 =	simm.s32 @!p1 $0x1082;
	[sflag:s4] =	ssyncset.s32 $0xFFFFF086  }
0x25: {  	[simem:s6], [sflag:s4] =	dma.local [hbm:s3], $0xF7A  }
0x26: {  	[smem:$0x3F9B] =	sst s1;
	(tag) =	ssettag s2;
	_ =	strace s9  }
0x27: {  	s1 =	sld [smem:$0x3FAB]  }
0x28: {  	s2 =	sld [smem:$0x3FAC]  }
0x29: {  	s4 =	sld [smem:$0x3FAE]  }
0x2a: {  	p0 =	seq.s32 s5, $0x0;
	s5 =	sld [smem:$0x3FAF]  }
0x2b: {  	s6 =	sld [smem:$0x3FB0]  }
0x2c: {  	s7 =	sld [smem:$0x3FB1]  }
0x2d: {  	s3 =	simm.s32 $0x108;
	s8 =	sld [smem:$0x3FB2]  }
0x2e: {  	s3 =	simm.s32 @!p0 $0x1082;
	s9 =	sld [smem:$0x3FB3]  }
0x2f: {  	lr =	sadd.s32 s0, s3;
	s0 =	sld [smem:$0x3FAA]  }
0x30: {  	s3 =	sld [smem:$0x3FAD]  }
0x31: {  	[smem:$0x3FB6] =	sst s10  }
0x32: {  	s10 =	sld [smem:$0x3FB4];
	_ =	sdelay $0x3  }
0x33: {  	p0 =	seq.s32 s10, $0x1;
	s10 =	sld [smem:$0x3FB6];
	_ =	sdelay $0x3  }
0x34: {  	[smem:$0x3FB6] =	sst s10  }
0x35: {  	s10 =	sld [smem:$0x3FB5];
	_ =	sdelay $0x3  }
0x36: {  	p1 =	seq.s32 s10, $0x1;
	s10 =	sld [smem:$0x3FB6];
	_ =	sdelay $0x3  }
0x37: {  	[smem:$0x3FB6] =	sst s10  }
0x38: {  	s10 =	sld [smem:$0x3FB7]  }
0x39: {  	_ = 	snop;
	(pc) =	sbr.ind lr, $3  }
0x3a: {  	_ = 	snop  }
0x3b: {  	_ = 	snop  }
0x3c: {  	p2 =	seq.s32 s10, $0x1;
	s10 =	sld [smem:$0x3FB6]  }
0x3d: {  	_ =	shalt  }
0x3e: {  	_ =	shalt  }
0x3f: {  	_ =	shalt  }
0x40: {  	_ =	shalt  }
0x41: {  	_ =	shalt  }
0x42: {  	_ =	shalt  }
0x43: {  	_ =	shalt  }
0x44: {  	_ =	shalt  }
0x45: {  	_ =	shalt  }
0x46: {  	_ =	shalt  }
0x47: {  	_ =	shalt  }
0x48: {  	_ =	shalt  }
0x49: {  	_ =	shalt  }
0x4a: {  	_ =	shalt  }
0x4b: {  	_ =	shalt  }
0x4c: {  	_ =	shalt  }
0x4d: {  	_ =	shalt  }
0x4e: {  	_ =	shalt  }
0x4f: {  	_ =	shalt  }
0x50: {  	_ =	shalt  }
0x51: {  	_ =	shalt  }
0x52: {  	_ =	shalt  }
0x53: {  	_ =	shalt  }
0x54: {  	_ =	shalt  }
0x55: {  	_ =	shalt  }
0x56: {  	_ =	shalt  }
0x57: {  	_ =	shalt  }
0x58: {  	_ =	shalt  }
0x59: {  	_ =	shalt  }
0x5a: {  	_ =	shalt  }
0x5b: {  	_ =	shalt  }
0x5c: {  	_ =	shalt  }
0x5d: {  	_ =	shalt  }
0x5e: {  	_ =	shalt  }
0x5f: {  	_ =	shalt  }
0x60: {  	_ =	shalt  }
0x61: {  	_ =	shalt  }
0x62: {  	_ =	shalt  }
0x63: {  	_ =	shalt  }
0x64: {  	_ =	shalt  }
0x65: {  	_ =	shalt  }
0x66: {  	_ =	shalt  }
0x67: {  	_ =	shalt  }
0x68: {  	_ =	shalt  }
0x69: {  	_ =	shalt  }
0x6a: {  	_ =	shalt  }
0x6b: {  	_ =	shalt  }
0x6c: {  	_ =	shalt  }
0x6d: {  	_ =	shalt  }
0x6e: {  	_ =	shalt  }
0x6f: {  	_ =	shalt  }
0x70: {  	_ =	shalt  }
0x71: {  	_ =	shalt  }
0x72: {  	_ =	shalt  }
0x73: {  	_ =	shalt  }
0x74: {  	_ =	shalt  }
0x75: {  	_ =	shalt  }
0x76: {  	_ =	shalt  }
0x77: {  	_ =	shalt  }
0x78: {  	_ =	shalt  }
0x79: {  	_ =	shalt  }
0x7a: {  	_ =	shalt  }
0x7b: {  	_ =	shalt  }
0x7c: {  	_ =	shalt  }
0x7d: {  	_ =	shalt  }
0x7e: {  	_ =	shalt  }
0x7f: {  	_ =	shalt  }
0x80: {  	_ =	shalt  }
0x81: {  	_ =	shalt  }
0x82: {  	_ =	shalt  }
0x83: {  	_ =	shalt  }
0x84: {  	_ =	shalt  }
0x85: {  	_ =	shalt  }
0x86: {  	_ =	shalt  }
0x87: {  	_ =	shalt  }
.Lfunc_end0:
.L_simem_size_0:
called_computation.2_lowered:
.L_overlay_start_0:
0x88: {  	s2 =	sld [smem:$0x3FD9]  }
0x89: {  	s3 =	sld [smem:$0x3FFE];
	_ =	sdelay $0x1  }
0x8a: {  	s1 =	srdreg.scid  }
0x8b: {  	s0 =	sand.u32 $0x1, s1  }
0x8c: {  	s16 =	sshll.u32 s0, $0xA;
	s2 =	sadd.s32 s3, s2  }
0x8d: {  	s2 =	sadd.s32 s2, s16  }
0x8e: {  	[smem:$0x3FC2] =	sst s2  }
0x8f: {  	_ = 	snop  }
0x90: {  	(tm) =	ssettm $0x1  }
0x91: {  	s17 =	sld [smem:$0x3FFB];
	_ =	sdelay $0x3  }
0x92: {  	_ =	strace s17  }
0x93: {  	s2 =	sld [smem:$0x3FFC];
	_ =	sdelay $0x3  }
0x94: {  	_ =	strace s2  }
0x95: {  	s2 =	sld [smem:$0x3FFD];
	_ =	sdelay $0x3  }
0x96: {  	_ =	strace s2  }
0x97: {  	_ =	strace $0x8FFFFFFF  }
0x98: {  	s18 =	sld [smem:$0x3FDB];
	_ =	sdelay $0x1  }
0x99: {  	s19 =	simm.s32 $_scs_section_size  }
0x9a: {  	s4 =	simm.s32 $_size__tile_overlayer_lowered;
	s5 =	simm.s32 $_tile_overlayer_lowered  }
0x9b: {  	s22 =	simm.s32 $0x1BFF;
	s21 =	sshll.u32 s5, $0x1;
	s2 =	sadd.s32 s19, s18  }
0x9c: {  	s6 =	simm.s32 $0x0;
	s20 =	sshll.u32 s4, $0x1;
	s4 =	sadd.s32 s21, s2  }
0x9d: {  	[timem:s6], [sflag:s22] =	dma.local [hbm:s4], s20  }
0x9e: {  	_ =	swait.ge [sflag:s22], s20  }
0x9f: {  	s3 =	ssub.s32 $0x0, s20;
	[sflag:s22] =	ssyncset.done $0x0  }
0xa0: {  	[sflag:s22] =	ssyncadd.s32 s3;
	_ =	sdelay $0x1  }
0xa1: {  	s23 =	simm.s32 $0x1B8B  }
0xa2: {  	_ =	swait.ge [sflag:s23], $0x1  }
0xa3: {  	[sflag:s23] =	ssyncset.done $0x0  }
0xa4: {  	s25 =	simm.s32 $0x1B8E;
	s24 =	sld [smem:$0x3FFE];
	[sflag:s23] =	ssyncadd.s32 $0xFFFFFFFF  }
0xa5: {  	s26 =	simm.s32 $execute0_lowered;
	[smem:$0x3FD2] =	sst s25  }
0xa6: {  	s4 =	sshll.u32 s26, $0x1;
	_ =	strace $0x8000004C;
	[dreg:$0x1] =	wrdreg $0xFFFFFFFF  }
0xa7: {  	s28 =	simm.s32 $_size_execute0_lowered;
	s2 =	sadd.s32 s2, s4;
	[dreg:$0x0] =	wrdreg $0x0  }
0xa8: {  	s4 =	sshll.u32 s28, $0x1;
	[dreg:$0x2] =	wrdreg s2  }
0xa9: {  	[dreg:$0x3] =	wrdreg s4  }
0xaa: {  	[dreg:$0x4] =	wrdreg $0xC0  }
0xab: {  	_ =	task [dreg:s6], $0x5FFFF  }
0xac: {  	[dreg:$0x1] =	wrdreg $0xFFFFFFFF  }
0xad: {  	[dreg:$0x0] =	wrdreg $0x60  }
0xae: {  	[dreg:$0x2] =	wrdreg s24  }
0xaf: {  	[dreg:$0x3] =	wrdreg $0xF0000  }
0xb0: {  	[dreg:$0x4] =	wrdreg $0x9  }
0xb1: {  	_ =	task.clear_ibuf [dreg:s6], $0x5FFFF;
	_ =	strace $0x9000004C  }
0xb2: {  	s29 =	simm.s32 $0x9;
	_ =	strace $0x8000004E  }
0xb3: {  	_ =	swait.ge [sflag:s29], $0x1  }
0xb4: {  	[sflag:s29] =	ssyncadd.s32 $0xFFFFFFFF  }
0xb5: {  	_ =	strace $0x9000004E  }
0xb6: {  	_ =	sfence  }
0xb7: {  	s30 =	sld [smem:$0x0];
	_ =	sdelay $0x2  }
0xb8: {  	s31 =	sshll.u32 s1, $0xD;
	s1 =	sshrl.u32 s1, $0x2  }
0xb9: {  	s3 =	sand.u32 $0x4000, s31;
	s1 =	sadd.s32 s1, s30  }
0xba: {  	s0 =	sor.u32 s3, s0;
	s1 =	sshll.u32 s1, $0x11  }
0xbb: {  	s0 =	sor.u32 s1, s0  }
0xbc: {  	s0 =	sadd.s32 $0x8F2B, s0  }
0xbd: {  	[sflag:s0] =	ssyncadd.remote.s32 $0x1  }
0xbe: {  	_ =	sfence.sel $0xFFFF  }
0xbf: {  	[dreg:$0x0] =	wrdreg $0xFFFFFFFF;
	(pc) =	sbr.abs _section_cstart, $3  }
0xc0: {  	[dreg:$0x1] =	wrdreg $0xFFFFFFFF  }
0xc1: {  	_ =	task.clear_ibuf [dreg:s6], $0x2FFFF;
	_ =	strace $0x9FFFFFFF  }
0xc2: {  	(tm) =	ssettm $0x7FFFFFFF  }
0xc3: {  	_ =	shalt  }
tec
execute0_lowered:
.L_overlay_start_1:
0x0: {  	(tag) =	ssettag $0x1  }
0x1: {  	s0 =	srdreg.scid;
	s5 =	rddreg [dreg:$0x0]  }
0x2: {  	s8 =	stileid.u32;
	s2 =	rddreg [dreg:$0x1];
	s3 =	simm.s32 $0x0  }
0x3: {  	s14 =	simm.s32 $0x3;
	s15 =	simm.s32 $0x2800;
	s16 =	simm.s32 $0x80  }
0x4: {  	s17 =	simm.s32 $0x5000;
	s18 =	simm.s32 $0x7000;
	s20 =	simm.s32 $0x9000  }
0x5: {  	s22 =	simm.s32 $0xB000;
	s23 =	simm.s32 $0xD000;
	s24 =	simm.s32 $0x1  }
0x6: {  	s28 =	simm.s32 $0x4F00;
	s29 =	simm.s32 $0x4F80;
	s30 =	simm.s32 $0x0  }
0x7: {  	s0 =	sand.u32 $0x1, s0;
	s7 =	smul.u32 $0xA000, s8;
	[smem:$0x7FF] =	sst s3  }
0x8: {  	s4 =	sadd.s32 $0x2E00, s5;
	s1 =	sshll.u32 s0, $0x4;
	s6 =	smul.u32 $0xA0000, s0  }
0x9: {  	s0 =	ssub.s32 $0x2, s0;
	s1 =	sor.u32 s8, s1;
	s8 =	smul.u32 $0x28000, s8  }
0xa: {  	_ =	strace $0x8000004D;
	s26 =	sshrl.u32 s0, $0x1;
	s1 =	smul.u32 $0x2800, s1  }
0xb: {  	s6 =	sadd.s32 s7, s6;
	s0 =	ssub.s32 s0, s26;
	s7 =	sadd.s32 s7, s2  }
0xc: {  	s26 =	simm.s32 $0x2;
	s6 =	sshrl.u32 s6, $0x3;
	s31 =	sshrl.u32 s8, $0x2  }
0xd: {  	s13 =	smax.u32 s0, $0x1;
	s1 =	sshrl.u32 s1, $0x3;
	s11 =	sadd.s32 s31, s2  }
0xe: {  	s12 =	sadd.s32 s6, s5;
	s1 =	sadd.s32 s1, s5;
	s8 =	sadd.s32 $0x2000, s11  }
0xf: {  	s9 =	sadd.s32 $0x4000, s11;
	s10 =	sadd.s32 $0x6000, s11;
	s11 =	sadd.s32 $0x8000, s11  }
0x10: {  	v0 =	vimm.f32 $0.0e+00;
	s12 =	sadd.s32 $0x2AE00, s12;
	s5 =	sadd.s32 $0xA2E00, s1;
	s6 =	sadd.s32 $0xACE00, s1  }
.LBB2_1:
0x11: {  	[tilespmem:s3], [sflag:$0x3] =	stream.linear.gather [hbm4b:s5+s3], $0x2800, $0x38;
	[tilespmem:$0x19000] =	vst v63  }
0x12: {  	_ =	swait.ge [sflag:s14], $0x2800  }
0x13: {  	[sflag:s14] =	ssyncset.done $0x0  }
0x14: {  	[sflag:s14] =	ssyncadd.s32 $0xFFFFD800  }
0x15: {  	[tilespmem:s15], [sflag:$0x3] =	stream.linear.gather [hbm4b:s6+s3], $0x2800, $0x38;
	[tilespmem:$0x19000] =	vst v63  }
0x16: {  	_ =	swait.ge [sflag:s14], $0x2800  }
0x17: {  	[sflag:s14] =	ssyncset.done $0x0  }
0x18: {  	[sflag:s14] =	ssyncadd.s32 $0xFFFFD800  }
0x19: {  	[tilespmem:s17], [sflag:$0x1] =	stream.indirect.gather [hbm4b:s4+s16], $0x40, s3, s16, $0xb8;
	[tilespmem:$0x19000] =	vst v63  }
0x1a: {  	_ = 	snop  }
0x1b: {  	[tilespmem:s18], [sflag:$0x1] =	stream.indirect.gather [hbm4b:s4+s16], $0x40, s16, s16, $0xb8;
	[tilespmem:$0x19000] =	vst v63  }
0x1c: {  	s0 =	simm.s32 $0x100  }
0x1d: {  	[tilespmem:s20], [sflag:$0x1] =	stream.indirect.gather [hbm4b:s4+s16], $0x40, s0, s16, $0xb8;
	[tilespmem:$0x19000] =	vst v63  }
0x1e: {  	s31 =	simm.s32 $0x180;
	s1 =	simm.s32 $0x100;
	s0 =	simm.s32 $0x0  }
0x1f: {  	[tilespmem:s22], [sflag:$0x1] =	stream.indirect.gather [hbm4b:s4+s16], $0x40, s31, s16, $0xb8;
	[tilespmem:$0x19000] =	vst v63  }
.LBB2_2:
0x20: {  	p0 =	sne.s32 s1, $0x7F00;
	[tilespmem:s0+$0xD030] =	vst v0;
	s19 =	smov.u32 s1;
	s1 =	sadd.s32 $0x100, s1  }
.Ltmp0:
0x21: {  	[tilespmem:s0+$0xD020] =	vst v0;
	(pc) =	sbr.rel @p0 .LBB2_2-.Ltmp0, $3  }
0x22: {  	[tilespmem:s0+$0xD000] =	vst v0  }
0x23: {  	[tilespmem:s0+$0xD010] =	vst v0;
	_ =	sdelay $0x1  }
0x24: {  	s0 =	sshra.s32 s19, $0x2  }
0x25: {  	[tilespmem:s0+$0xD030] =	vst v0  }
0x26: {  	[tilespmem:s0+$0xD020] =	vst v0  }
0x27: {  	[tilespmem:s0+$0xD000] =	vst v0  }
0x28: {  	[tilespmem:s0+$0xD010] =	vst v0  }
0x29: {  	[spmem:s7] =	stream.linear.scatter [tilespmem:s23], [sflag:$0x3], $0x2000, $0x38;
	[tilespmem:$0x19000] =	vst v63  }
0x2a: {  	_ =	swait.ge [sflag:s14], $0x2000  }
0x2b: {  	[sflag:s14] =	ssyncset.done $0x0  }
0x2c: {  	[sflag:s14] =	ssyncadd.s32 $0xFFFFE000  }
0x2d: {  	[spmem:s8] =	stream.linear.scatter [tilespmem:s23], [sflag:$0x3], $0x2000, $0x38;
	[tilespmem:$0x19000] =	vst v63  }
0x2e: {  	_ =	swait.ge [sflag:s14], $0x2000  }
0x2f: {  	[sflag:s14] =	ssyncset.done $0x0  }
0x30: {  	[sflag:s14] =	ssyncadd.s32 $0xFFFFE000  }
0x31: {  	[spmem:s9] =	stream.linear.scatter [tilespmem:s23], [sflag:$0x3], $0x2000, $0x38;
	[tilespmem:$0x19000] =	vst v63  }
0x32: {  	_ =	swait.ge [sflag:s14], $0x2000  }
0x33: {  	[sflag:s14] =	ssyncset.done $0x0  }
0x34: {  	[sflag:s14] =	ssyncadd.s32 $0xFFFFE000  }
0x35: {  	[spmem:s10] =	stream.linear.scatter [tilespmem:s23], [sflag:$0x3], $0x2000, $0x38;
	[tilespmem:$0x19000] =	vst v63  }
0x36: {  	_ =	swait.ge [sflag:s14], $0x2000  }
0x37: {  	[sflag:s14] =	ssyncset.done $0x0  }
0x38: {  	[sflag:s14] =	ssyncadd.s32 $0xFFFFE000  }
0x39: {  	[spmem:s11] =	stream.linear.scatter [tilespmem:s23], [sflag:$0x3], $0x2000, $0x38;
	[tilespmem:$0x19000] =	vst v63  }
0x3a: {  	_ =	swait.ge [sflag:s14], $0x2000  }
0x3b: {  	[sflag:s14] =	ssyncset.done $0x0  }
0x3c: {  	[sflag:s14] =	ssyncadd.s32 $0xFFFFE000  }
0x3d: {  	[bflag:$0x0] =	sbarrier.arrive $0xFFFF  }
0x3e: {  	_ =	swait.ge [sflag:s24], $0x2000  }
0x3f: {  	[sflag:s24] =	ssyncset.done $0x0  }
0x40: {  	[sflag:s24] =	ssyncadd.s32 $0xFFFFE000  }
0x41: {  	[spmem:s2] =	stream.indirect.scatter.add.f32 [tilespmem:s17], [sflag:$0x2], $0x40, s15, s16, $0xb8;
	[tilespmem:$0x19000] =	vst v63  }
0x42: {  	_ =	swait.ge [sflag:s24], $0x2000  }
0x43: {  	[sflag:s24] =	ssyncset.done $0x0  }
0x44: {  	s19 =	simm.s32 $0x2880;
	s21 =	simm.s32 $0x20000;
	[sflag:s24] =	ssyncadd.s32 $0xFFFFE000  }
0x45: {  	[spmem:s2] =	stream.indirect.scatter.add.f32 [tilespmem:s18], [sflag:$0x2], $0x40, s19, s16, $0xb8;
	[tilespmem:$0x19000] =	vst v63  }
0x46: {  	s1 =	simm.s32 $0x200;
	s0 =	sand.u32 $0x18000, s21;
	_ =	swait.ge [sflag:s26], $0x2000  }
0x47: {  	s0 =	sshrl.u32 s0, $0x2;
	s19 =	simm.s32 $0x10000;
	[sflag:s26] =	ssyncset.done $0x0  }
0x48: {  	s0 =	sadd.s32 $0x5000, s0;
	s25 =	sand.u32 $0x18000, s19;
	[sflag:s26] =	ssyncadd.s32 $0xFFFFE000  }
0x49: {  	[tilespmem:s0], [sflag:$0x1] =	stream.indirect.gather [hbm4b:s4+s16], $0x40, s1, s16, $0xb8;
	[tilespmem:$0x19000] =	vst v63  }
0x4a: {  	s31 =	simm.s32 $0x2900;
	s19 =	sshrl.u32 s25, $0x2;
	_ =	swait.ge [sflag:s24], $0x2000  }
0x4b: {  	s21 =	sadd.s32 $0x5000, s19;
	s19 =	simm.s32 $0x2980;
	[sflag:s24] =	ssyncset.done $0x0  }
0x4c: {  	s1 =	simm.s32 $0x28000;
	s0 =	simm.s32 $0x280;
	[sflag:s24] =	ssyncadd.s32 $0xFFFFE000  }
.LBB2_4:
0x4d: {  	[spmem:s2] =	stream.indirect.scatter.add.f32 [tilespmem:s21], [sflag:$0x2], $0x40, s31, s16, $0xb8;
	[tilespmem:$0x19000] =	vst v63  }
0x4e: {  	s31 =	smov.u32 s19  }
0x4f: {  	s21 =	sand.u32 $0x18000, s1;
	p0 =	sne.s32 s1, $0x278000;
	_ =	swait.ge [sflag:s26], $0x2000  }
0x50: {  	s25 =	sadd.s32 $0xFFFF0000, s1;
	s21 =	sshrl.u32 s21, $0x2;
	[sflag:s26] =	ssyncset.done $0x0  }
.Ltmp1:
0x51: {  	s21 =	sadd.s32 $0x5000, s21;
	[sflag:s26] =	ssyncadd.s32 $0xFFFFE000;
	(pc) =	sbr.rel @p0 .LBB2_4-.Ltmp1, $4  }
0x52: {  	[tilespmem:s21], [sflag:$0x1] =	stream.indirect.gather [hbm4b:s4+s16], $0x40, s0, s16, $0xb8;
	[tilespmem:$0x19000] =	vst v63  }
0x53: {  	s1 =	sadd.s32 $0x8000, s1;
	s21 =	sand.u32 $0x18000, s25;
	_ =	swait.ge [sflag:s24], $0x2000  }
0x54: {  	s0 =	sadd.s32 $0x80, s0;
	s21 =	sshrl.u32 s21, $0x2;
	[sflag:s24] =	ssyncset.done $0x0  }
0x55: {  	s19 =	sadd.s32 $0x80, s19;
	s21 =	sadd.s32 $0x5000, s21;
	[sflag:s24] =	ssyncadd.s32 $0xFFFFE000  }
0x56: {  	[spmem:s2] =	stream.indirect.scatter.add.f32 [tilespmem:s21], [sflag:$0x2], $0x40, s31, s16, $0xb8;
	[tilespmem:$0x19000] =	vst v63  }
0x57: {  	_ =	swait.ge [sflag:s26], $0x2000  }
0x58: {  	[sflag:s26] =	ssyncset.done $0x0  }
0x59: {  	[sflag:s26] =	ssyncadd.s32 $0xFFFFE000  }
0x5a: {  	_ =	swait.ge [sflag:s24], $0x2000  }
0x5b: {  	[sflag:s24] =	ssyncset.done $0x0  }
0x5c: {  	[sflag:s24] =	ssyncadd.s32 $0xFFFFE000  }
0x5d: {  	[spmem:s2] =	stream.indirect.scatter.add.f32 [tilespmem:s20], [sflag:$0x2], $0x40, s28, s16, $0xb8;
	[tilespmem:$0x19000] =	vst v63  }
0x5e: {  	_ =	swait.ge [sflag:s26], $0x2000  }
0x5f: {  	[sflag:s26] =	ssyncset.done $0x0  }
0x60: {  	[sflag:s26] =	ssyncadd.s32 $0xFFFFE000  }
0x61: {  	_ =	swait.ge [sflag:s24], $0x2000  }
0x62: {  	[sflag:s24] =	ssyncset.done $0x0  }
0x63: {  	[sflag:s24] =	ssyncadd.s32 $0xFFFFE000  }
0x64: {  	[spmem:s2] =	stream.indirect.scatter.add.f32 [tilespmem:s22], [sflag:$0x2], $0x40, s29, s16, $0xb8;
	[tilespmem:$0x19000] =	vst v63  }
0x65: {  	_ =	swait.ge [sflag:s26], $0x2000  }
0x66: {  	[sflag:s26] =	ssyncset.done $0x0  }
0x67: {  	[sflag:s26] =	ssyncadd.s32 $0xFFFFE000  }
0x68: {  	s0 =	stileid.u32;
	_ =	swait.ge [sflag:s26], $0x2000  }
0x69: {  	s1 =	sshrl.u32 s7, $0x3;
	s30 =	sadd.s32 $0x1, s30;
	[sflag:s26] =	ssyncset.done $0x0  }
0x6a: {  	s0 =	sshll.u32 s0, $0x6;
	p0 =	sne.s32 s30, s13;
	[sflag:s26] =	ssyncadd.s32 $0xFFFFE000  }
.Ltmp2:
0x6b: {  	s0 =	sor.u32 $0x1C03, s0;
	[bflag:$0x0] =	sbarrier.arrive $0xFFFF;
	(pc) =	sbr.rel @p0 .LBB2_1-.Ltmp2, $4  }
0x6c: {  	[hbm:s12], [sflag:s0] =	dma.local [spmem:s1], $0x1400  }
0x6d: {  	_ =	swait.ge [sflag:s14], $0x1400  }
0x6e: {  	[sflag:s14] =	ssyncset.done $0x0  }
0x6f: {  	[sflag:s14] =	ssyncadd.s32 $0xFFFFEC00  }
0x70: {  	_ =	sfence.sel $0x180000  }
0x71: {  	[bflag:$0x0] =	sbarrier.arrive $0xFFFF  }
0x72: {  	_ =	strace $0x9000004D  }
0x73: {  	s0 =	stileid.u32;
	[bflag:$0x2] =	sbarrier.arrive $0xFFFF  }
0x74: {  	p0 =	sne.s32 s0, $0x0;
	s0 =	rddreg [dreg:$0x2]  }
0x75: {  	s0 =	sadd.s32 @!p0 $0x100000, s0  }
0x76: {  	[sflag:s0] =	ssyncadd.tile.s32 @!p0 $0x1;
	_ =	shalt  }
.Lfunc_end2:
_tile_overlayer_lowered:
.L_overlay_start_2:
0x77: {  	(tag) =	ssettag $0x2  }
0x78: {  	s0 =	rddreg [dreg:$0x0];
	s2 =	stileid.u32  }
0x79: {  	s1 =	rddreg [dreg:$0x1];
	p0 =	sne.s32 s2, $0x0  }
0x7a: {  	s3 =	rddreg [dreg:$0x2];
	[bflag:$0x3] =	sbarrier.arrive $0xFFFF;
	s2 =	simm.s32 @!p0 $0x1C03  }
0x7b: {  	[timem:s3], [sflag:s2] =	dma.local @!p0 [hbm:s0], s1  }
0x7c: {  	s0 =	simm.s32 @!p0 $0x3  }
0x7d: {  	_ =	swait.ge @!p0 [sflag:s0], s1  }
0x7e: {  	s1 =	ssub.s32 @!p0 $0x0, s1;
	[sflag:s0] =	ssyncset.done @!p0 $0x0  }
0x7f: {  	[sflag:s0] =	ssyncadd.s32 @!p0 s1  }
0x80: {  	[bflag:$0x3] =	sbarrier.arrive $0xFFFF  }
0x81: {  	_ =	shalt  }

// kernel: kernel.8.cloned.1.call-start
scs
__scs_entry_jumppad:
0x0: {  	(pc) =	sbr.rel $0x88, $3  }
0x1: {  	(tag) =	ssettag $0x0;
	lr =	simm.s32 $0x1  }
0x2: {  	[smem:$0x3F9B] =	sst lr;
	_ =	strace $0xD0000000  }
0x3: {  	_ = 	snop  }
0x4: {  	_ = 	snop  }
0x5: {  	_ = 	snop  }
0x6: {  	_ = 	snop  }
0x7: {  	_ = 	snop  }
__scs_overlays_trampoline_lowered:
0x8: {  	[smem:$0x3FAA] =	sst s0  }
0x9: {  	[smem:$0x3FAB] =	sst s1  }
0xa: {  	[smem:$0x3FAC] =	sst s2  }
0xb: {  	[smem:$0x3FAD] =	sst s3  }
0xc: {  	[smem:$0x3FAE] =	sst s4  }
0xd: {  	[smem:$0x3FAF] =	sst s5  }
0xe: {  	[smem:$0x3FB0] =	sst s6  }
0xf: {  	[smem:$0x3FB1] =	sst s7  }
0x10: {  	[smem:$0x3FB2] =	sst s8  }
0x11: {  	[smem:$0x3FB3] =	sst s9;
	s0 =	simm.s32 @!p0 $0x0  }
0x12: {  	s1 =	sld [smem:$0x3F99];
	s0 =	simm.s32 @p0 $0x1  }
0x13: {  	[smem:$0x3FB4] =	sst s0;
	s0 =	simm.s32 @!p1 $0x0  }
0x14: {  	s2 =	sld [smem:$0x3F98];
	s0 =	simm.s32 @p1 $0x1  }
0x15: {  	[smem:$0x3FB5] =	sst s0;
	s0 =	simm.s32 @!p2 $0x0  }
0x16: {  	s3 =	sld [smem:$0x3FDB];
	s0 =	simm.s32 @p2 $0x1  }
0x17: {  	s4 =	simm.s32 $0x1BF5;
	[smem:$0x3FB7] =	sst s0  }
0x18: {  	s0 =	sld [smem:$0x3F9A];
	_ =	swait.ge [sflag:s4], $0x0  }
0x19: {  	s7 =	sld [smem:$0x3F9B]  }
0x1a: {  	s8 =	sadd.s32 $0xFFFFE003, lr  }
0x1b: {  	s9 =	sadd.s32 $0xFFFFFEF7, lr;
	s5 =	simm.s32 $0xFFFFFFFF;
	p2 =	slt.u32 s8, $0xFFFFF086  }
0x1c: {  	p1 =	slt.u32 s9, $0xF7A;
	s5 =	simm.s32 @!p2 $0x0  }
0x1d: {  	s5 =	simm.s32 @p1 $0x1;
	p0 =	seq.s32 s7, s2  }
0x1e: {  	s7 =	smul.u32 @!p0 $0xF7A, s2;
	p2 =	seq.s32 @!p0 s5, $0x0  }
0x1f: {  	s9 =	smul.u32 $0xF7A, s1;
	s8 =	simm.s32 @!p0 $0x1BF5;
	p2 =	por !p2, p0  }
0x20: {  	[sflag:s8] =	ssyncset.s32 @!p0 $0xFFFFF086;
	s6 =	sadd.s32 @!p0 s3, s7;
	s7 =	simm.s32 @!p0 $0x108  }
0x21: {  	s3 =	sadd.s32 s3, s9;
	s6 =	sadd.s32 @!p0 $0x88, s6;
	s7 =	simm.s32 @p2 $0x1082  }
0x22: {  	[simem:s7], [sflag:s8] =	dma.local @!p0 [hbm:s6], $0xF7A  }
0x23: {  	s9 =	sor.u32 $0xD0000000, s2;
	s6 =	simm.s32 $0x108;
	_ =	swait.ge @!p0 [sflag:s8], $0x0  }
0x24: {  	s3 =	sadd.s32 $0x88, s3;
	s6 =	simm.s32 @!p1 $0x1082;
	[sflag:s4] =	ssyncset.s32 $0xFFFFF086  }
0x25: {  	[simem:s6], [sflag:s4] =	dma.local [hbm:s3], $0xF7A  }
0x26: {  	[smem:$0x3F9B] =	sst s1;
	(tag) =	ssettag s2;
	_ =	strace s9  }
0x27: {  	s1 =	sld [smem:$0x3FAB]  }
0x28: {  	s2 =	sld [smem:$0x3FAC]  }
0x29: {  	s4 =	sld [smem:$0x3FAE]  }
0x2a: {  	p0 =	seq.s32 s5, $0x0;
	s5 =	sld [smem:$0x3FAF]  }
0x2b: {  	s6 =	sld [smem:$0x3FB0]  }
0x2c: {  	s7 =	sld [smem:$0x3FB1]  }
0x2d: {  	s3 =	simm.s32 $0x108;
	s8 =	sld [smem:$0x3FB2]  }
0x2e: {  	s3 =	simm.s32 @!p0 $0x1082;
	s9 =	sld [smem:$0x3FB3]  }
0x2f: {  	lr =	sadd.s32 s0, s3;
	s0 =	sld [smem:$0x3FAA]  }
0x30: {  	s3 =	sld [smem:$0x3FAD]  }
0x31: {  	[smem:$0x3FB6] =	sst s10  }
0x32: {  	s10 =	sld [smem:$0x3FB4];
	_ =	sdelay $0x3  }
0x33: {  	p0 =	seq.s32 s10, $0x1;
	s10 =	sld [smem:$0x3FB6];
	_ =	sdelay $0x3  }
0x34: {  	[smem:$0x3FB6] =	sst s10  }
0x35: {  	s10 =	sld [smem:$0x3FB5];
	_ =	sdelay $0x3  }
0x36: {  	p1 =	seq.s32 s10, $0x1;
	s10 =	sld [smem:$0x3FB6];
	_ =	sdelay $0x3  }
0x37: {  	[smem:$0x3FB6] =	sst s10  }
0x38: {  	s10 =	sld [smem:$0x3FB7]  }
0x39: {  	_ = 	snop;
	(pc) =	sbr.ind lr, $3  }
0x3a: {  	_ = 	snop  }
0x3b: {  	_ = 	snop  }
0x3c: {  	p2 =	seq.s32 s10, $0x1;
	s10 =	sld [smem:$0x3FB6]  }
0x3d: {  	_ =	shalt  }
0x3e: {  	_ =	shalt  }
0x3f: {  	_ =	shalt  }
0x40: {  	_ =	shalt  }
0x41: {  	_ =	shalt  }
0x42: {  	_ =	shalt  }
0x43: {  	_ =	shalt  }
0x44: {  	_ =	shalt  }
0x45: {  	_ =	shalt  }
0x46: {  	_ =	shalt  }
0x47: {  	_ =	shalt  }
0x48: {  	_ =	shalt  }
0x49: {  	_ =	shalt  }
0x4a: {  	_ =	shalt  }
0x4b: {  	_ =	shalt  }
0x4c: {  	_ =	shalt  }
0x4d: {  	_ =	shalt  }
0x4e: {  	_ =	shalt  }
0x4f: {  	_ =	shalt  }
0x50: {  	_ =	shalt  }
0x51: {  	_ =	shalt  }
0x52: {  	_ =	shalt  }
0x53: {  	_ =	shalt  }
0x54: {  	_ =	shalt  }
0x55: {  	_ =	shalt  }
0x56: {  	_ =	shalt  }
0x57: {  	_ =	shalt  }
0x58: {  	_ =	shalt  }
0x59: {  	_ =	shalt  }
0x5a: {  	_ =	shalt  }
0x5b: {  	_ =	shalt  }
0x5c: {  	_ =	shalt  }
0x5d: {  	_ =	shalt  }
0x5e: {  	_ =	shalt  }
0x5f: {  	_ =	shalt  }
0x60: {  	_ =	shalt  }
0x61: {  	_ =	shalt  }
0x62: {  	_ =	shalt  }
0x63: {  	_ =	shalt  }
0x64: {  	_ =	shalt  }
0x65: {  	_ =	shalt  }
0x66: {  	_ =	shalt  }
0x67: {  	_ =	shalt  }
0x68: {  	_ =	shalt  }
0x69: {  	_ =	shalt  }
0x6a: {  	_ =	shalt  }
0x6b: {  	_ =	shalt  }
0x6c: {  	_ =	shalt  }
0x6d: {  	_ =	shalt  }
0x6e: {  	_ =	shalt  }
0x6f: {  	_ =	shalt  }
0x70: {  	_ =	shalt  }
0x71: {  	_ =	shalt  }
0x72: {  	_ =	shalt  }
0x73: {  	_ =	shalt  }
0x74: {  	_ =	shalt  }
0x75: {  	_ =	shalt  }
0x76: {  	_ =	shalt  }
0x77: {  	_ =	shalt  }
0x78: {  	_ =	shalt  }
0x79: {  	_ =	shalt  }
0x7a: {  	_ =	shalt  }
0x7b: {  	_ =	shalt  }
0x7c: {  	_ =	shalt  }
0x7d: {  	_ =	shalt  }
0x7e: {  	_ =	shalt  }
0x7f: {  	_ =	shalt  }
0x80: {  	_ =	shalt  }
0x81: {  	_ =	shalt  }
0x82: {  	_ =	shalt  }
0x83: {  	_ =	shalt  }
0x84: {  	_ =	shalt  }
0x85: {  	_ =	shalt  }
0x86: {  	_ =	shalt  }
0x87: {  	_ =	shalt  }
.Lfunc_end0:
.L_simem_size_0:
called_computation_lowered:
.L_overlay_start_0:
0x88: {  	s2 =	sld [smem:$0x3FD9]  }
0x89: {  	s3 =	sld [smem:$0x3FFE];
	_ =	sdelay $0x1  }
0x8a: {  	s1 =	srdreg.scid  }
0x8b: {  	s0 =	sand.u32 $0x1, s1  }
0x8c: {  	s17 =	sshll.u32 s0, $0xA;
	s2 =	sadd.s32 s3, s2  }
0x8d: {  	s2 =	sadd.s32 s2, s17  }
0x8e: {  	[smem:$0x3FC2] =	sst s2  }
0x8f: {  	_ = 	snop  }
0x90: {  	(tm) =	ssettm $0x1  }
0x91: {  	s18 =	sld [smem:$0x3FFB];
	_ =	sdelay $0x3  }
0x92: {  	_ =	strace s18  }
0x93: {  	s2 =	sld [smem:$0x3FFC];
	_ =	sdelay $0x3  }
0x94: {  	_ =	strace s2  }
0x95: {  	s2 =	sld [smem:$0x3FFD];
	_ =	sdelay $0x3  }
0x96: {  	_ =	strace s2  }
0x97: {  	_ =	strace $0x8FFFFFFF  }
0x98: {  	s19 =	sld [smem:$0x3FDB];
	_ =	sdelay $0x1  }
0x99: {  	s20 =	simm.s32 $_scs_section_size  }
0x9a: {  	s4 =	simm.s32 $_size__tile_overlayer_lowered;
	s5 =	simm.s32 $_tile_overlayer_lowered  }
0x9b: {  	s6 =	simm.s32 $0x1BFF;
	s21 =	sshll.u32 s5, $0x1;
	s3 =	sadd.s32 s20, s19  }
0x9c: {  	s22 =	simm.s32 $0x0;
	s4 =	sshll.u32 s4, $0x1;
	s5 =	sadd.s32 s21, s3  }
0x9d: {  	[timem:s22], [sflag:s6] =	dma.local [hbm:s5], s4  }
0x9e: {  	_ =	swait.ge [sflag:s6], s4  }
0x9f: {  	s4 =	ssub.s32 $0x0, s4;
	[sflag:s6] =	ssyncset.done $0x0  }
0xa0: {  	[sflag:s6] =	ssyncadd.s32 s4;
	_ =	sdelay $0x1  }
0xa1: {  	s23 =	simm.s32 $0x1B8B  }
0xa2: {  	_ =	swait.ge [sflag:s23], $0x1  }
0xa3: {  	[sflag:s23] =	ssyncset.done $0x0  }
0xa4: {  	[sflag:s23] =	ssyncadd.s32 $0xFFFFFFFF  }
0xa5: {  	s4 =	sld [smem:$0x0]  }
0xa6: {  	s5 =	sand.u32 $0xFFFFFFFE, s1  }
0xa7: {  	p0 =	sne.s32 s1, s5  }
0xa8: {  	s5 =	sshll.u32 @p0 s5, $0xE  }
0xa9: {  	s5 =	sadd.s32 @p0 $0x11B8D, s5;
	s6 =	sshll.u32 @p0 s4, $0x11  }
0xaa: {  	s5 =	sor.u32 @p0 s6, s5  }
0xab: {  	[sflag:s5] =	ssyncadd.remote.s32 @p0 $0x1;
	_ =	sdelay $0x1  }
0xac: {  	s5 =	simm.s32 @p0 $0x1B8D  }
0xad: {  	_ =	swait.eq @p0 [sflag:s5], $0x1  }
0xae: {  	[sflag:s5] =	ssyncadd.s32 @p0 $0xFFFFFFFF  }
0xaf: {  	s6 =	sshll.u32 @!p0 s1, $0xE  }
0xb0: {  	s6 =	sor.u32 @!p0 $0x4000, s6;
	s5 =	simm.s32 @!p0 $0x1B8D  }
0xb1: {  	s4 =	sshll.u32 @!p0 s4, $0x11;
	s6 =	sadd.s32 @!p0 $0x11B8D, s6;
	_ =	swait.eq @!p0 [sflag:s5], $0x1  }
0xb2: {  	s4 =	sor.u32 @!p0 s4, s6;
	[sflag:s5] =	ssyncadd.s32 @!p0 $0xFFFFFFFF  }
0xb3: {  	s25 =	simm.s32 $0x1B8E;
	s24 =	sld [smem:$0x3FFE];
	[sflag:s4] =	ssyncadd.remote.s32 @!p0 $0x1  }
0xb4: {  	s26 =	simm.s32 $execute0_lowered;
	[smem:$0x3FD2] =	sst s25  }
0xb5: {  	s5 =	sshll.u32 s26, $0x1;
	_ =	strace $0x80000049;
	[dreg:$0x1] =	wrdreg $0xFFFFFFFF  }
0xb6: {  	s28 =	simm.s32 $_size_execute0_lowered;
	s3 =	sadd.s32 s3, s5;
	[dreg:$0x0] =	wrdreg $0x0  }
0xb7: {  	s5 =	sshll.u32 s28, $0x1;
	[dreg:$0x2] =	wrdreg s3  }
0xb8: {  	[dreg:$0x3] =	wrdreg s5  }
0xb9: {  	[dreg:$0x4] =	wrdreg $0xC0  }
0xba: {  	_ =	task [dreg:s22], $0x5FFFF  }
0xbb: {  	[dreg:$0x1] =	wrdreg $0xFFFFFFFF  }
0xbc: {  	[dreg:$0x0] =	wrdreg $0x60  }
0xbd: {  	[dreg:$0x2] =	wrdreg s24  }
0xbe: {  	[dreg:$0x3] =	wrdreg $0xF0000  }
0xbf: {  	[dreg:$0x4] =	wrdreg $0x9  }
0xc0: {  	_ =	task.clear_ibuf [dreg:s22], $0x5FFFF;
	_ =	strace $0x90000049  }
0xc1: {  	s29 =	simm.s32 $0x9;
	_ =	strace $0x8000004B  }
0xc2: {  	_ =	swait.ge [sflag:s29], $0x1  }
0xc3: {  	[sflag:s29] =	ssyncadd.s32 $0xFFFFFFFF  }
0xc4: {  	_ =	strace $0x9000004B  }
0xc5: {  	_ =	sfence  }
0xc6: {  	s30 =	sld [smem:$0x0];
	_ =	sdelay $0x2  }
0xc7: {  	s31 =	sshll.u32 s1, $0xD;
	s1 =	sshrl.u32 s1, $0x2  }
0xc8: {  	s4 =	sand.u32 $0x4000, s31;
	s1 =	sadd.s32 s1, s30  }
0xc9: {  	s0 =	sor.u32 s4, s0;
	s1 =	sshll.u32 s1, $0x11  }
0xca: {  	s0 =	sor.u32 s1, s0  }
0xcb: {  	s0 =	sadd.s32 $0x8F2B, s0  }
0xcc: {  	[sflag:s0] =	ssyncadd.remote.s32 $0x1  }
0xcd: {  	_ =	sfence.sel $0xFFFF  }
0xce: {  	[dreg:$0x0] =	wrdreg $0xFFFFFFFF;
	(pc) =	sbr.abs _section_cstart, $3  }
0xcf: {  	[dreg:$0x1] =	wrdreg $0xFFFFFFFF  }
0xd0: {  	_ =	task.clear_ibuf [dreg:s22], $0x2FFFF;
	_ =	strace $0x9FFFFFFF  }
0xd1: {  	(tm) =	ssettm $0x7FFFFFFF  }
tec
execute0_lowered:
.L_overlay_start_1:
0x0: {  	(tag) =	ssettag $0x1  }
0x1: {  	s0 =	srdreg.scid;
	s5 =	rddreg [dreg:$0x0]  }
0x2: {  	s8 =	stileid.u32;
	s2 =	rddreg [dreg:$0x1];
	s3 =	simm.s32 $0x0  }
0x3: {  	s14 =	simm.s32 $0x3;
	s15 =	simm.s32 $0x2800;
	s16 =	simm.s32 $0x80  }
0x4: {  	s17 =	simm.s32 $0x5000;
	s18 =	simm.s32 $0x7000;
	s20 =	simm.s32 $0x9000  }
0x5: {  	s22 =	simm.s32 $0xB000;
	s23 =	simm.s32 $0xD000;
	s24 =	simm.s32 $0x1  }
0x6: {  	s28 =	simm.s32 $0x4F00;
	s29 =	simm.s32 $0x4F80;
	s30 =	simm.s32 $0x0  }
0x7: {  	s0 =	sand.u32 $0x1, s0;
	s7 =	smul.u32 $0xA000, s8;
	[smem:$0x7FF] =	sst s3  }
0x8: {  	s4 =	sadd.s32 $0x2E00, s5;
	s1 =	sshll.u32 s0, $0x4;
	s6 =	smul.u32 $0xA0000, s0  }
0x9: {  	s0 =	ssub.s32 $0x2, s0;
	s1 =	sor.u32 s8, s1;
	s8 =	smul.u32 $0x28000, s8  }
0xa: {  	_ =	strace $0x8000004A;
	s26 =	sshrl.u32 s0, $0x1;
	s1 =	smul.u32 $0x2800, s1  }
0xb: {  	s6 =	sadd.s32 s7, s6;
	s0 =	ssub.s32 s0, s26;
	s7 =	sadd.s32 s7, s2  }
0xc: {  	s26 =	simm.s32 $0x2;
	s6 =	sshrl.u32 s6, $0x3;
	s31 =	sshrl.u32 s8, $0x2  }
0xd: {  	s13 =	smax.u32 s0, $0x1;
	s1 =	sshrl.u32 s1, $0x3;
	s11 =	sadd.s32 s31, s2  }
0xe: {  	s12 =	sadd.s32 s6, s5;
	s1 =	sadd.s32 s1, s5;
	s8 =	sadd.s32 $0x2000, s11  }
0xf: {  	s9 =	sadd.s32 $0x4000, s11;
	s10 =	sadd.s32 $0x6000, s11;
	s11 =	sadd.s32 $0x8000, s11  }
0x10: {  	v0 =	vimm.f32 $0.0e+00;
	s12 =	sadd.s32 $0x7AE00, s12;
	s5 =	sadd.s32 $0x3EE00, s1;
	s6 =	sadd.s32 $0x48E00, s1  }
.LBB2_1:
0x11: {  	[tilespmem:s3], [sflag:$0x3] =	stream.linear.gather [hbm4b:s5+s3], $0x2800, $0x38;
	[tilespmem:$0x19000] =	vst v63  }
0x12: {  	_ =	swait.ge [sflag:s14], $0x2800  }
0x13: {  	[sflag:s14] =	ssyncset.done $0x0  }
0x14: {  	[sflag:s14] =	ssyncadd.s32 $0xFFFFD800  }
0x15: {  	[tilespmem:s15], [sflag:$0x3] =	stream.linear.gather [hbm4b:s6+s3], $0x2800, $0x38;
	[tilespmem:$0x19000] =	vst v63  }
0x16: {  	_ =	swait.ge [sflag:s14], $0x2800  }
0x17: {  	[sflag:s14] =	ssyncset.done $0x0  }
0x18: {  	[sflag:s14] =	ssyncadd.s32 $0xFFFFD800  }
0x19: {  	[tilespmem:s17], [sflag:$0x1] =	stream.indirect.gather [hbm4b:s4+s16], $0x40, s3, s16, $0xb8;
	[tilespmem:$0x19000] =	vst v63  }
0x1a: {  	_ = 	snop  }
0x1b: {  	[tilespmem:s18], [sflag:$0x1] =	stream.indirect.gather [hbm4b:s4+s16], $0x40, s16, s16, $0xb8;
	[tilespmem:$0x19000] =	vst v63  }
0x1c: {  	s0 =	simm.s32 $0x100  }
0x1d: {  	[tilespmem:s20], [sflag:$0x1] =	stream.indirect.gather [hbm4b:s4+s16], $0x40, s0, s16, $0xb8;
	[tilespmem:$0x19000] =	vst v63  }
0x1e: {  	s31 =	simm.s32 $0x180;
	s1 =	simm.s32 $0x100;
	s0 =	simm.s32 $0x0  }
0x1f: {  	[tilespmem:s22], [sflag:$0x1] =	stream.indirect.gather [hbm4b:s4+s16], $0x40, s31, s16, $0xb8;
	[tilespmem:$0x19000] =	vst v63  }
.LBB2_2:
0x20: {  	p0 =	sne.s32 s1, $0x7F00;
	[tilespmem:s0+$0xD030] =	vst v0;
	s19 =	smov.u32 s1;
	s1 =	sadd.s32 $0x100, s1  }
.Ltmp0:
0x21: {  	[tilespmem:s0+$0xD020] =	vst v0;
	(pc) =	sbr.rel @p0 .LBB2_2-.Ltmp0, $3  }
0x22: {  	[tilespmem:s0+$0xD000] =	vst v0  }
0x23: {  	[tilespmem:s0+$0xD010] =	vst v0;
	_ =	sdelay $0x1  }
0x24: {  	s0 =	sshra.s32 s19, $0x2  }
0x25: {  	[tilespmem:s0+$0xD030] =	vst v0  }
0x26: {  	[tilespmem:s0+$0xD020] =	vst v0  }
0x27: {  	[tilespmem:s0+$0xD000] =	vst v0  }
0x28: {  	[tilespmem:s0+$0xD010] =	vst v0  }
0x29: {  	[spmem:s7] =	stream.linear.scatter [tilespmem:s23], [sflag:$0x3], $0x2000, $0x38;
	[tilespmem:$0x19000] =	vst v63  }
0x2a: {  	_ =	swait.ge [sflag:s14], $0x2000  }
0x2b: {  	[sflag:s14] =	ssyncset.done $0x0  }
0x2c: {  	[sflag:s14] =	ssyncadd.s32 $0xFFFFE000  }
0x2d: {  	[spmem:s8] =	stream.linear.scatter [tilespmem:s23], [sflag:$0x3], $0x2000, $0x38;
	[tilespmem:$0x19000] =	vst v63  }
0x2e: {  	_ =	swait.ge [sflag:s14], $0x2000  }
0x2f: {  	[sflag:s14] =	ssyncset.done $0x0  }
0x30: {  	[sflag:s14] =	ssyncadd.s32 $0xFFFFE000  }
0x31: {  	[spmem:s9] =	stream.linear.scatter [tilespmem:s23], [sflag:$0x3], $0x2000, $0x38;
	[tilespmem:$0x19000] =	vst v63  }
0x32: {  	_ =	swait.ge [sflag:s14], $0x2000  }
0x33: {  	[sflag:s14] =	ssyncset.done $0x0  }
0x34: {  	[sflag:s14] =	ssyncadd.s32 $0xFFFFE000  }
0x35: {  	[spmem:s10] =	stream.linear.scatter [tilespmem:s23], [sflag:$0x3], $0x2000, $0x38;
	[tilespmem:$0x19000] =	vst v63  }
0x36: {  	_ =	swait.ge [sflag:s14], $0x2000  }
0x37: {  	[sflag:s14] =	ssyncset.done $0x0  }
0x38: {  	[sflag:s14] =	ssyncadd.s32 $0xFFFFE000  }
0x39: {  	[spmem:s11] =	stream.linear.scatter [tilespmem:s23], [sflag:$0x3], $0x2000, $0x38;
	[tilespmem:$0x19000] =	vst v63  }
0x3a: {  	_ =	swait.ge [sflag:s14], $0x2000  }
0x3b: {  	[sflag:s14] =	ssyncset.done $0x0  }
0x3c: {  	[sflag:s14] =	ssyncadd.s32 $0xFFFFE000  }
0x3d: {  	[bflag:$0x0] =	sbarrier.arrive $0xFFFF  }
0x3e: {  	_ =	swait.ge [sflag:s24], $0x2000  }
0x3f: {  	[sflag:s24] =	ssyncset.done $0x0  }
0x40: {  	[sflag:s24] =	ssyncadd.s32 $0xFFFFE000  }
0x41: {  	[spmem:s2] =	stream.indirect.scatter.add.f32 [tilespmem:s17], [sflag:$0x2], $0x40, s15, s16, $0xb8;
	[tilespmem:$0x19000] =	vst v63  }
0x42: {  	_ =	swait.ge [sflag:s24], $0x2000  }
0x43: {  	[sflag:s24] =	ssyncset.done $0x0  }
0x44: {  	s19 =	simm.s32 $0x2880;
	s21 =	simm.s32 $0x20000;
	[sflag:s24] =	ssyncadd.s32 $0xFFFFE000  }
0x45: {  	[spmem:s2] =	stream.indirect.scatter.add.f32 [tilespmem:s18], [sflag:$0x2], $0x40, s19, s16, $0xb8;
	[tilespmem:$0x19000] =	vst v63  }
0x46: {  	s1 =	simm.s32 $0x200;
	s0 =	sand.u32 $0x18000, s21;
	_ =	swait.ge [sflag:s26], $0x2000  }
0x47: {  	s0 =	sshrl.u32 s0, $0x2;
	s19 =	simm.s32 $0x10000;
	[sflag:s26] =	ssyncset.done $0x0  }
0x48: {  	s0 =	sadd.s32 $0x5000, s0;
	s25 =	sand.u32 $0x18000, s19;
	[sflag:s26] =	ssyncadd.s32 $0xFFFFE000  }
0x49: {  	[tilespmem:s0], [sflag:$0x1] =	stream.indirect.gather [hbm4b:s4+s16], $0x40, s1, s16, $0xb8;
	[tilespmem:$0x19000] =	vst v63  }
0x4a: {  	s31 =	simm.s32 $0x2900;
	s19 =	sshrl.u32 s25, $0x2;
	_ =	swait.ge [sflag:s24], $0x2000  }
0x4b: {  	s21 =	sadd.s32 $0x5000, s19;
	s19 =	simm.s32 $0x2980;
	[sflag:s24] =	ssyncset.done $0x0  }
0x4c: {  	s1 =	simm.s32 $0x28000;
	s0 =	simm.s32 $0x280;
	[sflag:s24] =	ssyncadd.s32 $0xFFFFE000  }
.LBB2_4:
0x4d: {  	[spmem:s2] =	stream.indirect.scatter.add.f32 [tilespmem:s21], [sflag:$0x2], $0x40, s31, s16, $0xb8;
	[tilespmem:$0x19000] =	vst v63  }
0x4e: {  	s31 =	smov.u32 s19  }
0x4f: {  	s21 =	sand.u32 $0x18000, s1;
	p0 =	sne.s32 s1, $0x278000;
	_ =	swait.ge [sflag:s26], $0x2000  }
0x50: {  	s25 =	sadd.s32 $0xFFFF0000, s1;
	s21 =	sshrl.u32 s21, $0x2;
	[sflag:s26] =	ssyncset.done $0x0  }
.Ltmp1:
0x51: {  	s21 =	sadd.s32 $0x5000, s21;
	[sflag:s26] =	ssyncadd.s32 $0xFFFFE000;
	(pc) =	sbr.rel @p0 .LBB2_4-.Ltmp1, $4  }
0x52: {  	[tilespmem:s21], [sflag:$0x1] =	stream.indirect.gather [hbm4b:s4+s16], $0x40, s0, s16, $0xb8;
	[tilespmem:$0x19000] =	vst v63  }
0x53: {  	s1 =	sadd.s32 $0x8000, s1;
	s21 =	sand.u32 $0x18000, s25;
	_ =	swait.ge [sflag:s24], $0x2000  }
0x54: {  	s0 =	sadd.s32 $0x80, s0;
	s21 =	sshrl.u32 s21, $0x2;
	[sflag:s24] =	ssyncset.done $0x0  }
0x55: {  	s19 =	sadd.s32 $0x80, s19;
	s21 =	sadd.s32 $0x5000, s21;
	[sflag:s24] =	ssyncadd.s32 $0xFFFFE000  }
0x56: {  	[spmem:s2] =	stream.indirect.scatter.add.f32 [tilespmem:s21], [sflag:$0x2], $0x40, s31, s16, $0xb8;
	[tilespmem:$0x19000] =	vst v63  }
0x57: {  	_ =	swait.ge [sflag:s26], $0x2000  }
0x58: {  	[sflag:s26] =	ssyncset.done $0x0  }
0x59: {  	[sflag:s26] =	ssyncadd.s32 $0xFFFFE000  }
0x5a: {  	_ =	swait.ge [sflag:s24], $0x2000  }
0x5b: {  	[sflag:s24] =	ssyncset.done $0x0  }
0x5c: {  	[sflag:s24] =	ssyncadd.s32 $0xFFFFE000  }
0x5d: {  	[spmem:s2] =	stream.indirect.scatter.add.f32 [tilespmem:s20], [sflag:$0x2], $0x40, s28, s16, $0xb8;
	[tilespmem:$0x19000] =	vst v63  }
0x5e: {  	_ =	swait.ge [sflag:s26], $0x2000  }
0x5f: {  	[sflag:s26] =	ssyncset.done $0x0  }
0x60: {  	[sflag:s26] =	ssyncadd.s32 $0xFFFFE000  }
0x61: {  	_ =	swait.ge [sflag:s24], $0x2000  }
0x62: {  	[sflag:s24] =	ssyncset.done $0x0  }
0x63: {  	[sflag:s24] =	ssyncadd.s32 $0xFFFFE000  }
0x64: {  	[spmem:s2] =	stream.indirect.scatter.add.f32 [tilespmem:s22], [sflag:$0x2], $0x40, s29, s16, $0xb8;
	[tilespmem:$0x19000] =	vst v63  }
0x65: {  	_ =	swait.ge [sflag:s26], $0x2000  }
0x66: {  	[sflag:s26] =	ssyncset.done $0x0  }
0x67: {  	[sflag:s26] =	ssyncadd.s32 $0xFFFFE000  }
0x68: {  	s0 =	stileid.u32;
	_ =	swait.ge [sflag:s26], $0x2000  }
0x69: {  	s1 =	sshrl.u32 s7, $0x3;
	s30 =	sadd.s32 $0x1, s30;
	[sflag:s26] =	ssyncset.done $0x0  }
0x6a: {  	s0 =	sshll.u32 s0, $0x6;
	p0 =	sne.s32 s30, s13;
	[sflag:s26] =	ssyncadd.s32 $0xFFFFE000  }
.Ltmp2:
0x6b: {  	s0 =	sor.u32 $0x1C03, s0;
	[bflag:$0x0] =	sbarrier.arrive $0xFFFF;
	(pc) =	sbr.rel @p0 .LBB2_1-.Ltmp2, $4  }
0x6c: {  	[hbm:s12], [sflag:s0] =	dma.local [spmem:s1], $0x1400  }
0x6d: {  	_ =	swait.ge [sflag:s14], $0x1400  }
0x6e: {  	[sflag:s14] =	ssyncset.done $0x0  }
0x6f: {  	[sflag:s14] =	ssyncadd.s32 $0xFFFFEC00  }
0x70: {  	_ =	sfence.sel $0x180000  }
0x71: {  	[bflag:$0x0] =	sbarrier.arrive $0xFFFF  }
0x72: {  	_ =	strace $0x9000004A  }
0x73: {  	s0 =	stileid.u32;
	[bflag:$0x2] =	sbarrier.arrive $0xFFFF  }
0x74: {  	p0 =	sne.s32 s0, $0x0;
	s0 =	rddreg [dreg:$0x2]  }
0x75: {  	s0 =	sadd.s32 @!p0 $0x100000, s0  }
0x76: {  	[sflag:s0] =	ssyncadd.tile.s32 @!p0 $0x1;
	_ =	shalt  }
.Lfunc_end2:
_tile_overlayer_lowered:
.L_overlay_start_2:
0x77: {  	(tag) =	ssettag $0x2  }
0x78: {  	s0 =	rddreg [dreg:$0x0];
	s2 =	stileid.u32  }
0x79: {  	s1 =	rddreg [dreg:$0x1];
	p0 =	sne.s32 s2, $0x0  }
0x7a: {  	s3 =	rddreg [dreg:$0x2];
	[bflag:$0x3] =	sbarrier.arrive $0xFFFF;
	s2 =	simm.s32 @!p0 $0x1C03  }
0x7b: {  	[timem:s3], [sflag:s2] =	dma.local @!p0 [hbm:s0], s1  }
0x7c: {  	s0 =	simm.s32 @!p0 $0x3  }
0x7d: {  	_ =	swait.ge @!p0 [sflag:s0], s1  }
0x7e: {  	s1 =	ssub.s32 @!p0 $0x0, s1;
	[sflag:s0] =	ssyncset.done @!p0 $0x0  }
0x7f: {  	[sflag:s0] =	ssyncadd.s32 @!p0 s1  }
0x80: {  	[bflag:$0x3] =	sbarrier.arrive $0xFFFF  }
0x81: {  	_ =	shalt  }

</sc_bundles>
